<compile_context>
chip_gen: v7x
topology: tpu7x:2x2x1
jax: 0.10.2.dev20260603
libtpu: 0.0.44.dev20260713+nightly
codegen_flags: <defaults>
</compile_context>

<pallas_src>
import functools

import jax
import jax.numpy as jnp
from jax import lax
from jax.experimental import pallas as pl
from jax.experimental.pallas import tpu as pltpu
from jax.experimental.pallas import tpu_sc as plsc

N = 10000
E = 320000
D = 128
NC = 2
NS = 16
NW = NC * NS
CH = 128
NCH = 80
EPW = NCH * CH
E2 = NW * EPW
GRP = 8
NGRP = NCH // GRP
NP = 10240
RPT = NP // NS


@functools.cache
def _mesh():
    return plsc.VectorSubcoreMesh(core_axis_name="c", subcore_axis_name="s")


def _deg_sc(col3d, zeros1, ones1):

    WIN = 8

    @functools.partial(
        pl.kernel, mesh=_mesh(),
        out_type=jax.ShapeDtypeStruct((NC * NP,), jnp.float32),
        scratch_types=[
            pltpu.VMEM((NCH, CH), jnp.int32),
            pltpu.VMEM((CH,), jnp.float32),
            pltpu.VMEM_SHARED((NP,), jnp.float32),
            pltpu.SemaphoreType.DMA,
        ])
    def k(col_hbm, z_hbm, ones_hbm, out_hbm, cidx, ones_v, acc, sem):
        c = lax.axis_index("c")
        s = lax.axis_index("s")
        w = c * NS + s
        zoff = pl.multiple_of(s * RPT, 8)
        pltpu.sync_copy(z_hbm.at[pl.ds(zoff, RPT)], acc.at[pl.ds(zoff, RPT)])
        pltpu.sync_copy(ones_hbm, ones_v)
        pltpu.sync_copy(col_hbm.at[w], cidx)
        plsc.subcore_barrier()

        for i in range(WIN):
            pltpu.async_copy(ones_v, acc.at[cidx.at[i]], sem, add=True)

        @pl.loop(0, NCH - WIN)
        def _(i):
            pltpu.make_async_copy(ones_v, acc.at[cidx.at[i]], sem).wait()
            pltpu.async_copy(ones_v, acc.at[cidx.at[i + WIN]], sem, add=True)

        for i in range(NCH - WIN, NCH):
            pltpu.make_async_copy(ones_v, acc.at[cidx.at[i]], sem).wait()

        plsc.subcore_barrier()
        doff = pl.multiple_of(c * NP + s * RPT, 8)
        pltpu.sync_copy(acc.at[pl.ds(zoff, RPT)], out_hbm.at[pl.ds(doff, RPT)])

    return k(col3d, zeros1, ones1)


def _scatter_sc(h, row3d, col4d, zerosD):

    @functools.partial(
        pl.kernel, mesh=_mesh(),
        out_type=jax.ShapeDtypeStruct((NC * NP, D), jnp.float32),
        scratch_types=[
            pltpu.VMEM((NCH, CH), jnp.int32),
            pltpu.VMEM((GRP, CH), jnp.int32),
            pltpu.VMEM((GRP, CH), jnp.int32),
            pltpu.VMEM((CH, D), jnp.float32),
            pltpu.VMEM((CH, D), jnp.float32),
            pltpu.VMEM_SHARED((NP, D), jnp.float32),
            pltpu.SemaphoreType.DMA,
            pltpu.SemaphoreType.DMA,
            pltpu.SemaphoreType.DMA,
            pltpu.SemaphoreType.DMA,
        ])
    def k(h_hbm, row_hbm, col_hbm, z_hbm, out_hbm, ridx, ca, cb,
          rows_a, rows_b, acc, sem_a, sem_b, sem_ca, sem_cb):
        c = lax.axis_index("c")
        s = lax.axis_index("s")
        w = c * NS + s
        zoff = pl.multiple_of(s * RPT, 8)
        pltpu.sync_copy(z_hbm.at[pl.ds(zoff, RPT)], acc.at[pl.ds(zoff, RPT)])
        pltpu.sync_copy(row_hbm.at[w], ridx)
        plsc.subcore_barrier()

        bufs = (rows_a, rows_b)
        sems = (sem_a, sem_b)
        cbufs = (ca, cb)
        csems = (sem_ca, sem_cb)

        def gat(i, p):
            pltpu.async_copy(h_hbm.at[ridx.at[i]], bufs[p], sems[p])

        def gwait(i, p):
            pltpu.make_async_copy(h_hbm.at[ridx.at[i]], bufs[p],
                                  sems[p]).wait()

        def cload(g, q):
            pltpu.async_copy(col_hbm.at[w, g], cbufs[q], csems[q])

        def cwait(g, q):
            pltpu.make_async_copy(col_hbm.at[w, g], cbufs[q], csems[q]).wait()

        cload(0, 0)
        cload(1, 1)
        gat(0, 0)

        @pl.loop(0, NGRP, step=2)
        def _(g):
            i0 = g * GRP
            cwait(g, 0)
            for j in range(GRP):
                i = i0 + j
                p = j % 2
                gat(i + 1, 1 - p)
                gwait(i, p)
                pltpu.sync_copy(bufs[p], acc.at[ca.at[j]], add=True)

            @pl.when(g + 2 < NGRP)
            def _():
                cload(g + 2, 0)

            cwait(g + 1, 1)
            for j in range(GRP):
                i = i0 + GRP + j
                p = j % 2
                gat((i + 1) % NCH, 1 - p)
                gwait(i, p)
                pltpu.sync_copy(bufs[p], acc.at[cb.at[j]], add=True)

            @pl.when(g + 3 < NGRP)
            def _():
                cload(g + 3, 1)

        gwait(0, 0)

        plsc.subcore_barrier()
        doff = pl.multiple_of(c * NP + s * RPT, 8)
        pltpu.sync_copy(acc.at[pl.ds(zoff, RPT)], out_hbm.at[pl.ds(doff, RPT)])

    return k(h, row3d, col4d, zerosD)


def _g_tc(deg2):

    def body(d_ref, o_ref):
        dsum = d_ref[0, :] + d_ref[1, :]
        g = jnp.where(dsum > 0, lax.rsqrt(dsum), 0.0)
        o_ref[...] = g[:, None]

    return pl.pallas_call(
        body,
        grid=(1,),
        in_specs=[pl.BlockSpec((NC, NP), lambda i: (0, 0))],
        out_specs=pl.BlockSpec((NP, 1), lambda i: (0, 0)),
        out_shape=jax.ShapeDtypeStruct((NP, 1), jnp.float32),
    )(deg2)


def _mm_scale_tc(x, W, gb):
    BLK = 1000

    def body(x_ref, w_ref, g_ref, o_ref):
        h = lax.dot_general(x_ref[...], w_ref[...], (((1,), (1,)), ((), ())),
                            preferred_element_type=jnp.float32)
        o_ref[...] = h * g_ref[...]

    return pl.pallas_call(
        body,
        grid=(N // BLK,),
        in_specs=[
            pl.BlockSpec((BLK, D), lambda i: (i, 0)),
            pl.BlockSpec((D, D), lambda i: (0, 0)),
            pl.BlockSpec((BLK, 1), lambda i: (i, 0)),
        ],
        out_specs=pl.BlockSpec((BLK, D), lambda i: (i, 0)),
        out_shape=jax.ShapeDtypeStruct((N, D), jnp.float32),
    )(x, W, gb)


def _bn_mm_tc(spair, gb, b0r, W1):

    def body(sp_ref, g_ref, b_ref, w_ref, o_ref):
        h = (sp_ref[0] + sp_ref[1]) * g_ref[...] + b_ref[...]
        m = jnp.mean(h, axis=0)
        hc = h - m
        v = jnp.mean(hc * hc, axis=0)
        hbn = jnp.maximum(hc * lax.rsqrt(v + 1e-5), 0.0)
        o_ref[...] = lax.dot_general(
            hbn, w_ref[...], (((1,), (1,)), ((), ())),
            preferred_element_type=jnp.float32) * g_ref[...]

    return pl.pallas_call(
        body,
        grid=(1,),
        in_specs=[
            pl.BlockSpec((NC, N, D), lambda i: (0, 0, 0)),
            pl.BlockSpec((N, 1), lambda i: (0, 0)),
            pl.BlockSpec((1, D), lambda i: (0, 0)),
            pl.BlockSpec((D, D), lambda i: (0, 0)),
        ],
        out_specs=pl.BlockSpec((N, D), lambda i: (0, 0)),
        out_shape=jax.ShapeDtypeStruct((N, D), jnp.float32),
    )(spair, gb, b0r, W1)


def _final_tc(tpair, gb, b1r):
    BLK = 1000

    def body(tp_ref, g_ref, b_ref, o_ref):
        o_ref[...] = (tp_ref[0] + tp_ref[1]) * g_ref[...] + b_ref[...]

    return pl.pallas_call(
        body,
        grid=(N // BLK,),
        in_specs=[
            pl.BlockSpec((2, BLK, D), lambda i: (0, i, 0)),
            pl.BlockSpec((BLK, 1), lambda i: (i, 0)),
            pl.BlockSpec((1, D), lambda i: (0, 0)),
        ],
        out_specs=pl.BlockSpec((BLK, D), lambda i: (i, 0)),
        out_shape=jax.ShapeDtypeStruct((N, D), jnp.float32),
    )(tpair, gb, b1r)


def kernel(x, edge_index, W0, b0, W1, b1):
    ei = edge_index.astype(jnp.int32)
    npad = E2 - E
    row_pad = jnp.concatenate(
        [ei[0], (jnp.arange(npad, dtype=jnp.int32) * 131) % N])
    col_pad = jnp.concatenate(
        [ei[1], N + (jnp.arange(npad, dtype=jnp.int32) % (NP - N))])
    row3d = row_pad.reshape(NW, NCH, CH)
    col3d = col_pad.reshape(NW, NCH, CH)
    col4d = col_pad.reshape(NW, NGRP, GRP, CH)
    zerosD = jnp.zeros((NP, D), jnp.float32)
    zeros1 = jnp.zeros((NP,), jnp.float32)
    ones1 = jnp.ones((CH,), jnp.float32)
    b0r = b0.reshape(1, D)
    b1r = b1.reshape(1, D)

    deg2 = _deg_sc(col3d, zeros1, ones1).reshape(NC, NP)
    gb = _g_tc(deg2)
    hs = _mm_scale_tc(x, W0, gb)
    spair = _scatter_sc(hs, row3d, col4d, zerosD).reshape(NC, NP, D)
    hs2 = _bn_mm_tc(spair, gb, b0r, W1)
    tpair = _scatter_sc(hs2, row3d, col4d, zerosD).reshape(NC, NP, D)
    return _final_tc(tpair, gb, b1r)

# --- scband reference (transcript-rebuilt; emitter-appended) ---
"""Pipeline reference for scband-pmlp-gcn-80083960201233 (READ-ONLY COPY).

The authoritative reference and input builder live on the scoring server;
editing this copy changes nothing except your own understanding.
"""

import jax, jax.numpy as jnp
import numpy as np

N_NODES = 10000
N_EDGES = 320000
D_IN = 128
HIDDEN = 128


def setup_inputs(seed=0) -> dict:
    key = jax.random.key(seed)
    k1, k2, k3, k4 = jax.random.split(key, 4)
    x = jax.random.normal(k1, (N_NODES, D_IN), dtype=jnp.float32)
    edge_index = jax.random.randint(k2, (2, N_EDGES), 0, N_NODES, dtype=jnp.int64)
    # Xavier-uniform initialized linear layers (weight shape [out, in], bias zeros)
    limit0 = float(np.sqrt(6.0 / (D_IN + HIDDEN)))
    W0 = jax.random.uniform(k3, (HIDDEN, D_IN), dtype=jnp.float32, minval=-limit0, maxval=limit0)
    b0 = jnp.zeros((HIDDEN,), dtype=jnp.float32)
    limit1 = float(np.sqrt(6.0 / (HIDDEN + HIDDEN)))
    W1 = jax.random.uniform(k4, (HIDDEN, HIDDEN), dtype=jnp.float32, minval=-limit1, maxval=limit1)
    b1 = jnp.zeros((HIDDEN,), dtype=jnp.float32)
    return {"x": x, "edge_index": edge_index, "W0": W0, "b0": b0, "W1": W1, "b1": b1}


def _gcn_conv(h, edge_index):
    # symmetric-normalized GCN propagation: out[dst] += h[src] / sqrt(deg(src)*deg(dst))
    N = h.shape[0]
    row = edge_index[0]
    col = edge_index[1]
    deg = jax.ops.segment_sum(jnp.ones((edge_index.shape[1],), dtype=h.dtype), col, num_segments=N)
    d_inv_sqrt = jnp.where(deg > 0, 1.0 / jnp.sqrt(deg), 0.0)
    val = d_inv_sqrt[row] * d_inv_sqrt[col]
    msg = h[row] * val[:, None]
    return jax.ops.segment_sum(msg, col, num_segments=N)


def _batchnorm(h, eps=1e-5):
    # BatchNorm1d(affine=False, track_running_stats=False): always batch stats, biased var
    m = jnp.mean(h, axis=0)
    v = jnp.var(h, axis=0)
    return (h - m) / jnp.sqrt(v + eps)


def reference(x, edge_index, W0, b0, W1, b1):
    h = x @ W0.T
    h = _gcn_conv(h, edge_index)
    h = h + b0
    h = jax.nn.relu(_batchnorm(h))
    h = h @ W1.T
    h = _gcn_conv(h, edge_index)
    h = h + b1
    return h

if __name__ == "__main__":
    import jax
    _d = setup_inputs()
    print(jax.jit(kernel)(*tuple(_d.values())))

</pallas_src>

<mosaic_0001>
#map = affine_map<(d0, d1) -> (0, 0, 0)>
#map1 = affine_map<(d0, d1) -> (0)>
module attributes {stable_mosaic.version = 14 : i64} {
  func.func @k(%arg0: i32, %arg1: i32, %arg2: memref<32x80x128xi32, #tpu.memory_space<hbm>>, %arg3: memref<10240xf32, #tpu.memory_space<hbm>>, %arg4: memref<128xf32, #tpu.memory_space<hbm>>, %arg5: memref<20480xf32, #tpu.memory_space<hbm>>, %arg6: memref<80x128xi32, #tpu.memory_space<vmem>>, %arg7: memref<128xf32, #tpu.memory_space<vmem>>, %arg8: memref<10240xf32, #tpu.memory_space<vmem_shared>>, %arg9: memref<!tpu.dma_semaphore, #tpu.memory_space<semaphore_mem>>) attributes {dimension_semantics = [#tpu.dimension_semantics<core_parallel>, #tpu.dimension_semantics<subcore_parallel>], iteration_bounds = array<i64: 2, 16>, scalar_prefetch = 0 : i64, scratch_operands = 4 : i64, tpu.core_type = #tpu.core_type<sc_vector_subcore>, window_params = [{transform_indices = #map}, {transform_indices = #map1}, {transform_indices = #map1}, {transform_indices = #map1}]} {
    %mul3A = arith.constant 16 : i32
    %mul3A_0 = arith.muli %arg0, %mul3A : i32
    %add3A = arith.addi %mul3A_0, %arg1 : i32
    %mul3A_1 = arith.constant 640 : i32
    %mul3A_2 = arith.muli %arg1, %mul3A_1 : i32
    %multiple_of3A = tpu.assume_multiple %mul3A_2, 8 : i32
    "tpu.region"() ({
      %run_scoped3A = tpu.sem_alloc : memref<!tpu.dma_semaphore, #tpu.memory_space<semaphore_mem>>
      %dma_start3A_108 = tpu.memref_slice %arg8[%multiple_of3A] : memref<10240xf32, #tpu.memory_space<vmem_shared>> -> memref<640xf32, #tpu.memory_space<vmem_shared>>
      %dma_start3A_109 = tpu.memref_slice %arg3[%multiple_of3A] : memref<10240xf32, #tpu.memory_space<hbm>> -> memref<640xf32, #tpu.memory_space<hbm>>
      tpu.enqueue_dma source(%dma_start3A_109 : memref<640xf32, #tpu.memory_space<hbm>>) target(%dma_start3A_108 : memref<640xf32, #tpu.memory_space<vmem_shared>>) target_semaphore(%run_scoped3A : memref<!tpu.dma_semaphore, #tpu.memory_space<semaphore_mem>>)
      %dma_wait3A_110 = tpu.memref_slice %arg8[%multiple_of3A] : memref<10240xf32, #tpu.memory_space<vmem_shared>> -> memref<640xf32, #tpu.memory_space<vmem_shared>>
      %dma_wait3A_111 = tpu.memref_slice %arg3[%multiple_of3A] : memref<10240xf32, #tpu.memory_space<hbm>> -> memref<640xf32, #tpu.memory_space<hbm>>
      tpu.wait_dma2 semaphore(%run_scoped3A : memref<!tpu.dma_semaphore, #tpu.memory_space<semaphore_mem>>) src(%dma_wait3A_111 : memref<640xf32, #tpu.memory_space<hbm>>) dst(%dma_wait3A_110 : memref<640xf32, #tpu.memory_space<vmem_shared>>)
      tpu.yield
    }) : () -> ()
    "tpu.region"() ({
      %run_scoped3A = tpu.sem_alloc : memref<!tpu.dma_semaphore, #tpu.memory_space<semaphore_mem>>
      tpu.enqueue_dma source(%arg4 : memref<128xf32, #tpu.memory_space<hbm>>) target(%arg7 : memref<128xf32, #tpu.memory_space<vmem>>) target_semaphore(%run_scoped3A : memref<!tpu.dma_semaphore, #tpu.memory_space<semaphore_mem>>)
      tpu.wait_dma2 semaphore(%run_scoped3A : memref<!tpu.dma_semaphore, #tpu.memory_space<semaphore_mem>>) src(%arg4 : memref<128xf32, #tpu.memory_space<hbm>>) dst(%arg7 : memref<128xf32, #tpu.memory_space<vmem>>)
      tpu.yield
    }) : () -> ()
    "tpu.region"() ({
      %run_scoped3A = tpu.sem_alloc : memref<!tpu.dma_semaphore, #tpu.memory_space<semaphore_mem>>
      %dma_start3A_108 = arith.constant 0 : i32
      %dma_start3A_109 = arith.constant 0 : i32
      %dma_start3A_110 = tpu.memref_slice %arg2[%add3A, %dma_start3A_108, %dma_start3A_109] : memref<32x80x128xi32, #tpu.memory_space<hbm>> -> memref<1x80x128xi32, #tpu.memory_space<hbm>>
      %dma_start3A_111 = tpu.memref_squeeze %dma_start3A_110 : memref<1x80x128xi32, #tpu.memory_space<hbm>> -> memref<80x128xi32, #tpu.memory_space<hbm>>
      %dma_start3A_112 = arith.constant 0 : i32
      %dma_start3A_113 = arith.constant 0 : i32
      %dma_start3A_114 = tpu.memref_slice %arg2[%add3A, %dma_start3A_112, %dma_start3A_113] : memref<32x80x128xi32, #tpu.memory_space<hbm>> -> memref<1x80x128xi32, #tpu.memory_space<hbm>>
      %dma_start3A_115 = tpu.memref_squeeze %dma_start3A_114 : memref<1x80x128xi32, #tpu.memory_space<hbm>> -> memref<80x128xi32, #tpu.memory_space<hbm>>
      tpu.enqueue_dma source(%dma_start3A_115 : memref<80x128xi32, #tpu.memory_space<hbm>>) target(%arg6 : memref<80x128xi32, #tpu.memory_space<vmem>>) target_semaphore(%run_scoped3A : memref<!tpu.dma_semaphore, #tpu.memory_space<semaphore_mem>>)
      %dma_wait3A_116 = arith.constant 0 : i32
      %dma_wait3A_117 = arith.constant 0 : i32
      %dma_wait3A_118 = tpu.memref_slice %arg2[%add3A, %dma_wait3A_116, %dma_wait3A_117] : memref<32x80x128xi32, #tpu.memory_space<hbm>> -> memref<1x80x128xi32, #tpu.memory_space<hbm>>
      %dma_wait3A_119 = tpu.memref_squeeze %dma_wait3A_118 : memref<1x80x128xi32, #tpu.memory_space<hbm>> -> memref<80x128xi32, #tpu.memory_space<hbm>>
      %dma_wait3A_120 = arith.constant 0 : i32
      %dma_wait3A_121 = arith.constant 0 : i32
      %dma_wait3A_122 = tpu.memref_slice %arg2[%add3A, %dma_wait3A_120, %dma_wait3A_121] : memref<32x80x128xi32, #tpu.memory_space<hbm>> -> memref<1x80x128xi32, #tpu.memory_space<hbm>>
      %dma_wait3A_123 = tpu.memref_squeeze %dma_wait3A_122 : memref<1x80x128xi32, #tpu.memory_space<hbm>> -> memref<80x128xi32, #tpu.memory_space<hbm>>
      tpu.wait_dma2 semaphore(%run_scoped3A : memref<!tpu.dma_semaphore, #tpu.memory_space<semaphore_mem>>) src(%dma_wait3A_123 : memref<80x128xi32, #tpu.memory_space<hbm>>) dst(%arg6 : memref<80x128xi32, #tpu.memory_space<vmem>>)
      tpu.yield
    }) : () -> ()
    %barrier3A = arith.constant 0 : index
    tpu.barrier barrier_id(%barrier3A)
    %dma_start3A = arith.constant 0 : i32
    %dma_start3A_3 = arith.constant 0 : i32
    %dma_start3A_4 = tpu.memref_slice %arg6[%dma_start3A, %dma_start3A_3] : memref<80x128xi32, #tpu.memory_space<vmem>> -> memref<1x128xi32, #tpu.memory_space<vmem>>
    %dma_start3A_5 = tpu.memref_squeeze %dma_start3A_4 : memref<1x128xi32, #tpu.memory_space<vmem>> -> memref<128xi32, #tpu.memory_space<vmem>>
    %dma_start3A_6 = arith.constant 0 : i32
    %dma_start3A_7 = tpu.memref_slice %arg8[%dma_start3A_6] : memref<10240xf32, #tpu.memory_space<vmem_shared>> -> memref<10240xf32, #tpu.memory_space<vmem_shared>>
    tpu.enqueue_indirect_dma source(%arg7 : memref<128xf32, #tpu.memory_space<vmem>>) target(%dma_start3A_7 : memref<10240xf32, #tpu.memory_space<vmem_shared>>) offsets(%dma_start3A_5 : memref<128xi32, #tpu.memory_space<vmem>>) semaphore(%arg9 : memref<!tpu.dma_semaphore, #tpu.memory_space<semaphore_mem>>) {add = true}
    %dma_start3A_8 = arith.constant 1 : i32
    %dma_start3A_9 = arith.constant 0 : i32
    %dma_start3A_10 = tpu.memref_slice %arg6[%dma_start3A_8, %dma_start3A_9] : memref<80x128xi32, #tpu.memory_space<vmem>> -> memref<1x128xi32, #tpu.memory_space<vmem>>
    %dma_start3A_11 = tpu.memref_squeeze %dma_start3A_10 : memref<1x128xi32, #tpu.memory_space<vmem>> -> memref<128xi32, #tpu.memory_space<vmem>>
    %dma_start3A_12 = arith.constant 0 : i32
    %dma_start3A_13 = tpu.memref_slice %arg8[%dma_start3A_12] : memref<10240xf32, #tpu.memory_space<vmem_shared>> -> memref<10240xf32, #tpu.memory_space<vmem_shared>>
    tpu.enqueue_indirect_dma source(%arg7 : memref<128xf32, #tpu.memory_space<vmem>>) target(%dma_start3A_13 : memref<10240xf32, #tpu.memory_space<vmem_shared>>) offsets(%dma_start3A_11 : memref<128xi32, #tpu.memory_space<vmem>>) semaphore(%arg9 : memref<!tpu.dma_semaphore, #tpu.memory_space<semaphore_mem>>) {add = true}
    %dma_start3A_14 = arith.constant 2 : i32
    %dma_start3A_15 = arith.constant 0 : i32
    %dma_start3A_16 = tpu.memref_slice %arg6[%dma_start3A_14, %dma_start3A_15] : memref<80x128xi32, #tpu.memory_space<vmem>> -> memref<1x128xi32, #tpu.memory_space<vmem>>
    %dma_start3A_17 = tpu.memref_squeeze %dma_start3A_16 : memref<1x128xi32, #tpu.memory_space<vmem>> -> memref<128xi32, #tpu.memory_space<vmem>>
    %dma_start3A_18 = arith.constant 0 : i32
    %dma_start3A_19 = tpu.memref_slice %arg8[%dma_start3A_18] : memref<10240xf32, #tpu.memory_space<vmem_shared>> -> memref<10240xf32, #tpu.memory_space<vmem_shared>>
    tpu.enqueue_indirect_dma source(%arg7 : memref<128xf32, #tpu.memory_space<vmem>>) target(%dma_start3A_19 : memref<10240xf32, #tpu.memory_space<vmem_shared>>) offsets(%dma_start3A_17 : memref<128xi32, #tpu.memory_space<vmem>>) semaphore(%arg9 : memref<!tpu.dma_semaphore, #tpu.memory_space<semaphore_mem>>) {add = true}
    %dma_start3A_20 = arith.constant 3 : i32
    %dma_start3A_21 = arith.constant 0 : i32
    %dma_start3A_22 = tpu.memref_slice %arg6[%dma_start3A_20, %dma_start3A_21] : memref<80x128xi32, #tpu.memory_space<vmem>> -> memref<1x128xi32, #tpu.memory_space<vmem>>
    %dma_start3A_23 = tpu.memref_squeeze %dma_start3A_22 : memref<1x128xi32, #tpu.memory_space<vmem>> -> memref<128xi32, #tpu.memory_space<vmem>>
    %dma_start3A_24 = arith.constant 0 : i32
    %dma_start3A_25 = tpu.memref_slice %arg8[%dma_start3A_24] : memref<10240xf32, #tpu.memory_space<vmem_shared>> -> memref<10240xf32, #tpu.memory_space<vmem_shared>>
    tpu.enqueue_indirect_dma source(%arg7 : memref<128xf32, #tpu.memory_space<vmem>>) target(%dma_start3A_25 : memref<10240xf32, #tpu.memory_space<vmem_shared>>) offsets(%dma_start3A_23 : memref<128xi32, #tpu.memory_space<vmem>>) semaphore(%arg9 : memref<!tpu.dma_semaphore, #tpu.memory_space<semaphore_mem>>) {add = true}
    %dma_start3A_26 = arith.constant 4 : i32
    %dma_start3A_27 = arith.constant 0 : i32
    %dma_start3A_28 = tpu.memref_slice %arg6[%dma_start3A_26, %dma_start3A_27] : memref<80x128xi32, #tpu.memory_space<vmem>> -> memref<1x128xi32, #tpu.memory_space<vmem>>
    %dma_start3A_29 = tpu.memref_squeeze %dma_start3A_28 : memref<1x128xi32, #tpu.memory_space<vmem>> -> memref<128xi32, #tpu.memory_space<vmem>>
    %dma_start3A_30 = arith.constant 0 : i32
    %dma_start3A_31 = tpu.memref_slice %arg8[%dma_start3A_30] : memref<10240xf32, #tpu.memory_space<vmem_shared>> -> memref<10240xf32, #tpu.memory_space<vmem_shared>>
    tpu.enqueue_indirect_dma source(%arg7 : memref<128xf32, #tpu.memory_space<vmem>>) target(%dma_start3A_31 : memref<10240xf32, #tpu.memory_space<vmem_shared>>) offsets(%dma_start3A_29 : memref<128xi32, #tpu.memory_space<vmem>>) semaphore(%arg9 : memref<!tpu.dma_semaphore, #tpu.memory_space<semaphore_mem>>) {add = true}
    %dma_start3A_32 = arith.constant 5 : i32
    %dma_start3A_33 = arith.constant 0 : i32
    %dma_start3A_34 = tpu.memref_slice %arg6[%dma_start3A_32, %dma_start3A_33] : memref<80x128xi32, #tpu.memory_space<vmem>> -> memref<1x128xi32, #tpu.memory_space<vmem>>
    %dma_start3A_35 = tpu.memref_squeeze %dma_start3A_34 : memref<1x128xi32, #tpu.memory_space<vmem>> -> memref<128xi32, #tpu.memory_space<vmem>>
    %dma_start3A_36 = arith.constant 0 : i32
    %dma_start3A_37 = tpu.memref_slice %arg8[%dma_start3A_36] : memref<10240xf32, #tpu.memory_space<vmem_shared>> -> memref<10240xf32, #tpu.memory_space<vmem_shared>>
    tpu.enqueue_indirect_dma source(%arg7 : memref<128xf32, #tpu.memory_space<vmem>>) target(%dma_start3A_37 : memref<10240xf32, #tpu.memory_space<vmem_shared>>) offsets(%dma_start3A_35 : memref<128xi32, #tpu.memory_space<vmem>>) semaphore(%arg9 : memref<!tpu.dma_semaphore, #tpu.memory_space<semaphore_mem>>) {add = true}
    %dma_start3A_38 = arith.constant 6 : i32
    %dma_start3A_39 = arith.constant 0 : i32
    %dma_start3A_40 = tpu.memref_slice %arg6[%dma_start3A_38, %dma_start3A_39] : memref<80x128xi32, #tpu.memory_space<vmem>> -> memref<1x128xi32, #tpu.memory_space<vmem>>
    %dma_start3A_41 = tpu.memref_squeeze %dma_start3A_40 : memref<1x128xi32, #tpu.memory_space<vmem>> -> memref<128xi32, #tpu.memory_space<vmem>>
    %dma_start3A_42 = arith.constant 0 : i32
    %dma_start3A_43 = tpu.memref_slice %arg8[%dma_start3A_42] : memref<10240xf32, #tpu.memory_space<vmem_shared>> -> memref<10240xf32, #tpu.memory_space<vmem_shared>>
    tpu.enqueue_indirect_dma source(%arg7 : memref<128xf32, #tpu.memory_space<vmem>>) target(%dma_start3A_43 : memref<10240xf32, #tpu.memory_space<vmem_shared>>) offsets(%dma_start3A_41 : memref<128xi32, #tpu.memory_space<vmem>>) semaphore(%arg9 : memref<!tpu.dma_semaphore, #tpu.memory_space<semaphore_mem>>) {add = true}
    %dma_start3A_44 = arith.constant 7 : i32
    %dma_start3A_45 = arith.constant 0 : i32
    %dma_start3A_46 = tpu.memref_slice %arg6[%dma_start3A_44, %dma_start3A_45] : memref<80x128xi32, #tpu.memory_space<vmem>> -> memref<1x128xi32, #tpu.memory_space<vmem>>
    %dma_start3A_47 = tpu.memref_squeeze %dma_start3A_46 : memref<1x128xi32, #tpu.memory_space<vmem>> -> memref<128xi32, #tpu.memory_space<vmem>>
    %dma_start3A_48 = arith.constant 0 : i32
    %dma_start3A_49 = tpu.memref_slice %arg8[%dma_start3A_48] : memref<10240xf32, #tpu.memory_space<vmem_shared>> -> memref<10240xf32, #tpu.memory_space<vmem_shared>>
    tpu.enqueue_indirect_dma source(%arg7 : memref<128xf32, #tpu.memory_space<vmem>>) target(%dma_start3A_49 : memref<10240xf32, #tpu.memory_space<vmem_shared>>) offsets(%dma_start3A_47 : memref<128xi32, #tpu.memory_space<vmem>>) semaphore(%arg9 : memref<!tpu.dma_semaphore, #tpu.memory_space<semaphore_mem>>) {add = true}
    %scan3A = arith.constant 0 : i32
    %scan3A_50 = arith.constant 72 : i32
    %scan3A_51 = arith.addi %scan3A, %scan3A_50 : i32
    %scan3A_52 = arith.constant 1 : i32
    scf.for %scan3A_108 = %scan3A to %scan3A_51 step %scan3A_52  : i32 {
      %mul3A_109 = arith.constant 1 : i32
      %mul3A_110 = arith.muli %scan3A_108, %mul3A_109 : i32
      %add3A_111 = arith.constant 0 : i32
      %add3A_112 = arith.addi %add3A_111, %mul3A_110 : i32
      %dma_wait3A_113 = arith.constant 0 : i32
      %dma_wait3A_114 = tpu.memref_slice %arg6[%add3A_112, %dma_wait3A_113] : memref<80x128xi32, #tpu.memory_space<vmem>> -> memref<1x128xi32, #tpu.memory_space<vmem>>
      %dma_wait3A_115 = tpu.memref_squeeze %dma_wait3A_114 : memref<1x128xi32, #tpu.memory_space<vmem>> -> memref<128xi32, #tpu.memory_space<vmem>>
      %dma_wait3A_116 = arith.constant 0 : i32
      %dma_wait3A_117 = tpu.memref_slice %arg8[%dma_wait3A_116] : memref<10240xf32, #tpu.memory_space<vmem_shared>> -> memref<10240xf32, #tpu.memory_space<vmem_shared>>
      tpu.wait_indirect_dma semaphore(%arg9 : memref<!tpu.dma_semaphore, #tpu.memory_space<semaphore_mem>>) src(%arg7 : memref<128xf32, #tpu.memory_space<vmem>>) dst(%dma_wait3A_117 : memref<10240xf32, #tpu.memory_space<vmem_shared>>)
      %add3A_118 = arith.constant 8 : i32
      %add3A_119 = arith.addi %add3A_112, %add3A_118 : i32
      %dma_start3A_120 = arith.constant 0 : i32
      %dma_start3A_121 = tpu.memref_slice %arg6[%add3A_119, %dma_start3A_120] : memref<80x128xi32, #tpu.memory_space<vmem>> -> memref<1x128xi32, #tpu.memory_space<vmem>>
      %dma_start3A_122 = tpu.memref_squeeze %dma_start3A_121 : memref<1x128xi32, #tpu.memory_space<vmem>> -> memref<128xi32, #tpu.memory_space<vmem>>
      %dma_start3A_123 = arith.constant 0 : i32
      %dma_start3A_124 = tpu.memref_slice %arg8[%dma_start3A_123] : memref<10240xf32, #tpu.memory_space<vmem_shared>> -> memref<10240xf32, #tpu.memory_space<vmem_shared>>
      tpu.enqueue_indirect_dma source(%arg7 : memref<128xf32, #tpu.memory_space<vmem>>) target(%dma_start3A_124 : memref<10240xf32, #tpu.memory_space<vmem_shared>>) offsets(%dma_start3A_122 : memref<128xi32, #tpu.memory_space<vmem>>) semaphore(%arg9 : memref<!tpu.dma_semaphore, #tpu.memory_space<semaphore_mem>>) {add = true}
    }
    %scan3A_53 = arith.constant 72 : i32
    %dma_wait3A = arith.constant 72 : i32
    %dma_wait3A_54 = arith.constant 0 : i32
    %dma_wait3A_55 = tpu.memref_slice %arg6[%dma_wait3A, %dma_wait3A_54] : memref<80x128xi32, #tpu.memory_space<vmem>> -> memref<1x128xi32, #tpu.memory_space<vmem>>
    %dma_wait3A_56 = tpu.memref_squeeze %dma_wait3A_55 : memref<1x128xi32, #tpu.memory_space<vmem>> -> memref<128xi32, #tpu.memory_space<vmem>>
    %dma_wait3A_57 = arith.constant 0 : i32
    %dma_wait3A_58 = tpu.memref_slice %arg8[%dma_wait3A_57] : memref<10240xf32, #tpu.memory_space<vmem_shared>> -> memref<10240xf32, #tpu.memory_space<vmem_shared>>
    tpu.wait_indirect_dma semaphore(%arg9 : memref<!tpu.dma_semaphore, #tpu.memory_space<semaphore_mem>>) src(%arg7 : memref<128xf32, #tpu.memory_space<vmem>>) dst(%dma_wait3A_58 : memref<10240xf32, #tpu.memory_space<vmem_shared>>)
    %dma_wait3A_59 = arith.constant 73 : i32
    %dma_wait3A_60 = arith.constant 0 : i32
    %dma_wait3A_61 = tpu.memref_slice %arg6[%dma_wait3A_59, %dma_wait3A_60] : memref<80x128xi32, #tpu.memory_space<vmem>> -> memref<1x128xi32, #tpu.memory_space<vmem>>
    %dma_wait3A_62 = tpu.memref_squeeze %dma_wait3A_61 : memref<1x128xi32, #tpu.memory_space<vmem>> -> memref<128xi32, #tpu.memory_space<vmem>>
    %dma_wait3A_63 = arith.constant 0 : i32
    %dma_wait3A_64 = tpu.memref_slice %arg8[%dma_wait3A_63] : memref<10240xf32, #tpu.memory_space<vmem_shared>> -> memref<10240xf32, #tpu.memory_space<vmem_shared>>
    tpu.wait_indirect_dma semaphore(%arg9 : memref<!tpu.dma_semaphore, #tpu.memory_space<semaphore_mem>>) src(%arg7 : memref<128xf32, #tpu.memory_space<vmem>>) dst(%dma_wait3A_64 : memref<10240xf32, #tpu.memory_space<vmem_shared>>)
    %dma_wait3A_65 = arith.constant 74 : i32
    %dma_wait3A_66 = arith.constant 0 : i32
    %dma_wait3A_67 = tpu.memref_slice %arg6[%dma_wait3A_65, %dma_wait3A_66] : memref<80x128xi32, #tpu.memory_space<vmem>> -> memref<1x128xi32, #tpu.memory_space<vmem>>
    %dma_wait3A_68 = tpu.memref_squeeze %dma_wait3A_67 : memref<1x128xi32, #tpu.memory_space<vmem>> -> memref<128xi32, #tpu.memory_space<vmem>>
    %dma_wait3A_69 = arith.constant 0 : i32
    %dma_wait3A_70 = tpu.memref_slice %arg8[%dma_wait3A_69] : memref<10240xf32, #tpu.memory_space<vmem_shared>> -> memref<10240xf32, #tpu.memory_space<vmem_shared>>
    tpu.wait_indirect_dma semaphore(%arg9 : memref<!tpu.dma_semaphore, #tpu.memory_space<semaphore_mem>>) src(%arg7 : memref<128xf32, #tpu.memory_space<vmem>>) dst(%dma_wait3A_70 : memref<10240xf32, #tpu.memory_space<vmem_shared>>)
    %dma_wait3A_71 = arith.constant 75 : i32
    %dma_wait3A_72 = arith.constant 0 : i32
    %dma_wait3A_73 = tpu.memref_slice %arg6[%dma_wait3A_71, %dma_wait3A_72] : memref<80x128xi32, #tpu.memory_space<vmem>> -> memref<1x128xi32, #tpu.memory_space<vmem>>
    %dma_wait3A_74 = tpu.memref_squeeze %dma_wait3A_73 : memref<1x128xi32, #tpu.memory_space<vmem>> -> memref<128xi32, #tpu.memory_space<vmem>>
    %dma_wait3A_75 = arith.constant 0 : i32
    %dma_wait3A_76 = tpu.memref_slice %arg8[%dma_wait3A_75] : memref<10240xf32, #tpu.memory_space<vmem_shared>> -> memref<10240xf32, #tpu.memory_space<vmem_shared>>
    tpu.wait_indirect_dma semaphore(%arg9 : memref<!tpu.dma_semaphore, #tpu.memory_space<semaphore_mem>>) src(%arg7 : memref<128xf32, #tpu.memory_space<vmem>>) dst(%dma_wait3A_76 : memref<10240xf32, #tpu.memory_space<vmem_shared>>)
    %dma_wait3A_77 = arith.constant 76 : i32
    %dma_wait3A_78 = arith.constant 0 : i32
    %dma_wait3A_79 = tpu.memref_slice %arg6[%dma_wait3A_77, %dma_wait3A_78] : memref<80x128xi32, #tpu.memory_space<vmem>> -> memref<1x128xi32, #tpu.memory_space<vmem>>
    %dma_wait3A_80 = tpu.memref_squeeze %dma_wait3A_79 : memref<1x128xi32, #tpu.memory_space<vmem>> -> memref<128xi32, #tpu.memory_space<vmem>>
    %dma_wait3A_81 = arith.constant 0 : i32
    %dma_wait3A_82 = tpu.memref_slice %arg8[%dma_wait3A_81] : memref<10240xf32, #tpu.memory_space<vmem_shared>> -> memref<10240xf32, #tpu.memory_space<vmem_shared>>
    tpu.wait_indirect_dma semaphore(%arg9 : memref<!tpu.dma_semaphore, #tpu.memory_space<semaphore_mem>>) src(%arg7 : memref<128xf32, #tpu.memory_space<vmem>>) dst(%dma_wait3A_82 : memref<10240xf32, #tpu.memory_space<vmem_shared>>)
    %dma_wait3A_83 = arith.constant 77 : i32
    %dma_wait3A_84 = arith.constant 0 : i32
    %dma_wait3A_85 = tpu.memref_slice %arg6[%dma_wait3A_83, %dma_wait3A_84] : memref<80x128xi32, #tpu.memory_space<vmem>> -> memref<1x128xi32, #tpu.memory_space<vmem>>
    %dma_wait3A_86 = tpu.memref_squeeze %dma_wait3A_85 : memref<1x128xi32, #tpu.memory_space<vmem>> -> memref<128xi32, #tpu.memory_space<vmem>>
    %dma_wait3A_87 = arith.constant 0 : i32
    %dma_wait3A_88 = tpu.memref_slice %arg8[%dma_wait3A_87] : memref<10240xf32, #tpu.memory_space<vmem_shared>> -> memref<10240xf32, #tpu.memory_space<vmem_shared>>
    tpu.wait_indirect_dma semaphore(%arg9 : memref<!tpu.dma_semaphore, #tpu.memory_space<semaphore_mem>>) src(%arg7 : memref<128xf32, #tpu.memory_space<vmem>>) dst(%dma_wait3A_88 : memref<10240xf32, #tpu.memory_space<vmem_shared>>)
    %dma_wait3A_89 = arith.constant 78 : i32
    %dma_wait3A_90 = arith.constant 0 : i32
    %dma_wait3A_91 = tpu.memref_slice %arg6[%dma_wait3A_89, %dma_wait3A_90] : memref<80x128xi32, #tpu.memory_space<vmem>> -> memref<1x128xi32, #tpu.memory_space<vmem>>
    %dma_wait3A_92 = tpu.memref_squeeze %dma_wait3A_91 : memref<1x128xi32, #tpu.memory_space<vmem>> -> memref<128xi32, #tpu.memory_space<vmem>>
    %dma_wait3A_93 = arith.constant 0 : i32
    %dma_wait3A_94 = tpu.memref_slice %arg8[%dma_wait3A_93] : memref<10240xf32, #tpu.memory_space<vmem_shared>> -> memref<10240xf32, #tpu.memory_space<vmem_shared>>
    tpu.wait_indirect_dma semaphore(%arg9 : memref<!tpu.dma_semaphore, #tpu.memory_space<semaphore_mem>>) src(%arg7 : memref<128xf32, #tpu.memory_space<vmem>>) dst(%dma_wait3A_94 : memref<10240xf32, #tpu.memory_space<vmem_shared>>)
    %dma_wait3A_95 = arith.constant 79 : i32
    %dma_wait3A_96 = arith.constant 0 : i32
    %dma_wait3A_97 = tpu.memref_slice %arg6[%dma_wait3A_95, %dma_wait3A_96] : memref<80x128xi32, #tpu.memory_space<vmem>> -> memref<1x128xi32, #tpu.memory_space<vmem>>
    %dma_wait3A_98 = tpu.memref_squeeze %dma_wait3A_97 : memref<1x128xi32, #tpu.memory_space<vmem>> -> memref<128xi32, #tpu.memory_space<vmem>>
    %dma_wait3A_99 = arith.constant 0 : i32
    %dma_wait3A_100 = tpu.memref_slice %arg8[%dma_wait3A_99] : memref<10240xf32, #tpu.memory_space<vmem_shared>> -> memref<10240xf32, #tpu.memory_space<vmem_shared>>
    tpu.wait_indirect_dma semaphore(%arg9 : memref<!tpu.dma_semaphore, #tpu.memory_space<semaphore_mem>>) src(%arg7 : memref<128xf32, #tpu.memory_space<vmem>>) dst(%dma_wait3A_100 : memref<10240xf32, #tpu.memory_space<vmem_shared>>)
    %barrier3A_101 = arith.constant 0 : index
    tpu.barrier barrier_id(%barrier3A_101)
    %mul3A_102 = arith.constant 10240 : i32
    %mul3A_103 = arith.muli %arg0, %mul3A_102 : i32
    %mul3A_104 = arith.constant 640 : i32
    %mul3A_105 = arith.muli %arg1, %mul3A_104 : i32
    %add3A_106 = arith.addi %mul3A_103, %mul3A_105 : i32
    %multiple_of3A_107 = tpu.assume_multiple %add3A_106, 8 : i32
    "tpu.region"() ({
      %run_scoped3A = tpu.sem_alloc : memref<!tpu.dma_semaphore, #tpu.memory_space<semaphore_mem>>
      %dma_start3A_108 = tpu.memref_slice %arg5[%multiple_of3A_107] : memref<20480xf32, #tpu.memory_space<hbm>> -> memref<640xf32, #tpu.memory_space<hbm>>
      %dma_start3A_109 = tpu.memref_slice %arg8[%multiple_of3A] : memref<10240xf32, #tpu.memory_space<vmem_shared>> -> memref<640xf32, #tpu.memory_space<vmem_shared>>
      tpu.enqueue_dma source(%dma_start3A_109 : memref<640xf32, #tpu.memory_space<vmem_shared>>) target(%dma_start3A_108 : memref<640xf32, #tpu.memory_space<hbm>>) target_semaphore(%run_scoped3A : memref<!tpu.dma_semaphore, #tpu.memory_space<semaphore_mem>>)
      %dma_wait3A_110 = tpu.memref_slice %arg5[%multiple_of3A_107] : memref<20480xf32, #tpu.memory_space<hbm>> -> memref<640xf32, #tpu.memory_space<hbm>>
      %dma_wait3A_111 = tpu.memref_slice %arg8[%multiple_of3A] : memref<10240xf32, #tpu.memory_space<vmem_shared>> -> memref<640xf32, #tpu.memory_space<vmem_shared>>
      tpu.wait_dma2 semaphore(%run_scoped3A : memref<!tpu.dma_semaphore, #tpu.memory_space<semaphore_mem>>) src(%dma_wait3A_111 : memref<640xf32, #tpu.memory_space<vmem_shared>>) dst(%dma_wait3A_110 : memref<640xf32, #tpu.memory_space<hbm>>)
      tpu.yield
    }) : () -> ()
    return
  }
}

#map = affine_map<(d0, d1) -> (0, 0)>
#map1 = affine_map<(d0, d1) -> (0, 0, 0)>
#map2 = affine_map<(d0, d1) -> (0, 0, 0, 0)>
module attributes {stable_mosaic.version = 14 : i64} {
  func.func @k(%arg0: i32, %arg1: i32, %arg2: memref<10000x128xf32, #tpu.memory_space<hbm>>, %arg3: memref<32x80x128xi32, #tpu.memory_space<hbm>>, %arg4: memref<32x10x8x128xi32, #tpu.memory_space<hbm>>, %arg5: memref<10240x128xf32, #tpu.memory_space<hbm>>, %arg6: memref<20480x128xf32, #tpu.memory_space<hbm>>, %arg7: memref<80x128xi32, #tpu.memory_space<vmem>>, %arg8: memref<8x128xi32, #tpu.memory_space<vmem>>, %arg9: memref<8x128xi32, #tpu.memory_space<vmem>>, %arg10: memref<128x128xf32, #tpu.memory_space<vmem>>, %arg11: memref<128x128xf32, #tpu.memory_space<vmem>>, %arg12: memref<10240x128xf32, #tpu.memory_space<vmem_shared>>, %arg13: memref<!tpu.dma_semaphore, #tpu.memory_space<semaphore_mem>>, %arg14: memref<!tpu.dma_semaphore, #tpu.memory_space<semaphore_mem>>, %arg15: memref<!tpu.dma_semaphore, #tpu.memory_space<semaphore_mem>>, %arg16: memref<!tpu.dma_semaphore, #tpu.memory_space<semaphore_mem>>) attributes {dimension_semantics = [#tpu.dimension_semantics<core_parallel>, #tpu.dimension_semantics<subcore_parallel>], iteration_bounds = array<i64: 2, 16>, scalar_prefetch = 0 : i64, scratch_operands = 10 : i64, tpu.core_type = #tpu.core_type<sc_vector_subcore>, window_params = [{transform_indices = #map}, {transform_indices = #map1}, {transform_indices = #map2}, {transform_indices = #map}, {transform_indices = #map}]} {
    %mul3A = arith.constant 16 : i32
    %mul3A_0 = arith.muli %arg0, %mul3A : i32
    %add3A = arith.addi %mul3A_0, %arg1 : i32
    %mul3A_1 = arith.constant 640 : i32
    %mul3A_2 = arith.muli %arg1, %mul3A_1 : i32
    %multiple_of3A = tpu.assume_multiple %mul3A_2, 8 : i32
    "tpu.region"() ({
      %run_scoped3A = tpu.sem_alloc : memref<!tpu.dma_semaphore, #tpu.memory_space<semaphore_mem>>
      %dma_start3A_44 = arith.constant 0 : i32
      %dma_start3A_45 = tpu.memref_slice %arg12[%multiple_of3A, %dma_start3A_44] : memref<10240x128xf32, #tpu.memory_space<vmem_shared>> -> memref<640x128xf32, #tpu.memory_space<vmem_shared>>
      %dma_start3A_46 = arith.constant 0 : i32
      %dma_start3A_47 = tpu.memref_slice %arg5[%multiple_of3A, %dma_start3A_46] : memref<10240x128xf32, #tpu.memory_space<hbm>> -> memref<640x128xf32, #tpu.memory_space<hbm>>
      tpu.enqueue_dma source(%dma_start3A_47 : memref<640x128xf32, #tpu.memory_space<hbm>>) target(%dma_start3A_45 : memref<640x128xf32, #tpu.memory_space<vmem_shared>>) target_semaphore(%run_scoped3A : memref<!tpu.dma_semaphore, #tpu.memory_space<semaphore_mem>>)
      %dma_wait3A_48 = arith.constant 0 : i32
      %dma_wait3A_49 = tpu.memref_slice %arg12[%multiple_of3A, %dma_wait3A_48] : memref<10240x128xf32, #tpu.memory_space<vmem_shared>> -> memref<640x128xf32, #tpu.memory_space<vmem_shared>>
      %dma_wait3A_50 = arith.constant 0 : i32
      %dma_wait3A_51 = tpu.memref_slice %arg5[%multiple_of3A, %dma_wait3A_50] : memref<10240x128xf32, #tpu.memory_space<hbm>> -> memref<640x128xf32, #tpu.memory_space<hbm>>
      tpu.wait_dma2 semaphore(%run_scoped3A : memref<!tpu.dma_semaphore, #tpu.memory_space<semaphore_mem>>) src(%dma_wait3A_51 : memref<640x128xf32, #tpu.memory_space<hbm>>) dst(%dma_wait3A_49 : memref<640x128xf32, #tpu.memory_space<vmem_shared>>)
      tpu.yield
    }) : () -> ()
    "tpu.region"() ({
      %run_scoped3A = tpu.sem_alloc : memref<!tpu.dma_semaphore, #tpu.memory_space<semaphore_mem>>
      %dma_start3A_44 = arith.constant 0 : i32
      %dma_start3A_45 = arith.constant 0 : i32
      %dma_start3A_46 = tpu.memref_slice %arg3[%add3A, %dma_start3A_44, %dma_start3A_45] : memref<32x80x128xi32, #tpu.memory_space<hbm>> -> memref<1x80x128xi32, #tpu.memory_space<hbm>>
      %dma_start3A_47 = tpu.memref_squeeze %dma_start3A_46 : memref<1x80x128xi32, #tpu.memory_space<hbm>> -> memref<80x128xi32, #tpu.memory_space<hbm>>
      %dma_start3A_48 = arith.constant 0 : i32
      %dma_start3A_49 = arith.constant 0 : i32
      %dma_start3A_50 = tpu.memref_slice %arg3[%add3A, %dma_start3A_48, %dma_start3A_49] : memref<32x80x128xi32, #tpu.memory_space<hbm>> -> memref<1x80x128xi32, #tpu.memory_space<hbm>>
      %dma_start3A_51 = tpu.memref_squeeze %dma_start3A_50 : memref<1x80x128xi32, #tpu.memory_space<hbm>> -> memref<80x128xi32, #tpu.memory_space<hbm>>
      tpu.enqueue_dma source(%dma_start3A_51 : memref<80x128xi32, #tpu.memory_space<hbm>>) target(%arg7 : memref<80x128xi32, #tpu.memory_space<vmem>>) target_semaphore(%run_scoped3A : memref<!tpu.dma_semaphore, #tpu.memory_space<semaphore_mem>>)
      %dma_wait3A_52 = arith.constant 0 : i32
      %dma_wait3A_53 = arith.constant 0 : i32
      %dma_wait3A_54 = tpu.memref_slice %arg3[%add3A, %dma_wait3A_52, %dma_wait3A_53] : memref<32x80x128xi32, #tpu.memory_space<hbm>> -> memref<1x80x128xi32, #tpu.memory_space<hbm>>
      %dma_wait3A_55 = tpu.memref_squeeze %dma_wait3A_54 : memref<1x80x128xi32, #tpu.memory_space<hbm>> -> memref<80x128xi32, #tpu.memory_space<hbm>>
      %dma_wait3A_56 = arith.constant 0 : i32
      %dma_wait3A_57 = arith.constant 0 : i32
      %dma_wait3A_58 = tpu.memref_slice %arg3[%add3A, %dma_wait3A_56, %dma_wait3A_57] : memref<32x80x128xi32, #tpu.memory_space<hbm>> -> memref<1x80x128xi32, #tpu.memory_space<hbm>>
      %dma_wait3A_59 = tpu.memref_squeeze %dma_wait3A_58 : memref<1x80x128xi32, #tpu.memory_space<hbm>> -> memref<80x128xi32, #tpu.memory_space<hbm>>
      tpu.wait_dma2 semaphore(%run_scoped3A : memref<!tpu.dma_semaphore, #tpu.memory_space<semaphore_mem>>) src(%dma_wait3A_59 : memref<80x128xi32, #tpu.memory_space<hbm>>) dst(%arg7 : memref<80x128xi32, #tpu.memory_space<vmem>>)
      tpu.yield
    }) : () -> ()
    %barrier3A = arith.constant 0 : index
    tpu.barrier barrier_id(%barrier3A)
    %dma_start3A = arith.constant 0 : i32
    %dma_start3A_3 = arith.constant 0 : i32
    %dma_start3A_4 = arith.constant 0 : i32
    %dma_start3A_5 = tpu.memref_slice %arg4[%add3A, %dma_start3A, %dma_start3A_3, %dma_start3A_4] : memref<32x10x8x128xi32, #tpu.memory_space<hbm>> -> memref<1x1x8x128xi32, #tpu.memory_space<hbm>>
    %dma_start3A_6 = tpu.memref_squeeze %dma_start3A_5 : memref<1x1x8x128xi32, #tpu.memory_space<hbm>> -> memref<8x128xi32, #tpu.memory_space<hbm>>
    %dma_start3A_7 = arith.constant 0 : i32
    %dma_start3A_8 = arith.constant 0 : i32
    %dma_start3A_9 = tpu.memref_slice %arg4[%add3A, %dma_start3A, %dma_start3A_7, %dma_start3A_8] : memref<32x10x8x128xi32, #tpu.memory_space<hbm>> -> memref<1x1x8x128xi32, #tpu.memory_space<hbm>>
    %dma_start3A_10 = tpu.memref_squeeze %dma_start3A_9 : memref<1x1x8x128xi32, #tpu.memory_space<hbm>> -> memref<8x128xi32, #tpu.memory_space<hbm>>
    tpu.enqueue_dma source(%dma_start3A_10 : memref<8x128xi32, #tpu.memory_space<hbm>>) target(%arg8 : memref<8x128xi32, #tpu.memory_space<vmem>>) target_semaphore(%arg15 : memref<!tpu.dma_semaphore, #tpu.memory_space<semaphore_mem>>)
    %dma_start3A_11 = arith.constant 1 : i32
    %dma_start3A_12 = arith.constant 0 : i32
    %dma_start3A_13 = arith.constant 0 : i32
    %dma_start3A_14 = tpu.memref_slice %arg4[%add3A, %dma_start3A_11, %dma_start3A_12, %dma_start3A_13] : memref<32x10x8x128xi32, #tpu.memory_space<hbm>> -> memref<1x1x8x128xi32, #tpu.memory_space<hbm>>
    %dma_start3A_15 = tpu.memref_squeeze %dma_start3A_14 : memref<1x1x8x128xi32, #tpu.memory_space<hbm>> -> memref<8x128xi32, #tpu.memory_space<hbm>>
    %dma_start3A_16 = arith.constant 0 : i32
    %dma_start3A_17 = arith.constant 0 : i32
    %dma_start3A_18 = tpu.memref_slice %arg4[%add3A, %dma_start3A_11, %dma_start3A_16, %dma_start3A_17] : memref<32x10x8x128xi32, #tpu.memory_space<hbm>> -> memref<1x1x8x128xi32, #tpu.memory_space<hbm>>
    %dma_start3A_19 = tpu.memref_squeeze %dma_start3A_18 : memref<1x1x8x128xi32, #tpu.memory_space<hbm>> -> memref<8x128xi32, #tpu.memory_space<hbm>>
    tpu.enqueue_dma source(%dma_start3A_19 : memref<8x128xi32, #tpu.memory_space<hbm>>) target(%arg9 : memref<8x128xi32, #tpu.memory_space<vmem>>) target_semaphore(%arg16 : memref<!tpu.dma_semaphore, #tpu.memory_space<semaphore_mem>>)
    %dma_start3A_20 = arith.constant 0 : i32
    %dma_start3A_21 = arith.constant 0 : i32
    %dma_start3A_22 = tpu.memref_slice %arg7[%dma_start3A_20, %dma_start3A_21] : memref<80x128xi32, #tpu.memory_space<vmem>> -> memref<1x128xi32, #tpu.memory_space<vmem>>
    %dma_start3A_23 = tpu.memref_squeeze %dma_start3A_22 : memref<1x128xi32, #tpu.memory_space<vmem>> -> memref<128xi32, #tpu.memory_space<vmem>>
    %dma_start3A_24 = arith.constant 0 : i32
    %dma_start3A_25 = arith.constant 0 : i32
    %dma_start3A_26 = tpu.memref_slice %arg2[%dma_start3A_24, %dma_start3A_25] : memref<10000x128xf32, #tpu.memory_space<hbm>> -> memref<10000x128xf32, #tpu.memory_space<hbm>>
    tpu.enqueue_indirect_dma source(%dma_start3A_26 : memref<10000x128xf32, #tpu.memory_space<hbm>>) target(%arg10 : memref<128x128xf32, #tpu.memory_space<vmem>>) offsets(%dma_start3A_23 : memref<128xi32, #tpu.memory_space<vmem>>) semaphore(%arg13 : memref<!tpu.dma_semaphore, #tpu.memory_space<semaphore_mem>>)
    %scan3A = arith.constant 0 : i32
    %scan3A_27 = arith.constant 5 : i32
    %scan3A_28 = arith.addi %scan3A, %scan3A_27 : i32
    %scan3A_29 = arith.constant 1 : i32
    scf.for %scan3A_44 = %scan3A to %scan3A_28 step %scan3A_29  : i32 {
      %mul3A_45 = arith.constant 2 : i32
      %mul3A_46 = arith.muli %scan3A_44, %mul3A_45 : i32
      %add3A_47 = arith.constant 0 : i32
      %add3A_48 = arith.addi %add3A_47, %mul3A_46 : i32
      %mul3A_49 = arith.constant 8 : i32
      %mul3A_50 = arith.muli %add3A_48, %mul3A_49 : i32
      %dma_wait3A_51 = arith.constant 0 : i32
      %dma_wait3A_52 = arith.constant 0 : i32
      %dma_wait3A_53 = tpu.memref_slice %arg4[%add3A, %add3A_48, %dma_wait3A_51, %dma_wait3A_52] : memref<32x10x8x128xi32, #tpu.memory_space<hbm>> -> memref<1x1x8x128xi32, #tpu.memory_space<hbm>>
      %dma_wait3A_54 = tpu.memref_squeeze %dma_wait3A_53 : memref<1x1x8x128xi32, #tpu.memory_space<hbm>> -> memref<8x128xi32, #tpu.memory_space<hbm>>
      %dma_wait3A_55 = arith.constant 0 : i32
      %dma_wait3A_56 = arith.constant 0 : i32
      %dma_wait3A_57 = tpu.memref_slice %arg4[%add3A, %add3A_48, %dma_wait3A_55, %dma_wait3A_56] : memref<32x10x8x128xi32, #tpu.memory_space<hbm>> -> memref<1x1x8x128xi32, #tpu.memory_space<hbm>>
      %dma_wait3A_58 = tpu.memref_squeeze %dma_wait3A_57 : memref<1x1x8x128xi32, #tpu.memory_space<hbm>> -> memref<8x128xi32, #tpu.memory_space<hbm>>
      tpu.wait_dma2 semaphore(%arg15 : memref<!tpu.dma_semaphore, #tpu.memory_space<semaphore_mem>>) src(%dma_wait3A_58 : memref<8x128xi32, #tpu.memory_space<hbm>>) dst(%arg8 : memref<8x128xi32, #tpu.memory_space<vmem>>)
      %add3A_59 = arith.constant 0 : i32
      %add3A_60 = arith.addi %mul3A_50, %add3A_59 : i32
      %add3A_61 = arith.constant 1 : i32
      %add3A_62 = arith.addi %add3A_60, %add3A_61 : i32
      %dma_start3A_63 = arith.constant 0 : i32
      %dma_start3A_64 = tpu.memref_slice %arg7[%add3A_62, %dma_start3A_63] : memref<80x128xi32, #tpu.memory_space<vmem>> -> memref<1x128xi32, #tpu.memory_space<vmem>>
      %dma_start3A_65 = tpu.memref_squeeze %dma_start3A_64 : memref<1x128xi32, #tpu.memory_space<vmem>> -> memref<128xi32, #tpu.memory_space<vmem>>
      %dma_start3A_66 = arith.constant 0 : i32
      %dma_start3A_67 = arith.constant 0 : i32
      %dma_start3A_68 = tpu.memref_slice %arg2[%dma_start3A_66, %dma_start3A_67] : memref<10000x128xf32, #tpu.memory_space<hbm>> -> memref<10000x128xf32, #tpu.memory_space<hbm>>
      tpu.enqueue_indirect_dma source(%dma_start3A_68 : memref<10000x128xf32, #tpu.memory_space<hbm>>) target(%arg11 : memref<128x128xf32, #tpu.memory_space<vmem>>) offsets(%dma_start3A_65 : memref<128xi32, #tpu.memory_space<vmem>>) semaphore(%arg14 : memref<!tpu.dma_semaphore, #tpu.memory_space<semaphore_mem>>)
      %dma_wait3A_69 = arith.constant 0 : i32
      %dma_wait3A_70 = tpu.memref_slice %arg7[%add3A_60, %dma_wait3A_69] : memref<80x128xi32, #tpu.memory_space<vmem>> -> memref<1x128xi32, #tpu.memory_space<vmem>>
      %dma_wait3A_71 = tpu.memref_squeeze %dma_wait3A_70 : memref<1x128xi32, #tpu.memory_space<vmem>> -> memref<128xi32, #tpu.memory_space<vmem>>
      %dma_wait3A_72 = arith.constant 0 : i32
      %dma_wait3A_73 = arith.constant 0 : i32
      %dma_wait3A_74 = tpu.memref_slice %arg2[%dma_wait3A_72, %dma_wait3A_73] : memref<10000x128xf32, #tpu.memory_space<hbm>> -> memref<10000x128xf32, #tpu.memory_space<hbm>>
      tpu.wait_indirect_dma semaphore(%arg13 : memref<!tpu.dma_semaphore, #tpu.memory_space<semaphore_mem>>) src(%dma_wait3A_74 : memref<10000x128xf32, #tpu.memory_space<hbm>>) dst(%arg10 : memref<128x128xf32, #tpu.memory_space<vmem>>)
      %run_scoped3A = arith.constant 0 : i32
      "tpu.region"() ({
        %run_scoped3A_489 = tpu.sem_alloc : memref<!tpu.dma_semaphore, #tpu.memory_space<semaphore_mem>>
        %dma_start3A_490 = arith.constant 0 : i32
        %dma_start3A_491 = tpu.memref_slice %arg8[%run_scoped3A, %dma_start3A_490] : memref<8x128xi32, #tpu.memory_space<vmem>> -> memref<1x128xi32, #tpu.memory_space<vmem>>
        %dma_start3A_492 = tpu.memref_squeeze %dma_start3A_491 : memref<1x128xi32, #tpu.memory_space<vmem>> -> memref<128xi32, #tpu.memory_space<vmem>>
        %dma_start3A_493 = arith.constant 0 : i32
        %dma_start3A_494 = arith.constant 0 : i32
        %dma_start3A_495 = tpu.memref_slice %arg12[%dma_start3A_493, %dma_start3A_494] : memref<10240x128xf32, #tpu.memory_space<vmem_shared>> -> memref<10240x128xf32, #tpu.memory_space<vmem_shared>>
        tpu.enqueue_indirect_dma source(%arg10 : memref<128x128xf32, #tpu.memory_space<vmem>>) target(%dma_start3A_495 : memref<10240x128xf32, #tpu.memory_space<vmem_shared>>) offsets(%dma_start3A_492 : memref<128xi32, #tpu.memory_space<vmem>>) semaphore(%run_scoped3A_489 : memref<!tpu.dma_semaphore, #tpu.memory_space<semaphore_mem>>) {add = true}
        %dma_wait3A_496 = arith.constant 0 : i32
        %dma_wait3A_497 = tpu.memref_slice %arg8[%run_scoped3A, %dma_wait3A_496] : memref<8x128xi32, #tpu.memory_space<vmem>> -> memref<1x128xi32, #tpu.memory_space<vmem>>
        %dma_wait3A_498 = tpu.memref_squeeze %dma_wait3A_497 : memref<1x128xi32, #tpu.memory_space<vmem>> -> memref<128xi32, #tpu.memory_space<vmem>>
        %dma_wait3A_499 = arith.constant 0 : i32
        %dma_wait3A_500 = arith.constant 0 : i32
        %dma_wait3A_501 = tpu.memref_slice %arg12[%dma_wait3A_499, %dma_wait3A_500] : memref<10240x128xf32, #tpu.memory_space<vmem_shared>> -> memref<10240x128xf32, #tpu.memory_space<vmem_shared>>
        tpu.wait_indirect_dma semaphore(%run_scoped3A_489 : memref<!tpu.dma_semaphore, #tpu.memory_space<semaphore_mem>>) src(%arg10 : memref<128x128xf32, #tpu.memory_space<vmem>>) dst(%dma_wait3A_501 : memref<10240x128xf32, #tpu.memory_space<vmem_shared>>)
        tpu.yield
      }) : () -> ()
      %add3A_75 = arith.constant 1 : i32
      %add3A_76 = arith.addi %mul3A_50, %add3A_75 : i32
      %add3A_77 = arith.constant 1 : i32
      %add3A_78 = arith.addi %add3A_76, %add3A_77 : i32
      %dma_start3A_79 = arith.constant 0 : i32
      %dma_start3A_80 = tpu.memref_slice %arg7[%add3A_78, %dma_start3A_79] : memref<80x128xi32, #tpu.memory_space<vmem>> -> memref<1x128xi32, #tpu.memory_space<vmem>>
      %dma_start3A_81 = tpu.memref_squeeze %dma_start3A_80 : memref<1x128xi32, #tpu.memory_space<vmem>> -> memref<128xi32, #tpu.memory_space<vmem>>
      %dma_start3A_82 = arith.constant 0 : i32
      %dma_start3A_83 = arith.constant 0 : i32
      %dma_start3A_84 = tpu.memref_slice %arg2[%dma_start3A_82, %dma_start3A_83] : memref<10000x128xf32, #tpu.memory_space<hbm>> -> memref<10000x128xf32, #tpu.memory_space<hbm>>
      tpu.enqueue_indirect_dma source(%dma_start3A_84 : memref<10000x128xf32, #tpu.memory_space<hbm>>) target(%arg10 : memref<128x128xf32, #tpu.memory_space<vmem>>) offsets(%dma_start3A_81 : memref<128xi32, #tpu.memory_space<vmem>>) semaphore(%arg13 : memref<!tpu.dma_semaphore, #tpu.memory_space<semaphore_mem>>)
      %dma_wait3A_85 = arith.constant 0 : i32
      %dma_wait3A_86 = tpu.memref_slice %arg7[%add3A_76, %dma_wait3A_85] : memref<80x128xi32, #tpu.memory_space<vmem>> -> memref<1x128xi32, #tpu.memory_space<vmem>>
      %dma_wait3A_87 = tpu.memref_squeeze %dma_wait3A_86 : memref<1x128xi32, #tpu.memory_space<vmem>> -> memref<128xi32, #tpu.memory_space<vmem>>
      %dma_wait3A_88 = arith.constant 0 : i32
      %dma_wait3A_89 = arith.constant 0 : i32
      %dma_wait3A_90 = tpu.memref_slice %arg2[%dma_wait3A_88, %dma_wait3A_89] : memref<10000x128xf32, #tpu.memory_space<hbm>> -> memref<10000x128xf32, #tpu.memory_space<hbm>>
      tpu.wait_indirect_dma semaphore(%arg14 : memref<!tpu.dma_semaphore, #tpu.memory_space<semaphore_mem>>) src(%dma_wait3A_90 : memref<10000x128xf32, #tpu.memory_space<hbm>>) dst(%arg11 : memref<128x128xf32, #tpu.memory_space<vmem>>)
      %run_scoped3A_91 = arith.constant 1 : i32
      "tpu.region"() ({
        %run_scoped3A_489 = tpu.sem_alloc : memref<!tpu.dma_semaphore, #tpu.memory_space<semaphore_mem>>
        %dma_start3A_490 = arith.constant 0 : i32
        %dma_start3A_491 = tpu.memref_slice %arg8[%run_scoped3A_91, %dma_start3A_490] : memref<8x128xi32, #tpu.memory_space<vmem>> -> memref<1x128xi32, #tpu.memory_space<vmem>>
        %dma_start3A_492 = tpu.memref_squeeze %dma_start3A_491 : memref<1x128xi32, #tpu.memory_space<vmem>> -> memref<128xi32, #tpu.memory_space<vmem>>
        %dma_start3A_493 = arith.constant 0 : i32
        %dma_start3A_494 = arith.constant 0 : i32
        %dma_start3A_495 = tpu.memref_slice %arg12[%dma_start3A_493, %dma_start3A_494] : memref<10240x128xf32, #tpu.memory_space<vmem_shared>> -> memref<10240x128xf32, #tpu.memory_space<vmem_shared>>
        tpu.enqueue_indirect_dma source(%arg11 : memref<128x128xf32, #tpu.memory_space<vmem>>) target(%dma_start3A_495 : memref<10240x128xf32, #tpu.memory_space<vmem_shared>>) offsets(%dma_start3A_492 : memref<128xi32, #tpu.memory_space<vmem>>) semaphore(%run_scoped3A_489 : memref<!tpu.dma_semaphore, #tpu.memory_space<semaphore_mem>>) {add = true}
        %dma_wait3A_496 = arith.constant 0 : i32
        %dma_wait3A_497 = tpu.memref_slice %arg8[%run_scoped3A_91, %dma_wait3A_496] : memref<8x128xi32, #tpu.memory_space<vmem>> -> memref<1x128xi32, #tpu.memory_space<vmem>>
        %dma_wait3A_498 = tpu.memref_squeeze %dma_wait3A_497 : memref<1x128xi32, #tpu.memory_space<vmem>> -> memref<128xi32, #tpu.memory_space<vmem>>
        %dma_wait3A_499 = arith.constant 0 : i32
        %dma_wait3A_500 = arith.constant 0 : i32
        %dma_wait3A_501 = tpu.memref_slice %arg12[%dma_wait3A_499, %dma_wait3A_500] : memref<10240x128xf32, #tpu.memory_space<vmem_shared>> -> memref<10240x128xf32, #tpu.memory_space<vmem_shared>>
        tpu.wait_indirect_dma semaphore(%run_scoped3A_489 : memref<!tpu.dma_semaphore, #tpu.memory_space<semaphore_mem>>) src(%arg11 : memref<128x128xf32, #tpu.memory_space<vmem>>) dst(%dma_wait3A_501 : memref<10240x128xf32, #tpu.memory_space<vmem_shared>>)
        tpu.yield
      }) : () -> ()
      %add3A_92 = arith.constant 2 : i32
      %add3A_93 = arith.addi %mul3A_50, %add3A_92 : i32
      %add3A_94 = arith.constant 1 : i32
      %add3A_95 = arith.addi %add3A_93, %add3A_94 : i32
      %dma_start3A_96 = arith.constant 0 : i32
      %dma_start3A_97 = tpu.memref_slice %arg7[%add3A_95, %dma_start3A_96] : memref<80x128xi32, #tpu.memory_space<vmem>> -> memref<1x128xi32, #tpu.memory_space<vmem>>
      %dma_start3A_98 = tpu.memref_squeeze %dma_start3A_97 : memref<1x128xi32, #tpu.memory_space<vmem>> -> memref<128xi32, #tpu.memory_space<vmem>>
      %dma_start3A_99 = arith.constant 0 : i32
      %dma_start3A_100 = arith.constant 0 : i32
      %dma_start3A_101 = tpu.memref_slice %arg2[%dma_start3A_99, %dma_start3A_100] : memref<10000x128xf32, #tpu.memory_space<hbm>> -> memref<10000x128xf32, #tpu.memory_space<hbm>>
      tpu.enqueue_indirect_dma source(%dma_start3A_101 : memref<10000x128xf32, #tpu.memory_space<hbm>>) target(%arg11 : memref<128x128xf32, #tpu.memory_space<vmem>>) offsets(%dma_start3A_98 : memref<128xi32, #tpu.memory_space<vmem>>) semaphore(%arg14 : memref<!tpu.dma_semaphore, #tpu.memory_space<semaphore_mem>>)
      %dma_wait3A_102 = arith.constant 0 : i32
      %dma_wait3A_103 = tpu.memref_slice %arg7[%add3A_93, %dma_wait3A_102] : memref<80x128xi32, #tpu.memory_space<vmem>> -> memref<1x128xi32, #tpu.memory_space<vmem>>
      %dma_wait3A_104 = tpu.memref_squeeze %dma_wait3A_103 : memref<1x128xi32, #tpu.memory_space<vmem>> -> memref<128xi32, #tpu.memory_space<vmem>>
      %dma_wait3A_105 = arith.constant 0 : i32
      %dma_wait3A_106 = arith.constant 0 : i32
      %dma_wait3A_107 = tpu.memref_slice %arg2[%dma_wait3A_105, %dma_wait3A_106] : memref<10000x128xf32, #tpu.memory_space<hbm>> -> memref<10000x128xf32, #tpu.memory_space<hbm>>
      tpu.wait_indirect_dma semaphore(%arg13 : memref<!tpu.dma_semaphore, #tpu.memory_space<semaphore_mem>>) src(%dma_wait3A_107 : memref<10000x128xf32, #tpu.memory_space<hbm>>) dst(%arg10 : memref<128x128xf32, #tpu.memory_space<vmem>>)
      %run_scoped3A_108 = arith.constant 2 : i32
      "tpu.region"() ({
        %run_scoped3A_489 = tpu.sem_alloc : memref<!tpu.dma_semaphore, #tpu.memory_space<semaphore_mem>>
        %dma_start3A_490 = arith.constant 0 : i32
        %dma_start3A_491 = tpu.memref_slice %arg8[%run_scoped3A_108, %dma_start3A_490] : memref<8x128xi32, #tpu.memory_space<vmem>> -> memref<1x128xi32, #tpu.memory_space<vmem>>
        %dma_start3A_492 = tpu.memref_squeeze %dma_start3A_491 : memref<1x128xi32, #tpu.memory_space<vmem>> -> memref<128xi32, #tpu.memory_space<vmem>>
        %dma_start3A_493 = arith.constant 0 : i32
        %dma_start3A_494 = arith.constant 0 : i32
        %dma_start3A_495 = tpu.memref_slice %arg12[%dma_start3A_493, %dma_start3A_494] : memref<10240x128xf32, #tpu.memory_space<vmem_shared>> -> memref<10240x128xf32, #tpu.memory_space<vmem_shared>>
        tpu.enqueue_indirect_dma source(%arg10 : memref<128x128xf32, #tpu.memory_space<vmem>>) target(%dma_start3A_495 : memref<10240x128xf32, #tpu.memory_space<vmem_shared>>) offsets(%dma_start3A_492 : memref<128xi32, #tpu.memory_space<vmem>>) semaphore(%run_scoped3A_489 : memref<!tpu.dma_semaphore, #tpu.memory_space<semaphore_mem>>) {add = true}
        %dma_wait3A_496 = arith.constant 0 : i32
        %dma_wait3A_497 = tpu.memref_slice %arg8[%run_scoped3A_108, %dma_wait3A_496] : memref<8x128xi32, #tpu.memory_space<vmem>> -> memref<1x128xi32, #tpu.memory_space<vmem>>
        %dma_wait3A_498 = tpu.memref_squeeze %dma_wait3A_497 : memref<1x128xi32, #tpu.memory_space<vmem>> -> memref<128xi32, #tpu.memory_space<vmem>>
        %dma_wait3A_499 = arith.constant 0 : i32
        %dma_wait3A_500 = arith.constant 0 : i32
        %dma_wait3A_501 = tpu.memref_slice %arg12[%dma_wait3A_499, %dma_wait3A_500] : memref<10240x128xf32, #tpu.memory_space<vmem_shared>> -> memref<10240x128xf32, #tpu.memory_space<vmem_shared>>
        tpu.wait_indirect_dma semaphore(%run_scoped3A_489 : memref<!tpu.dma_semaphore, #tpu.memory_space<semaphore_mem>>) src(%arg10 : memref<128x128xf32, #tpu.memory_space<vmem>>) dst(%dma_wait3A_501 : memref<10240x128xf32, #tpu.memory_space<vmem_shared>>)
        tpu.yield
      }) : () -> ()
      %add3A_109 = arith.constant 3 : i32
      %add3A_110 = arith.addi %mul3A_50, %add3A_109 : i32
      %add3A_111 = arith.constant 1 : i32
      %add3A_112 = arith.addi %add3A_110, %add3A_111 : i32
      %dma_start3A_113 = arith.constant 0 : i32
      %dma_start3A_114 = tpu.memref_slice %arg7[%add3A_112, %dma_start3A_113] : memref<80x128xi32, #tpu.memory_space<vmem>> -> memref<1x128xi32, #tpu.memory_space<vmem>>
      %dma_start3A_115 = tpu.memref_squeeze %dma_start3A_114 : memref<1x128xi32, #tpu.memory_space<vmem>> -> memref<128xi32, #tpu.memory_space<vmem>>
      %dma_start3A_116 = arith.constant 0 : i32
      %dma_start3A_117 = arith.constant 0 : i32
      %dma_start3A_118 = tpu.memref_slice %arg2[%dma_start3A_116, %dma_start3A_117] : memref<10000x128xf32, #tpu.memory_space<hbm>> -> memref<10000x128xf32, #tpu.memory_space<hbm>>
      tpu.enqueue_indirect_dma source(%dma_start3A_118 : memref<10000x128xf32, #tpu.memory_space<hbm>>) target(%arg10 : memref<128x128xf32, #tpu.memory_space<vmem>>) offsets(%dma_start3A_115 : memref<128xi32, #tpu.memory_space<vmem>>) semaphore(%arg13 : memref<!tpu.dma_semaphore, #tpu.memory_space<semaphore_mem>>)
      %dma_wait3A_119 = arith.constant 0 : i32
      %dma_wait3A_120 = tpu.memref_slice %arg7[%add3A_110, %dma_wait3A_119] : memref<80x128xi32, #tpu.memory_space<vmem>> -> memref<1x128xi32, #tpu.memory_space<vmem>>
      %dma_wait3A_121 = tpu.memref_squeeze %dma_wait3A_120 : memref<1x128xi32, #tpu.memory_space<vmem>> -> memref<128xi32, #tpu.memory_space<vmem>>
      %dma_wait3A_122 = arith.constant 0 : i32
      %dma_wait3A_123 = arith.constant 0 : i32
      %dma_wait3A_124 = tpu.memref_slice %arg2[%dma_wait3A_122, %dma_wait3A_123] : memref<10000x128xf32, #tpu.memory_space<hbm>> -> memref<10000x128xf32, #tpu.memory_space<hbm>>
      tpu.wait_indirect_dma semaphore(%arg14 : memref<!tpu.dma_semaphore, #tpu.memory_space<semaphore_mem>>) src(%dma_wait3A_124 : memref<10000x128xf32, #tpu.memory_space<hbm>>) dst(%arg11 : memref<128x128xf32, #tpu.memory_space<vmem>>)
      %run_scoped3A_125 = arith.constant 3 : i32
      "tpu.region"() ({
        %run_scoped3A_489 = tpu.sem_alloc : memref<!tpu.dma_semaphore, #tpu.memory_space<semaphore_mem>>
        %dma_start3A_490 = arith.constant 0 : i32
        %dma_start3A_491 = tpu.memref_slice %arg8[%run_scoped3A_125, %dma_start3A_490] : memref<8x128xi32, #tpu.memory_space<vmem>> -> memref<1x128xi32, #tpu.memory_space<vmem>>
        %dma_start3A_492 = tpu.memref_squeeze %dma_start3A_491 : memref<1x128xi32, #tpu.memory_space<vmem>> -> memref<128xi32, #tpu.memory_space<vmem>>
        %dma_start3A_493 = arith.constant 0 : i32
        %dma_start3A_494 = arith.constant 0 : i32
        %dma_start3A_495 = tpu.memref_slice %arg12[%dma_start3A_493, %dma_start3A_494] : memref<10240x128xf32, #tpu.memory_space<vmem_shared>> -> memref<10240x128xf32, #tpu.memory_space<vmem_shared>>
        tpu.enqueue_indirect_dma source(%arg11 : memref<128x128xf32, #tpu.memory_space<vmem>>) target(%dma_start3A_495 : memref<10240x128xf32, #tpu.memory_space<vmem_shared>>) offsets(%dma_start3A_492 : memref<128xi32, #tpu.memory_space<vmem>>) semaphore(%run_scoped3A_489 : memref<!tpu.dma_semaphore, #tpu.memory_space<semaphore_mem>>) {add = true}
        %dma_wait3A_496 = arith.constant 0 : i32
        %dma_wait3A_497 = tpu.memref_slice %arg8[%run_scoped3A_125, %dma_wait3A_496] : memref<8x128xi32, #tpu.memory_space<vmem>> -> memref<1x128xi32, #tpu.memory_space<vmem>>
        %dma_wait3A_498 = tpu.memref_squeeze %dma_wait3A_497 : memref<1x128xi32, #tpu.memory_space<vmem>> -> memref<128xi32, #tpu.memory_space<vmem>>
        %dma_wait3A_499 = arith.constant 0 : i32
        %dma_wait3A_500 = arith.constant 0 : i32
        %dma_wait3A_501 = tpu.memref_slice %arg12[%dma_wait3A_499, %dma_wait3A_500] : memref<10240x128xf32, #tpu.memory_space<vmem_shared>> -> memref<10240x128xf32, #tpu.memory_space<vmem_shared>>
        tpu.wait_indirect_dma semaphore(%run_scoped3A_489 : memref<!tpu.dma_semaphore, #tpu.memory_space<semaphore_mem>>) src(%arg11 : memref<128x128xf32, #tpu.memory_space<vmem>>) dst(%dma_wait3A_501 : memref<10240x128xf32, #tpu.memory_space<vmem_shared>>)
        tpu.yield
      }) : () -> ()
      %add3A_126 = arith.constant 4 : i32
      %add3A_127 = arith.addi %mul3A_50, %add3A_126 : i32
      %add3A_128 = arith.constant 1 : i32
      %add3A_129 = arith.addi %add3A_127, %add3A_128 : i32
      %dma_start3A_130 = arith.constant 0 : i32
      %dma_start3A_131 = tpu.memref_slice %arg7[%add3A_129, %dma_start3A_130] : memref<80x128xi32, #tpu.memory_space<vmem>> -> memref<1x128xi32, #tpu.memory_space<vmem>>
      %dma_start3A_132 = tpu.memref_squeeze %dma_start3A_131 : memref<1x128xi32, #tpu.memory_space<vmem>> -> memref<128xi32, #tpu.memory_space<vmem>>
      %dma_start3A_133 = arith.constant 0 : i32
      %dma_start3A_134 = arith.constant 0 : i32
      %dma_start3A_135 = tpu.memref_slice %arg2[%dma_start3A_133, %dma_start3A_134] : memref<10000x128xf32, #tpu.memory_space<hbm>> -> memref<10000x128xf32, #tpu.memory_space<hbm>>
      tpu.enqueue_indirect_dma source(%dma_start3A_135 : memref<10000x128xf32, #tpu.memory_space<hbm>>) target(%arg11 : memref<128x128xf32, #tpu.memory_space<vmem>>) offsets(%dma_start3A_132 : memref<128xi32, #tpu.memory_space<vmem>>) semaphore(%arg14 : memref<!tpu.dma_semaphore, #tpu.memory_space<semaphore_mem>>)
      %dma_wait3A_136 = arith.constant 0 : i32
      %dma_wait3A_137 = tpu.memref_slice %arg7[%add3A_127, %dma_wait3A_136] : memref<80x128xi32, #tpu.memory_space<vmem>> -> memref<1x128xi32, #tpu.memory_space<vmem>>
      %dma_wait3A_138 = tpu.memref_squeeze %dma_wait3A_137 : memref<1x128xi32, #tpu.memory_space<vmem>> -> memref<128xi32, #tpu.memory_space<vmem>>
      %dma_wait3A_139 = arith.constant 0 : i32
      %dma_wait3A_140 = arith.constant 0 : i32
      %dma_wait3A_141 = tpu.memref_slice %arg2[%dma_wait3A_139, %dma_wait3A_140] : memref<10000x128xf32, #tpu.memory_space<hbm>> -> memref<10000x128xf32, #tpu.memory_space<hbm>>
      tpu.wait_indirect_dma semaphore(%arg13 : memref<!tpu.dma_semaphore, #tpu.memory_space<semaphore_mem>>) src(%dma_wait3A_141 : memref<10000x128xf32, #tpu.memory_space<hbm>>) dst(%arg10 : memref<128x128xf32, #tpu.memory_space<vmem>>)
      %run_scoped3A_142 = arith.constant 4 : i32
      "tpu.region"() ({
        %run_scoped3A_489 = tpu.sem_alloc : memref<!tpu.dma_semaphore, #tpu.memory_space<semaphore_mem>>
        %dma_start3A_490 = arith.constant 0 : i32
        %dma_start3A_491 = tpu.memref_slice %arg8[%run_scoped3A_142, %dma_start3A_490] : memref<8x128xi32, #tpu.memory_space<vmem>> -> memref<1x128xi32, #tpu.memory_space<vmem>>
        %dma_start3A_492 = tpu.memref_squeeze %dma_start3A_491 : memref<1x128xi32, #tpu.memory_space<vmem>> -> memref<128xi32, #tpu.memory_space<vmem>>
        %dma_start3A_493 = arith.constant 0 : i32
        %dma_start3A_494 = arith.constant 0 : i32
        %dma_start3A_495 = tpu.memref_slice %arg12[%dma_start3A_493, %dma_start3A_494] : memref<10240x128xf32, #tpu.memory_space<vmem_shared>> -> memref<10240x128xf32, #tpu.memory_space<vmem_shared>>
        tpu.enqueue_indirect_dma source(%arg10 : memref<128x128xf32, #tpu.memory_space<vmem>>) target(%dma_start3A_495 : memref<10240x128xf32, #tpu.memory_space<vmem_shared>>) offsets(%dma_start3A_492 : memref<128xi32, #tpu.memory_space<vmem>>) semaphore(%run_scoped3A_489 : memref<!tpu.dma_semaphore, #tpu.memory_space<semaphore_mem>>) {add = true}
        %dma_wait3A_496 = arith.constant 0 : i32
        %dma_wait3A_497 = tpu.memref_slice %arg8[%run_scoped3A_142, %dma_wait3A_496] : memref<8x128xi32, #tpu.memory_space<vmem>> -> memref<1x128xi32, #tpu.memory_space<vmem>>
        %dma_wait3A_498 = tpu.memref_squeeze %dma_wait3A_497 : memref<1x128xi32, #tpu.memory_space<vmem>> -> memref<128xi32, #tpu.memory_space<vmem>>
        %dma_wait3A_499 = arith.constant 0 : i32
        %dma_wait3A_500 = arith.constant 0 : i32
        %dma_wait3A_501 = tpu.memref_slice %arg12[%dma_wait3A_499, %dma_wait3A_500] : memref<10240x128xf32, #tpu.memory_space<vmem_shared>> -> memref<10240x128xf32, #tpu.memory_space<vmem_shared>>
        tpu.wait_indirect_dma semaphore(%run_scoped3A_489 : memref<!tpu.dma_semaphore, #tpu.memory_space<semaphore_mem>>) src(%arg10 : memref<128x128xf32, #tpu.memory_space<vmem>>) dst(%dma_wait3A_501 : memref<10240x128xf32, #tpu.memory_space<vmem_shared>>)
        tpu.yield
      }) : () -> ()
      %add3A_143 = arith.constant 5 : i32
      %add3A_144 = arith.addi %mul3A_50, %add3A_143 : i32
      %add3A_145 = arith.constant 1 : i32
      %add3A_146 = arith.addi %add3A_144, %add3A_145 : i32
      %dma_start3A_147 = arith.constant 0 : i32
      %dma_start3A_148 = tpu.memref_slice %arg7[%add3A_146, %dma_start3A_147] : memref<80x128xi32, #tpu.memory_space<vmem>> -> memref<1x128xi32, #tpu.memory_space<vmem>>
      %dma_start3A_149 = tpu.memref_squeeze %dma_start3A_148 : memref<1x128xi32, #tpu.memory_space<vmem>> -> memref<128xi32, #tpu.memory_space<vmem>>
      %dma_start3A_150 = arith.constant 0 : i32
      %dma_start3A_151 = arith.constant 0 : i32
      %dma_start3A_152 = tpu.memref_slice %arg2[%dma_start3A_150, %dma_start3A_151] : memref<10000x128xf32, #tpu.memory_space<hbm>> -> memref<10000x128xf32, #tpu.memory_space<hbm>>
      tpu.enqueue_indirect_dma source(%dma_start3A_152 : memref<10000x128xf32, #tpu.memory_space<hbm>>) target(%arg10 : memref<128x128xf32, #tpu.memory_space<vmem>>) offsets(%dma_start3A_149 : memref<128xi32, #tpu.memory_space<vmem>>) semaphore(%arg13 : memref<!tpu.dma_semaphore, #tpu.memory_space<semaphore_mem>>)
      %dma_wait3A_153 = arith.constant 0 : i32
      %dma_wait3A_154 = tpu.memref_slice %arg7[%add3A_144, %dma_wait3A_153] : memref<80x128xi32, #tpu.memory_space<vmem>> -> memref<1x128xi32, #tpu.memory_space<vmem>>
      %dma_wait3A_155 = tpu.memref_squeeze %dma_wait3A_154 : memref<1x128xi32, #tpu.memory_space<vmem>> -> memref<128xi32, #tpu.memory_space<vmem>>
      %dma_wait3A_156 = arith.constant 0 : i32
      %dma_wait3A_157 = arith.constant 0 : i32
      %dma_wait3A_158 = tpu.memref_slice %arg2[%dma_wait3A_156, %dma_wait3A_157] : memref<10000x128xf32, #tpu.memory_space<hbm>> -> memref<10000x128xf32, #tpu.memory_space<hbm>>
      tpu.wait_indirect_dma semaphore(%arg14 : memref<!tpu.dma_semaphore, #tpu.memory_space<semaphore_mem>>) src(%dma_wait3A_158 : memref<10000x128xf32, #tpu.memory_space<hbm>>) dst(%arg11 : memref<128x128xf32, #tpu.memory_space<vmem>>)
      %run_scoped3A_159 = arith.constant 5 : i32
      "tpu.region"() ({
        %run_scoped3A_489 = tpu.sem_alloc : memref<!tpu.dma_semaphore, #tpu.memory_space<semaphore_mem>>
        %dma_start3A_490 = arith.constant 0 : i32
        %dma_start3A_491 = tpu.memref_slice %arg8[%run_scoped3A_159, %dma_start3A_490] : memref<8x128xi32, #tpu.memory_space<vmem>> -> memref<1x128xi32, #tpu.memory_space<vmem>>
        %dma_start3A_492 = tpu.memref_squeeze %dma_start3A_491 : memref<1x128xi32, #tpu.memory_space<vmem>> -> memref<128xi32, #tpu.memory_space<vmem>>
        %dma_start3A_493 = arith.constant 0 : i32
        %dma_start3A_494 = arith.constant 0 : i32
        %dma_start3A_495 = tpu.memref_slice %arg12[%dma_start3A_493, %dma_start3A_494] : memref<10240x128xf32, #tpu.memory_space<vmem_shared>> -> memref<10240x128xf32, #tpu.memory_space<vmem_shared>>
        tpu.enqueue_indirect_dma source(%arg11 : memref<128x128xf32, #tpu.memory_space<vmem>>) target(%dma_start3A_495 : memref<10240x128xf32, #tpu.memory_space<vmem_shared>>) offsets(%dma_start3A_492 : memref<128xi32, #tpu.memory_space<vmem>>) semaphore(%run_scoped3A_489 : memref<!tpu.dma_semaphore, #tpu.memory_space<semaphore_mem>>) {add = true}
        %dma_wait3A_496 = arith.constant 0 : i32
        %dma_wait3A_497 = tpu.memref_slice %arg8[%run_scoped3A_159, %dma_wait3A_496] : memref<8x128xi32, #tpu.memory_space<vmem>> -> memref<1x128xi32, #tpu.memory_space<vmem>>
        %dma_wait3A_498 = tpu.memref_squeeze %dma_wait3A_497 : memref<1x128xi32, #tpu.memory_space<vmem>> -> memref<128xi32, #tpu.memory_space<vmem>>
        %dma_wait3A_499 = arith.constant 0 : i32
        %dma_wait3A_500 = arith.constant 0 : i32
        %dma_wait3A_501 = tpu.memref_slice %arg12[%dma_wait3A_499, %dma_wait3A_500] : memref<10240x128xf32, #tpu.memory_space<vmem_shared>> -> memref<10240x128xf32, #tpu.memory_space<vmem_shared>>
        tpu.wait_indirect_dma semaphore(%run_scoped3A_489 : memref<!tpu.dma_semaphore, #tpu.memory_space<semaphore_mem>>) src(%arg11 : memref<128x128xf32, #tpu.memory_space<vmem>>) dst(%dma_wait3A_501 : memref<10240x128xf32, #tpu.memory_space<vmem_shared>>)
        tpu.yield
      }) : () -> ()
      %add3A_160 = arith.constant 6 : i32
      %add3A_161 = arith.addi %mul3A_50, %add3A_160 : i32
      %add3A_162 = arith.constant 1 : i32
      %add3A_163 = arith.addi %add3A_161, %add3A_162 : i32
      %dma_start3A_164 = arith.constant 0 : i32
      %dma_start3A_165 = tpu.memref_slice %arg7[%add3A_163, %dma_start3A_164] : memref<80x128xi32, #tpu.memory_space<vmem>> -> memref<1x128xi32, #tpu.memory_space<vmem>>
      %dma_start3A_166 = tpu.memref_squeeze %dma_start3A_165 : memref<1x128xi32, #tpu.memory_space<vmem>> -> memref<128xi32, #tpu.memory_space<vmem>>
      %dma_start3A_167 = arith.constant 0 : i32
      %dma_start3A_168 = arith.constant 0 : i32
      %dma_start3A_169 = tpu.memref_slice %arg2[%dma_start3A_167, %dma_start3A_168] : memref<10000x128xf32, #tpu.memory_space<hbm>> -> memref<10000x128xf32, #tpu.memory_space<hbm>>
      tpu.enqueue_indirect_dma source(%dma_start3A_169 : memref<10000x128xf32, #tpu.memory_space<hbm>>) target(%arg11 : memref<128x128xf32, #tpu.memory_space<vmem>>) offsets(%dma_start3A_166 : memref<128xi32, #tpu.memory_space<vmem>>) semaphore(%arg14 : memref<!tpu.dma_semaphore, #tpu.memory_space<semaphore_mem>>)
      %dma_wait3A_170 = arith.constant 0 : i32
      %dma_wait3A_171 = tpu.memref_slice %arg7[%add3A_161, %dma_wait3A_170] : memref<80x128xi32, #tpu.memory_space<vmem>> -> memref<1x128xi32, #tpu.memory_space<vmem>>
      %dma_wait3A_172 = tpu.memref_squeeze %dma_wait3A_171 : memref<1x128xi32, #tpu.memory_space<vmem>> -> memref<128xi32, #tpu.memory_space<vmem>>
      %dma_wait3A_173 = arith.constant 0 : i32
      %dma_wait3A_174 = arith.constant 0 : i32
      %dma_wait3A_175 = tpu.memref_slice %arg2[%dma_wait3A_173, %dma_wait3A_174] : memref<10000x128xf32, #tpu.memory_space<hbm>> -> memref<10000x128xf32, #tpu.memory_space<hbm>>
      tpu.wait_indirect_dma semaphore(%arg13 : memref<!tpu.dma_semaphore, #tpu.memory_space<semaphore_mem>>) src(%dma_wait3A_175 : memref<10000x128xf32, #tpu.memory_space<hbm>>) dst(%arg10 : memref<128x128xf32, #tpu.memory_space<vmem>>)
      %run_scoped3A_176 = arith.constant 6 : i32
      "tpu.region"() ({
        %run_scoped3A_489 = tpu.sem_alloc : memref<!tpu.dma_semaphore, #tpu.memory_space<semaphore_mem>>
        %dma_start3A_490 = arith.constant 0 : i32
        %dma_start3A_491 = tpu.memref_slice %arg8[%run_scoped3A_176, %dma_start3A_490] : memref<8x128xi32, #tpu.memory_space<vmem>> -> memref<1x128xi32, #tpu.memory_space<vmem>>
        %dma_start3A_492 = tpu.memref_squeeze %dma_start3A_491 : memref<1x128xi32, #tpu.memory_space<vmem>> -> memref<128xi32, #tpu.memory_space<vmem>>
        %dma_start3A_493 = arith.constant 0 : i32
        %dma_start3A_494 = arith.constant 0 : i32
        %dma_start3A_495 = tpu.memref_slice %arg12[%dma_start3A_493, %dma_start3A_494] : memref<10240x128xf32, #tpu.memory_space<vmem_shared>> -> memref<10240x128xf32, #tpu.memory_space<vmem_shared>>
        tpu.enqueue_indirect_dma source(%arg10 : memref<128x128xf32, #tpu.memory_space<vmem>>) target(%dma_start3A_495 : memref<10240x128xf32, #tpu.memory_space<vmem_shared>>) offsets(%dma_start3A_492 : memref<128xi32, #tpu.memory_space<vmem>>) semaphore(%run_scoped3A_489 : memref<!tpu.dma_semaphore, #tpu.memory_space<semaphore_mem>>) {add = true}
        %dma_wait3A_496 = arith.constant 0 : i32
        %dma_wait3A_497 = tpu.memref_slice %arg8[%run_scoped3A_176, %dma_wait3A_496] : memref<8x128xi32, #tpu.memory_space<vmem>> -> memref<1x128xi32, #tpu.memory_space<vmem>>
        %dma_wait3A_498 = tpu.memref_squeeze %dma_wait3A_497 : memref<1x128xi32, #tpu.memory_space<vmem>> -> memref<128xi32, #tpu.memory_space<vmem>>
        %dma_wait3A_499 = arith.constant 0 : i32
        %dma_wait3A_500 = arith.constant 0 : i32
        %dma_wait3A_501 = tpu.memref_slice %arg12[%dma_wait3A_499, %dma_wait3A_500] : memref<10240x128xf32, #tpu.memory_space<vmem_shared>> -> memref<10240x128xf32, #tpu.memory_space<vmem_shared>>
        tpu.wait_indirect_dma semaphore(%run_scoped3A_489 : memref<!tpu.dma_semaphore, #tpu.memory_space<semaphore_mem>>) src(%arg10 : memref<128x128xf32, #tpu.memory_space<vmem>>) dst(%dma_wait3A_501 : memref<10240x128xf32, #tpu.memory_space<vmem_shared>>)
        tpu.yield
      }) : () -> ()
      %add3A_177 = arith.constant 7 : i32
      %add3A_178 = arith.addi %mul3A_50, %add3A_177 : i32
      %add3A_179 = arith.constant 1 : i32
      %add3A_180 = arith.addi %add3A_178, %add3A_179 : i32
      %dma_start3A_181 = arith.constant 0 : i32
      %dma_start3A_182 = tpu.memref_slice %arg7[%add3A_180, %dma_start3A_181] : memref<80x128xi32, #tpu.memory_space<vmem>> -> memref<1x128xi32, #tpu.memory_space<vmem>>
      %dma_start3A_183 = tpu.memref_squeeze %dma_start3A_182 : memref<1x128xi32, #tpu.memory_space<vmem>> -> memref<128xi32, #tpu.memory_space<vmem>>
      %dma_start3A_184 = arith.constant 0 : i32
      %dma_start3A_185 = arith.constant 0 : i32
      %dma_start3A_186 = tpu.memref_slice %arg2[%dma_start3A_184, %dma_start3A_185] : memref<10000x128xf32, #tpu.memory_space<hbm>> -> memref<10000x128xf32, #tpu.memory_space<hbm>>
      tpu.enqueue_indirect_dma source(%dma_start3A_186 : memref<10000x128xf32, #tpu.memory_space<hbm>>) target(%arg10 : memref<128x128xf32, #tpu.memory_space<vmem>>) offsets(%dma_start3A_183 : memref<128xi32, #tpu.memory_space<vmem>>) semaphore(%arg13 : memref<!tpu.dma_semaphore, #tpu.memory_space<semaphore_mem>>)
      %dma_wait3A_187 = arith.constant 0 : i32
      %dma_wait3A_188 = tpu.memref_slice %arg7[%add3A_178, %dma_wait3A_187] : memref<80x128xi32, #tpu.memory_space<vmem>> -> memref<1x128xi32, #tpu.memory_space<vmem>>
      %dma_wait3A_189 = tpu.memref_squeeze %dma_wait3A_188 : memref<1x128xi32, #tpu.memory_space<vmem>> -> memref<128xi32, #tpu.memory_space<vmem>>
      %dma_wait3A_190 = arith.constant 0 : i32
      %dma_wait3A_191 = arith.constant 0 : i32
      %dma_wait3A_192 = tpu.memref_slice %arg2[%dma_wait3A_190, %dma_wait3A_191] : memref<10000x128xf32, #tpu.memory_space<hbm>> -> memref<10000x128xf32, #tpu.memory_space<hbm>>
      tpu.wait_indirect_dma semaphore(%arg14 : memref<!tpu.dma_semaphore, #tpu.memory_space<semaphore_mem>>) src(%dma_wait3A_192 : memref<10000x128xf32, #tpu.memory_space<hbm>>) dst(%arg11 : memref<128x128xf32, #tpu.memory_space<vmem>>)
      %run_scoped3A_193 = arith.constant 7 : i32
      "tpu.region"() ({
        %run_scoped3A_489 = tpu.sem_alloc : memref<!tpu.dma_semaphore, #tpu.memory_space<semaphore_mem>>
        %dma_start3A_490 = arith.constant 0 : i32
        %dma_start3A_491 = tpu.memref_slice %arg8[%run_scoped3A_193, %dma_start3A_490] : memref<8x128xi32, #tpu.memory_space<vmem>> -> memref<1x128xi32, #tpu.memory_space<vmem>>
        %dma_start3A_492 = tpu.memref_squeeze %dma_start3A_491 : memref<1x128xi32, #tpu.memory_space<vmem>> -> memref<128xi32, #tpu.memory_space<vmem>>
        %dma_start3A_493 = arith.constant 0 : i32
        %dma_start3A_494 = arith.constant 0 : i32
        %dma_start3A_495 = tpu.memref_slice %arg12[%dma_start3A_493, %dma_start3A_494] : memref<10240x128xf32, #tpu.memory_space<vmem_shared>> -> memref<10240x128xf32, #tpu.memory_space<vmem_shared>>
        tpu.enqueue_indirect_dma source(%arg11 : memref<128x128xf32, #tpu.memory_space<vmem>>) target(%dma_start3A_495 : memref<10240x128xf32, #tpu.memory_space<vmem_shared>>) offsets(%dma_start3A_492 : memref<128xi32, #tpu.memory_space<vmem>>) semaphore(%run_scoped3A_489 : memref<!tpu.dma_semaphore, #tpu.memory_space<semaphore_mem>>) {add = true}
        %dma_wait3A_496 = arith.constant 0 : i32
        %dma_wait3A_497 = tpu.memref_slice %arg8[%run_scoped3A_193, %dma_wait3A_496] : memref<8x128xi32, #tpu.memory_space<vmem>> -> memref<1x128xi32, #tpu.memory_space<vmem>>
        %dma_wait3A_498 = tpu.memref_squeeze %dma_wait3A_497 : memref<1x128xi32, #tpu.memory_space<vmem>> -> memref<128xi32, #tpu.memory_space<vmem>>
        %dma_wait3A_499 = arith.constant 0 : i32
        %dma_wait3A_500 = arith.constant 0 : i32
        %dma_wait3A_501 = tpu.memref_slice %arg12[%dma_wait3A_499, %dma_wait3A_500] : memref<10240x128xf32, #tpu.memory_space<vmem_shared>> -> memref<10240x128xf32, #tpu.memory_space<vmem_shared>>
        tpu.wait_indirect_dma semaphore(%run_scoped3A_489 : memref<!tpu.dma_semaphore, #tpu.memory_space<semaphore_mem>>) src(%arg11 : memref<128x128xf32, #tpu.memory_space<vmem>>) dst(%dma_wait3A_501 : memref<10240x128xf32, #tpu.memory_space<vmem_shared>>)
        tpu.yield
      }) : () -> ()
      %add3A_194 = arith.constant 2 : i32
      %add3A_195 = arith.addi %add3A_48, %add3A_194 : i32
      %lt3A = arith.constant 10 : i32
      %lt3A_196 = arith.cmpi slt, %add3A_195, %lt3A : i32
      %convert_element_type3A = arith.extui %lt3A_196 : i1 to i32
      %cond3A = arith.constant 0 : i32
      %cond3A_197 = arith.cmpi ne, %convert_element_type3A, %cond3A : i32
      scf.if %cond3A_197 {
        %add3A_489 = arith.constant 2 : i32
        %add3A_490 = arith.addi %add3A_48, %add3A_489 : i32
        %dma_start3A_491 = arith.constant 0 : i32
        %dma_start3A_492 = arith.constant 0 : i32
        %dma_start3A_493 = tpu.memref_slice %arg4[%add3A, %add3A_490, %dma_start3A_491, %dma_start3A_492] : memref<32x10x8x128xi32, #tpu.memory_space<hbm>> -> memref<1x1x8x128xi32, #tpu.memory_space<hbm>>
        %dma_start3A_494 = tpu.memref_squeeze %dma_start3A_493 : memref<1x1x8x128xi32, #tpu.memory_space<hbm>> -> memref<8x128xi32, #tpu.memory_space<hbm>>
        %dma_start3A_495 = arith.constant 0 : i32
        %dma_start3A_496 = arith.constant 0 : i32
        %dma_start3A_497 = tpu.memref_slice %arg4[%add3A, %add3A_490, %dma_start3A_495, %dma_start3A_496] : memref<32x10x8x128xi32, #tpu.memory_space<hbm>> -> memref<1x1x8x128xi32, #tpu.memory_space<hbm>>
        %dma_start3A_498 = tpu.memref_squeeze %dma_start3A_497 : memref<1x1x8x128xi32, #tpu.memory_space<hbm>> -> memref<8x128xi32, #tpu.memory_space<hbm>>
        tpu.enqueue_dma source(%dma_start3A_498 : memref<8x128xi32, #tpu.memory_space<hbm>>) target(%arg8 : memref<8x128xi32, #tpu.memory_space<vmem>>) target_semaphore(%arg15 : memref<!tpu.dma_semaphore, #tpu.memory_space<semaphore_mem>>)
      } else {
      }
      %add3A_198 = arith.constant 1 : i32
      %add3A_199 = arith.addi %add3A_48, %add3A_198 : i32
      %dma_wait3A_200 = arith.constant 0 : i32
      %dma_wait3A_201 = arith.constant 0 : i32
      %dma_wait3A_202 = tpu.memref_slice %arg4[%add3A, %add3A_199, %dma_wait3A_200, %dma_wait3A_201] : memref<32x10x8x128xi32, #tpu.memory_space<hbm>> -> memref<1x1x8x128xi32, #tpu.memory_space<hbm>>
      %dma_wait3A_203 = tpu.memref_squeeze %dma_wait3A_202 : memref<1x1x8x128xi32, #tpu.memory_space<hbm>> -> memref<8x128xi32, #tpu.memory_space<hbm>>
      %dma_wait3A_204 = arith.constant 0 : i32
      %dma_wait3A_205 = arith.constant 0 : i32
      %dma_wait3A_206 = tpu.memref_slice %arg4[%add3A, %add3A_199, %dma_wait3A_204, %dma_wait3A_205] : memref<32x10x8x128xi32, #tpu.memory_space<hbm>> -> memref<1x1x8x128xi32, #tpu.memory_space<hbm>>
      %dma_wait3A_207 = tpu.memref_squeeze %dma_wait3A_206 : memref<1x1x8x128xi32, #tpu.memory_space<hbm>> -> memref<8x128xi32, #tpu.memory_space<hbm>>
      tpu.wait_dma2 semaphore(%arg16 : memref<!tpu.dma_semaphore, #tpu.memory_space<semaphore_mem>>) src(%dma_wait3A_207 : memref<8x128xi32, #tpu.memory_space<hbm>>) dst(%arg9 : memref<8x128xi32, #tpu.memory_space<vmem>>)
      %add3A_208 = arith.constant 8 : i32
      %add3A_209 = arith.addi %mul3A_50, %add3A_208 : i32
      %add3A_210 = arith.constant 0 : i32
      %add3A_211 = arith.addi %add3A_209, %add3A_210 : i32
      %add3A_212 = arith.constant 1 : i32
      %add3A_213 = arith.addi %add3A_211, %add3A_212 : i32
      %jit3A = arith.constant 80 : i32
      %eq3A = arith.constant 0 : i32
      %eq3A_214 = arith.cmpi eq, %jit3A, %eq3A : i32
      %jit3A_215 = arith.constant 1 : i32
      %select_n3A = arith.select %eq3A_214, %jit3A_215, %jit3A : i32
      %rem3A = arith.remsi %add3A_213, %select_n3A : i32
      %ne3A = arith.constant 0 : i32
      %ne3A_216 = arith.cmpi ne, %rem3A, %ne3A : i32
      %lt3A_217 = arith.constant 0 : i32
      %lt3A_218 = arith.cmpi slt, %rem3A, %lt3A_217 : i32
      %lt3A_219 = arith.constant 0 : i32
      %lt3A_220 = arith.cmpi slt, %select_n3A, %lt3A_219 : i32
      %ne3A_221 = arith.xori %lt3A_218, %lt3A_220 : i1
      %and3A = arith.andi %ne3A_221, %ne3A_216 : i1
      %add3A_222 = arith.addi %rem3A, %select_n3A : i32
      %select_n3A_223 = arith.select %and3A, %add3A_222, %rem3A : i32
      %dma_start3A_224 = arith.constant 0 : i32
      %dma_start3A_225 = tpu.memref_slice %arg7[%select_n3A_223, %dma_start3A_224] : memref<80x128xi32, #tpu.memory_space<vmem>> -> memref<1x128xi32, #tpu.memory_space<vmem>>
      %dma_start3A_226 = tpu.memref_squeeze %dma_start3A_225 : memref<1x128xi32, #tpu.memory_space<vmem>> -> memref<128xi32, #tpu.memory_space<vmem>>
      %dma_start3A_227 = arith.constant 0 : i32
      %dma_start3A_228 = arith.constant 0 : i32
      %dma_start3A_229 = tpu.memref_slice %arg2[%dma_start3A_227, %dma_start3A_228] : memref<10000x128xf32, #tpu.memory_space<hbm>> -> memref<10000x128xf32, #tpu.memory_space<hbm>>
      tpu.enqueue_indirect_dma source(%dma_start3A_229 : memref<10000x128xf32, #tpu.memory_space<hbm>>) target(%arg11 : memref<128x128xf32, #tpu.memory_space<vmem>>) offsets(%dma_start3A_226 : memref<128xi32, #tpu.memory_space<vmem>>) semaphore(%arg14 : memref<!tpu.dma_semaphore, #tpu.memory_space<semaphore_mem>>)
      %dma_wait3A_230 = arith.constant 0 : i32
      %dma_wait3A_231 = tpu.memref_slice %arg7[%add3A_211, %dma_wait3A_230] : memref<80x128xi32, #tpu.memory_space<vmem>> -> memref<1x128xi32, #tpu.memory_space<vmem>>
      %dma_wait3A_232 = tpu.memref_squeeze %dma_wait3A_231 : memref<1x128xi32, #tpu.memory_space<vmem>> -> memref<128xi32, #tpu.memory_space<vmem>>
      %dma_wait3A_233 = arith.constant 0 : i32
      %dma_wait3A_234 = arith.constant 0 : i32
      %dma_wait3A_235 = tpu.memref_slice %arg2[%dma_wait3A_233, %dma_wait3A_234] : memref<10000x128xf32, #tpu.memory_space<hbm>> -> memref<10000x128xf32, #tpu.memory_space<hbm>>
      tpu.wait_indirect_dma semaphore(%arg13 : memref<!tpu.dma_semaphore, #tpu.memory_space<semaphore_mem>>) src(%dma_wait3A_235 : memref<10000x128xf32, #tpu.memory_space<hbm>>) dst(%arg10 : memref<128x128xf32, #tpu.memory_space<vmem>>)
      %run_scoped3A_236 = arith.constant 0 : i32
      "tpu.region"() ({
        %run_scoped3A_489 = tpu.sem_alloc : memref<!tpu.dma_semaphore, #tpu.memory_space<semaphore_mem>>
        %dma_start3A_490 = arith.constant 0 : i32
        %dma_start3A_491 = tpu.memref_slice %arg9[%run_scoped3A_236, %dma_start3A_490] : memref<8x128xi32, #tpu.memory_space<vmem>> -> memref<1x128xi32, #tpu.memory_space<vmem>>
        %dma_start3A_492 = tpu.memref_squeeze %dma_start3A_491 : memref<1x128xi32, #tpu.memory_space<vmem>> -> memref<128xi32, #tpu.memory_space<vmem>>
        %dma_start3A_493 = arith.constant 0 : i32
        %dma_start3A_494 = arith.constant 0 : i32
        %dma_start3A_495 = tpu.memref_slice %arg12[%dma_start3A_493, %dma_start3A_494] : memref<10240x128xf32, #tpu.memory_space<vmem_shared>> -> memref<10240x128xf32, #tpu.memory_space<vmem_shared>>
        tpu.enqueue_indirect_dma source(%arg10 : memref<128x128xf32, #tpu.memory_space<vmem>>) target(%dma_start3A_495 : memref<10240x128xf32, #tpu.memory_space<vmem_shared>>) offsets(%dma_start3A_492 : memref<128xi32, #tpu.memory_space<vmem>>) semaphore(%run_scoped3A_489 : memref<!tpu.dma_semaphore, #tpu.memory_space<semaphore_mem>>) {add = true}
        %dma_wait3A_496 = arith.constant 0 : i32
        %dma_wait3A_497 = tpu.memref_slice %arg9[%run_scoped3A_236, %dma_wait3A_496] : memref<8x128xi32, #tpu.memory_space<vmem>> -> memref<1x128xi32, #tpu.memory_space<vmem>>
        %dma_wait3A_498 = tpu.memref_squeeze %dma_wait3A_497 : memref<1x128xi32, #tpu.memory_space<vmem>> -> memref<128xi32, #tpu.memory_space<vmem>>
        %dma_wait3A_499 = arith.constant 0 : i32
        %dma_wait3A_500 = arith.constant 0 : i32
        %dma_wait3A_501 = tpu.memref_slice %arg12[%dma_wait3A_499, %dma_wait3A_500] : memref<10240x128xf32, #tpu.memory_space<vmem_shared>> -> memref<10240x128xf32, #tpu.memory_space<vmem_shared>>
        tpu.wait_indirect_dma semaphore(%run_scoped3A_489 : memref<!tpu.dma_semaphore, #tpu.memory_space<semaphore_mem>>) src(%arg10 : memref<128x128xf32, #tpu.memory_space<vmem>>) dst(%dma_wait3A_501 : memref<10240x128xf32, #tpu.memory_space<vmem_shared>>)
        tpu.yield
      }) : () -> ()
      %add3A_237 = arith.constant 8 : i32
      %add3A_238 = arith.addi %mul3A_50, %add3A_237 : i32
      %add3A_239 = arith.constant 1 : i32
      %add3A_240 = arith.addi %add3A_238, %add3A_239 : i32
      %add3A_241 = arith.constant 1 : i32
      %add3A_242 = arith.addi %add3A_240, %add3A_241 : i32
      %jit3A_243 = arith.constant 80 : i32
      %eq3A_244 = arith.constant 0 : i32
      %eq3A_245 = arith.cmpi eq, %jit3A_243, %eq3A_244 : i32
      %jit3A_246 = arith.constant 1 : i32
      %select_n3A_247 = arith.select %eq3A_245, %jit3A_246, %jit3A_243 : i32
      %rem3A_248 = arith.remsi %add3A_242, %select_n3A_247 : i32
      %ne3A_249 = arith.constant 0 : i32
      %ne3A_250 = arith.cmpi ne, %rem3A_248, %ne3A_249 : i32
      %lt3A_251 = arith.constant 0 : i32
      %lt3A_252 = arith.cmpi slt, %rem3A_248, %lt3A_251 : i32
      %lt3A_253 = arith.constant 0 : i32
      %lt3A_254 = arith.cmpi slt, %select_n3A_247, %lt3A_253 : i32
      %ne3A_255 = arith.xori %lt3A_252, %lt3A_254 : i1
      %and3A_256 = arith.andi %ne3A_255, %ne3A_250 : i1
      %add3A_257 = arith.addi %rem3A_248, %select_n3A_247 : i32
      %select_n3A_258 = arith.select %and3A_256, %add3A_257, %rem3A_248 : i32
      %dma_start3A_259 = arith.constant 0 : i32
      %dma_start3A_260 = tpu.memref_slice %arg7[%select_n3A_258, %dma_start3A_259] : memref<80x128xi32, #tpu.memory_space<vmem>> -> memref<1x128xi32, #tpu.memory_space<vmem>>
      %dma_start3A_261 = tpu.memref_squeeze %dma_start3A_260 : memref<1x128xi32, #tpu.memory_space<vmem>> -> memref<128xi32, #tpu.memory_space<vmem>>
      %dma_start3A_262 = arith.constant 0 : i32
      %dma_start3A_263 = arith.constant 0 : i32
      %dma_start3A_264 = tpu.memref_slice %arg2[%dma_start3A_262, %dma_start3A_263] : memref<10000x128xf32, #tpu.memory_space<hbm>> -> memref<10000x128xf32, #tpu.memory_space<hbm>>
      tpu.enqueue_indirect_dma source(%dma_start3A_264 : memref<10000x128xf32, #tpu.memory_space<hbm>>) target(%arg10 : memref<128x128xf32, #tpu.memory_space<vmem>>) offsets(%dma_start3A_261 : memref<128xi32, #tpu.memory_space<vmem>>) semaphore(%arg13 : memref<!tpu.dma_semaphore, #tpu.memory_space<semaphore_mem>>)
      %dma_wait3A_265 = arith.constant 0 : i32
      %dma_wait3A_266 = tpu.memref_slice %arg7[%add3A_240, %dma_wait3A_265] : memref<80x128xi32, #tpu.memory_space<vmem>> -> memref<1x128xi32, #tpu.memory_space<vmem>>
      %dma_wait3A_267 = tpu.memref_squeeze %dma_wait3A_266 : memref<1x128xi32, #tpu.memory_space<vmem>> -> memref<128xi32, #tpu.memory_space<vmem>>
      %dma_wait3A_268 = arith.constant 0 : i32
      %dma_wait3A_269 = arith.constant 0 : i32
      %dma_wait3A_270 = tpu.memref_slice %arg2[%dma_wait3A_268, %dma_wait3A_269] : memref<10000x128xf32, #tpu.memory_space<hbm>> -> memref<10000x128xf32, #tpu.memory_space<hbm>>
      tpu.wait_indirect_dma semaphore(%arg14 : memref<!tpu.dma_semaphore, #tpu.memory_space<semaphore_mem>>) src(%dma_wait3A_270 : memref<10000x128xf32, #tpu.memory_space<hbm>>) dst(%arg11 : memref<128x128xf32, #tpu.memory_space<vmem>>)
      %run_scoped3A_271 = arith.constant 1 : i32
      "tpu.region"() ({
        %run_scoped3A_489 = tpu.sem_alloc : memref<!tpu.dma_semaphore, #tpu.memory_space<semaphore_mem>>
        %dma_start3A_490 = arith.constant 0 : i32
        %dma_start3A_491 = tpu.memref_slice %arg9[%run_scoped3A_271, %dma_start3A_490] : memref<8x128xi32, #tpu.memory_space<vmem>> -> memref<1x128xi32, #tpu.memory_space<vmem>>
        %dma_start3A_492 = tpu.memref_squeeze %dma_start3A_491 : memref<1x128xi32, #tpu.memory_space<vmem>> -> memref<128xi32, #tpu.memory_space<vmem>>
        %dma_start3A_493 = arith.constant 0 : i32
        %dma_start3A_494 = arith.constant 0 : i32
        %dma_start3A_495 = tpu.memref_slice %arg12[%dma_start3A_493, %dma_start3A_494] : memref<10240x128xf32, #tpu.memory_space<vmem_shared>> -> memref<10240x128xf32, #tpu.memory_space<vmem_shared>>
        tpu.enqueue_indirect_dma source(%arg11 : memref<128x128xf32, #tpu.memory_space<vmem>>) target(%dma_start3A_495 : memref<10240x128xf32, #tpu.memory_space<vmem_shared>>) offsets(%dma_start3A_492 : memref<128xi32, #tpu.memory_space<vmem>>) semaphore(%run_scoped3A_489 : memref<!tpu.dma_semaphore, #tpu.memory_space<semaphore_mem>>) {add = true}
        %dma_wait3A_496 = arith.constant 0 : i32
        %dma_wait3A_497 = tpu.memref_slice %arg9[%run_scoped3A_271, %dma_wait3A_496] : memref<8x128xi32, #tpu.memory_space<vmem>> -> memref<1x128xi32, #tpu.memory_space<vmem>>
        %dma_wait3A_498 = tpu.memref_squeeze %dma_wait3A_497 : memref<1x128xi32, #tpu.memory_space<vmem>> -> memref<128xi32, #tpu.memory_space<vmem>>
        %dma_wait3A_499 = arith.constant 0 : i32
        %dma_wait3A_500 = arith.constant 0 : i32
        %dma_wait3A_501 = tpu.memref_slice %arg12[%dma_wait3A_499, %dma_wait3A_500] : memref<10240x128xf32, #tpu.memory_space<vmem_shared>> -> memref<10240x128xf32, #tpu.memory_space<vmem_shared>>
        tpu.wait_indirect_dma semaphore(%run_scoped3A_489 : memref<!tpu.dma_semaphore, #tpu.memory_space<semaphore_mem>>) src(%arg11 : memref<128x128xf32, #tpu.memory_space<vmem>>) dst(%dma_wait3A_501 : memref<10240x128xf32, #tpu.memory_space<vmem_shared>>)
        tpu.yield
      }) : () -> ()
      %add3A_272 = arith.constant 8 : i32
      %add3A_273 = arith.addi %mul3A_50, %add3A_272 : i32
      %add3A_274 = arith.constant 2 : i32
      %add3A_275 = arith.addi %add3A_273, %add3A_274 : i32
      %add3A_276 = arith.constant 1 : i32
      %add3A_277 = arith.addi %add3A_275, %add3A_276 : i32
      %jit3A_278 = arith.constant 80 : i32
      %eq3A_279 = arith.constant 0 : i32
      %eq3A_280 = arith.cmpi eq, %jit3A_278, %eq3A_279 : i32
      %jit3A_281 = arith.constant 1 : i32
      %select_n3A_282 = arith.select %eq3A_280, %jit3A_281, %jit3A_278 : i32
      %rem3A_283 = arith.remsi %add3A_277, %select_n3A_282 : i32
      %ne3A_284 = arith.constant 0 : i32
      %ne3A_285 = arith.cmpi ne, %rem3A_283, %ne3A_284 : i32
      %lt3A_286 = arith.constant 0 : i32
      %lt3A_287 = arith.cmpi slt, %rem3A_283, %lt3A_286 : i32
      %lt3A_288 = arith.constant 0 : i32
      %lt3A_289 = arith.cmpi slt, %select_n3A_282, %lt3A_288 : i32
      %ne3A_290 = arith.xori %lt3A_287, %lt3A_289 : i1
      %and3A_291 = arith.andi %ne3A_290, %ne3A_285 : i1
      %add3A_292 = arith.addi %rem3A_283, %select_n3A_282 : i32
      %select_n3A_293 = arith.select %and3A_291, %add3A_292, %rem3A_283 : i32
      %dma_start3A_294 = arith.constant 0 : i32
      %dma_start3A_295 = tpu.memref_slice %arg7[%select_n3A_293, %dma_start3A_294] : memref<80x128xi32, #tpu.memory_space<vmem>> -> memref<1x128xi32, #tpu.memory_space<vmem>>
      %dma_start3A_296 = tpu.memref_squeeze %dma_start3A_295 : memref<1x128xi32, #tpu.memory_space<vmem>> -> memref<128xi32, #tpu.memory_space<vmem>>
      %dma_start3A_297 = arith.constant 0 : i32
      %dma_start3A_298 = arith.constant 0 : i32
      %dma_start3A_299 = tpu.memref_slice %arg2[%dma_start3A_297, %dma_start3A_298] : memref<10000x128xf32, #tpu.memory_space<hbm>> -> memref<10000x128xf32, #tpu.memory_space<hbm>>
      tpu.enqueue_indirect_dma source(%dma_start3A_299 : memref<10000x128xf32, #tpu.memory_space<hbm>>) target(%arg11 : memref<128x128xf32, #tpu.memory_space<vmem>>) offsets(%dma_start3A_296 : memref<128xi32, #tpu.memory_space<vmem>>) semaphore(%arg14 : memref<!tpu.dma_semaphore, #tpu.memory_space<semaphore_mem>>)
      %dma_wait3A_300 = arith.constant 0 : i32
      %dma_wait3A_301 = tpu.memref_slice %arg7[%add3A_275, %dma_wait3A_300] : memref<80x128xi32, #tpu.memory_space<vmem>> -> memref<1x128xi32, #tpu.memory_space<vmem>>
      %dma_wait3A_302 = tpu.memref_squeeze %dma_wait3A_301 : memref<1x128xi32, #tpu.memory_space<vmem>> -> memref<128xi32, #tpu.memory_space<vmem>>
      %dma_wait3A_303 = arith.constant 0 : i32
      %dma_wait3A_304 = arith.constant 0 : i32
      %dma_wait3A_305 = tpu.memref_slice %arg2[%dma_wait3A_303, %dma_wait3A_304] : memref<10000x128xf32, #tpu.memory_space<hbm>> -> memref<10000x128xf32, #tpu.memory_space<hbm>>
      tpu.wait_indirect_dma semaphore(%arg13 : memref<!tpu.dma_semaphore, #tpu.memory_space<semaphore_mem>>) src(%dma_wait3A_305 : memref<10000x128xf32, #tpu.memory_space<hbm>>) dst(%arg10 : memref<128x128xf32, #tpu.memory_space<vmem>>)
      %run_scoped3A_306 = arith.constant 2 : i32
      "tpu.region"() ({
        %run_scoped3A_489 = tpu.sem_alloc : memref<!tpu.dma_semaphore, #tpu.memory_space<semaphore_mem>>
        %dma_start3A_490 = arith.constant 0 : i32
        %dma_start3A_491 = tpu.memref_slice %arg9[%run_scoped3A_306, %dma_start3A_490] : memref<8x128xi32, #tpu.memory_space<vmem>> -> memref<1x128xi32, #tpu.memory_space<vmem>>
        %dma_start3A_492 = tpu.memref_squeeze %dma_start3A_491 : memref<1x128xi32, #tpu.memory_space<vmem>> -> memref<128xi32, #tpu.memory_space<vmem>>
        %dma_start3A_493 = arith.constant 0 : i32
        %dma_start3A_494 = arith.constant 0 : i32
        %dma_start3A_495 = tpu.memref_slice %arg12[%dma_start3A_493, %dma_start3A_494] : memref<10240x128xf32, #tpu.memory_space<vmem_shared>> -> memref<10240x128xf32, #tpu.memory_space<vmem_shared>>
        tpu.enqueue_indirect_dma source(%arg10 : memref<128x128xf32, #tpu.memory_space<vmem>>) target(%dma_start3A_495 : memref<10240x128xf32, #tpu.memory_space<vmem_shared>>) offsets(%dma_start3A_492 : memref<128xi32, #tpu.memory_space<vmem>>) semaphore(%run_scoped3A_489 : memref<!tpu.dma_semaphore, #tpu.memory_space<semaphore_mem>>) {add = true}
        %dma_wait3A_496 = arith.constant 0 : i32
        %dma_wait3A_497 = tpu.memref_slice %arg9[%run_scoped3A_306, %dma_wait3A_496] : memref<8x128xi32, #tpu.memory_space<vmem>> -> memref<1x128xi32, #tpu.memory_space<vmem>>
        %dma_wait3A_498 = tpu.memref_squeeze %dma_wait3A_497 : memref<1x128xi32, #tpu.memory_space<vmem>> -> memref<128xi32, #tpu.memory_space<vmem>>
        %dma_wait3A_499 = arith.constant 0 : i32
        %dma_wait3A_500 = arith.constant 0 : i32
        %dma_wait3A_501 = tpu.memref_slice %arg12[%dma_wait3A_499, %dma_wait3A_500] : memref<10240x128xf32, #tpu.memory_space<vmem_shared>> -> memref<10240x128xf32, #tpu.memory_space<vmem_shared>>
        tpu.wait_indirect_dma semaphore(%run_scoped3A_489 : memref<!tpu.dma_semaphore, #tpu.memory_space<semaphore_mem>>) src(%arg10 : memref<128x128xf32, #tpu.memory_space<vmem>>) dst(%dma_wait3A_501 : memref<10240x128xf32, #tpu.memory_space<vmem_shared>>)
        tpu.yield
      }) : () -> ()
      %add3A_307 = arith.constant 8 : i32
      %add3A_308 = arith.addi %mul3A_50, %add3A_307 : i32
      %add3A_309 = arith.constant 3 : i32
      %add3A_310 = arith.addi %add3A_308, %add3A_309 : i32
      %add3A_311 = arith.constant 1 : i32
      %add3A_312 = arith.addi %add3A_310, %add3A_311 : i32
      %jit3A_313 = arith.constant 80 : i32
      %eq3A_314 = arith.constant 0 : i32
      %eq3A_315 = arith.cmpi eq, %jit3A_313, %eq3A_314 : i32
      %jit3A_316 = arith.constant 1 : i32
      %select_n3A_317 = arith.select %eq3A_315, %jit3A_316, %jit3A_313 : i32
      %rem3A_318 = arith.remsi %add3A_312, %select_n3A_317 : i32
      %ne3A_319 = arith.constant 0 : i32
      %ne3A_320 = arith.cmpi ne, %rem3A_318, %ne3A_319 : i32
      %lt3A_321 = arith.constant 0 : i32
      %lt3A_322 = arith.cmpi slt, %rem3A_318, %lt3A_321 : i32
      %lt3A_323 = arith.constant 0 : i32
      %lt3A_324 = arith.cmpi slt, %select_n3A_317, %lt3A_323 : i32
      %ne3A_325 = arith.xori %lt3A_322, %lt3A_324 : i1
      %and3A_326 = arith.andi %ne3A_325, %ne3A_320 : i1
      %add3A_327 = arith.addi %rem3A_318, %select_n3A_317 : i32
      %select_n3A_328 = arith.select %and3A_326, %add3A_327, %rem3A_318 : i32
      %dma_start3A_329 = arith.constant 0 : i32
      %dma_start3A_330 = tpu.memref_slice %arg7[%select_n3A_328, %dma_start3A_329] : memref<80x128xi32, #tpu.memory_space<vmem>> -> memref<1x128xi32, #tpu.memory_space<vmem>>
      %dma_start3A_331 = tpu.memref_squeeze %dma_start3A_330 : memref<1x128xi32, #tpu.memory_space<vmem>> -> memref<128xi32, #tpu.memory_space<vmem>>
      %dma_start3A_332 = arith.constant 0 : i32
      %dma_start3A_333 = arith.constant 0 : i32
      %dma_start3A_334 = tpu.memref_slice %arg2[%dma_start3A_332, %dma_start3A_333] : memref<10000x128xf32, #tpu.memory_space<hbm>> -> memref<10000x128xf32, #tpu.memory_space<hbm>>
      tpu.enqueue_indirect_dma source(%dma_start3A_334 : memref<10000x128xf32, #tpu.memory_space<hbm>>) target(%arg10 : memref<128x128xf32, #tpu.memory_space<vmem>>) offsets(%dma_start3A_331 : memref<128xi32, #tpu.memory_space<vmem>>) semaphore(%arg13 : memref<!tpu.dma_semaphore, #tpu.memory_space<semaphore_mem>>)
      %dma_wait3A_335 = arith.constant 0 : i32
      %dma_wait3A_336 = tpu.memref_slice %arg7[%add3A_310, %dma_wait3A_335] : memref<80x128xi32, #tpu.memory_space<vmem>> -> memref<1x128xi32, #tpu.memory_space<vmem>>
      %dma_wait3A_337 = tpu.memref_squeeze %dma_wait3A_336 : memref<1x128xi32, #tpu.memory_space<vmem>> -> memref<128xi32, #tpu.memory_space<vmem>>
      %dma_wait3A_338 = arith.constant 0 : i32
      %dma_wait3A_339 = arith.constant 0 : i32
      %dma_wait3A_340 = tpu.memref_slice %arg2[%dma_wait3A_338, %dma_wait3A_339] : memref<10000x128xf32, #tpu.memory_space<hbm>> -> memref<10000x128xf32, #tpu.memory_space<hbm>>
      tpu.wait_indirect_dma semaphore(%arg14 : memref<!tpu.dma_semaphore, #tpu.memory_space<semaphore_mem>>) src(%dma_wait3A_340 : memref<10000x128xf32, #tpu.memory_space<hbm>>) dst(%arg11 : memref<128x128xf32, #tpu.memory_space<vmem>>)
      %run_scoped3A_341 = arith.constant 3 : i32
      "tpu.region"() ({
        %run_scoped3A_489 = tpu.sem_alloc : memref<!tpu.dma_semaphore, #tpu.memory_space<semaphore_mem>>
        %dma_start3A_490 = arith.constant 0 : i32
        %dma_start3A_491 = tpu.memref_slice %arg9[%run_scoped3A_341, %dma_start3A_490] : memref<8x128xi32, #tpu.memory_space<vmem>> -> memref<1x128xi32, #tpu.memory_space<vmem>>
        %dma_start3A_492 = tpu.memref_squeeze %dma_start3A_491 : memref<1x128xi32, #tpu.memory_space<vmem>> -> memref<128xi32, #tpu.memory_space<vmem>>
        %dma_start3A_493 = arith.constant 0 : i32
        %dma_start3A_494 = arith.constant 0 : i32
        %dma_start3A_495 = tpu.memref_slice %arg12[%dma_start3A_493, %dma_start3A_494] : memref<10240x128xf32, #tpu.memory_space<vmem_shared>> -> memref<10240x128xf32, #tpu.memory_space<vmem_shared>>
        tpu.enqueue_indirect_dma source(%arg11 : memref<128x128xf32, #tpu.memory_space<vmem>>) target(%dma_start3A_495 : memref<10240x128xf32, #tpu.memory_space<vmem_shared>>) offsets(%dma_start3A_492 : memref<128xi32, #tpu.memory_space<vmem>>) semaphore(%run_scoped3A_489 : memref<!tpu.dma_semaphore, #tpu.memory_space<semaphore_mem>>) {add = true}
        %dma_wait3A_496 = arith.constant 0 : i32
        %dma_wait3A_497 = tpu.memref_slice %arg9[%run_scoped3A_341, %dma_wait3A_496] : memref<8x128xi32, #tpu.memory_space<vmem>> -> memref<1x128xi32, #tpu.memory_space<vmem>>
        %dma_wait3A_498 = tpu.memref_squeeze %dma_wait3A_497 : memref<1x128xi32, #tpu.memory_space<vmem>> -> memref<128xi32, #tpu.memory_space<vmem>>
        %dma_wait3A_499 = arith.constant 0 : i32
        %dma_wait3A_500 = arith.constant 0 : i32
        %dma_wait3A_501 = tpu.memref_slice %arg12[%dma_wait3A_499, %dma_wait3A_500] : memref<10240x128xf32, #tpu.memory_space<vmem_shared>> -> memref<10240x128xf32, #tpu.memory_space<vmem_shared>>
        tpu.wait_indirect_dma semaphore(%run_scoped3A_489 : memref<!tpu.dma_semaphore, #tpu.memory_space<semaphore_mem>>) src(%arg11 : memref<128x128xf32, #tpu.memory_space<vmem>>) dst(%dma_wait3A_501 : memref<10240x128xf32, #tpu.memory_space<vmem_shared>>)
        tpu.yield
      }) : () -> ()
      %add3A_342 = arith.constant 8 : i32
      %add3A_343 = arith.addi %mul3A_50, %add3A_342 : i32
      %add3A_344 = arith.constant 4 : i32
      %add3A_345 = arith.addi %add3A_343, %add3A_344 : i32
      %add3A_346 = arith.constant 1 : i32
      %add3A_347 = arith.addi %add3A_345, %add3A_346 : i32
      %jit3A_348 = arith.constant 80 : i32
      %eq3A_349 = arith.constant 0 : i32
      %eq3A_350 = arith.cmpi eq, %jit3A_348, %eq3A_349 : i32
      %jit3A_351 = arith.constant 1 : i32
      %select_n3A_352 = arith.select %eq3A_350, %jit3A_351, %jit3A_348 : i32
      %rem3A_353 = arith.remsi %add3A_347, %select_n3A_352 : i32
      %ne3A_354 = arith.constant 0 : i32
      %ne3A_355 = arith.cmpi ne, %rem3A_353, %ne3A_354 : i32
      %lt3A_356 = arith.constant 0 : i32
      %lt3A_357 = arith.cmpi slt, %rem3A_353, %lt3A_356 : i32
      %lt3A_358 = arith.constant 0 : i32
      %lt3A_359 = arith.cmpi slt, %select_n3A_352, %lt3A_358 : i32
      %ne3A_360 = arith.xori %lt3A_357, %lt3A_359 : i1
      %and3A_361 = arith.andi %ne3A_360, %ne3A_355 : i1
      %add3A_362 = arith.addi %rem3A_353, %select_n3A_352 : i32
      %select_n3A_363 = arith.select %and3A_361, %add3A_362, %rem3A_353 : i32
      %dma_start3A_364 = arith.constant 0 : i32
      %dma_start3A_365 = tpu.memref_slice %arg7[%select_n3A_363, %dma_start3A_364] : memref<80x128xi32, #tpu.memory_space<vmem>> -> memref<1x128xi32, #tpu.memory_space<vmem>>
      %dma_start3A_366 = tpu.memref_squeeze %dma_start3A_365 : memref<1x128xi32, #tpu.memory_space<vmem>> -> memref<128xi32, #tpu.memory_space<vmem>>
      %dma_start3A_367 = arith.constant 0 : i32
      %dma_start3A_368 = arith.constant 0 : i32
      %dma_start3A_369 = tpu.memref_slice %arg2[%dma_start3A_367, %dma_start3A_368] : memref<10000x128xf32, #tpu.memory_space<hbm>> -> memref<10000x128xf32, #tpu.memory_space<hbm>>
      tpu.enqueue_indirect_dma source(%dma_start3A_369 : memref<10000x128xf32, #tpu.memory_space<hbm>>) target(%arg11 : memref<128x128xf32, #tpu.memory_space<vmem>>) offsets(%dma_start3A_366 : memref<128xi32, #tpu.memory_space<vmem>>) semaphore(%arg14 : memref<!tpu.dma_semaphore, #tpu.memory_space<semaphore_mem>>)
      %dma_wait3A_370 = arith.constant 0 : i32
      %dma_wait3A_371 = tpu.memref_slice %arg7[%add3A_345, %dma_wait3A_370] : memref<80x128xi32, #tpu.memory_space<vmem>> -> memref<1x128xi32, #tpu.memory_space<vmem>>
      %dma_wait3A_372 = tpu.memref_squeeze %dma_wait3A_371 : memref<1x128xi32, #tpu.memory_space<vmem>> -> memref<128xi32, #tpu.memory_space<vmem>>
      %dma_wait3A_373 = arith.constant 0 : i32
      %dma_wait3A_374 = arith.constant 0 : i32
      %dma_wait3A_375 = tpu.memref_slice %arg2[%dma_wait3A_373, %dma_wait3A_374] : memref<10000x128xf32, #tpu.memory_space<hbm>> -> memref<10000x128xf32, #tpu.memory_space<hbm>>
      tpu.wait_indirect_dma semaphore(%arg13 : memref<!tpu.dma_semaphore, #tpu.memory_space<semaphore_mem>>) src(%dma_wait3A_375 : memref<10000x128xf32, #tpu.memory_space<hbm>>) dst(%arg10 : memref<128x128xf32, #tpu.memory_space<vmem>>)
      %run_scoped3A_376 = arith.constant 4 : i32
      "tpu.region"() ({
        %run_scoped3A_489 = tpu.sem_alloc : memref<!tpu.dma_semaphore, #tpu.memory_space<semaphore_mem>>
        %dma_start3A_490 = arith.constant 0 : i32
        %dma_start3A_491 = tpu.memref_slice %arg9[%run_scoped3A_376, %dma_start3A_490] : memref<8x128xi32, #tpu.memory_space<vmem>> -> memref<1x128xi32, #tpu.memory_space<vmem>>
        %dma_start3A_492 = tpu.memref_squeeze %dma_start3A_491 : memref<1x128xi32, #tpu.memory_space<vmem>> -> memref<128xi32, #tpu.memory_space<vmem>>
        %dma_start3A_493 = arith.constant 0 : i32
        %dma_start3A_494 = arith.constant 0 : i32
        %dma_start3A_495 = tpu.memref_slice %arg12[%dma_start3A_493, %dma_start3A_494] : memref<10240x128xf32, #tpu.memory_space<vmem_shared>> -> memref<10240x128xf32, #tpu.memory_space<vmem_shared>>
        tpu.enqueue_indirect_dma source(%arg10 : memref<128x128xf32, #tpu.memory_space<vmem>>) target(%dma_start3A_495 : memref<10240x128xf32, #tpu.memory_space<vmem_shared>>) offsets(%dma_start3A_492 : memref<128xi32, #tpu.memory_space<vmem>>) semaphore(%run_scoped3A_489 : memref<!tpu.dma_semaphore, #tpu.memory_space<semaphore_mem>>) {add = true}
        %dma_wait3A_496 = arith.constant 0 : i32
        %dma_wait3A_497 = tpu.memref_slice %arg9[%run_scoped3A_376, %dma_wait3A_496] : memref<8x128xi32, #tpu.memory_space<vmem>> -> memref<1x128xi32, #tpu.memory_space<vmem>>
        %dma_wait3A_498 = tpu.memref_squeeze %dma_wait3A_497 : memref<1x128xi32, #tpu.memory_space<vmem>> -> memref<128xi32, #tpu.memory_space<vmem>>
        %dma_wait3A_499 = arith.constant 0 : i32
        %dma_wait3A_500 = arith.constant 0 : i32
        %dma_wait3A_501 = tpu.memref_slice %arg12[%dma_wait3A_499, %dma_wait3A_500] : memref<10240x128xf32, #tpu.memory_space<vmem_shared>> -> memref<10240x128xf32, #tpu.memory_space<vmem_shared>>
        tpu.wait_indirect_dma semaphore(%run_scoped3A_489 : memref<!tpu.dma_semaphore, #tpu.memory_space<semaphore_mem>>) src(%arg10 : memref<128x128xf32, #tpu.memory_space<vmem>>) dst(%dma_wait3A_501 : memref<10240x128xf32, #tpu.memory_space<vmem_shared>>)
        tpu.yield
      }) : () -> ()
      %add3A_377 = arith.constant 8 : i32
      %add3A_378 = arith.addi %mul3A_50, %add3A_377 : i32
      %add3A_379 = arith.constant 5 : i32
      %add3A_380 = arith.addi %add3A_378, %add3A_379 : i32
      %add3A_381 = arith.constant 1 : i32
      %add3A_382 = arith.addi %add3A_380, %add3A_381 : i32
      %jit3A_383 = arith.constant 80 : i32
      %eq3A_384 = arith.constant 0 : i32
      %eq3A_385 = arith.cmpi eq, %jit3A_383, %eq3A_384 : i32
      %jit3A_386 = arith.constant 1 : i32
      %select_n3A_387 = arith.select %eq3A_385, %jit3A_386, %jit3A_383 : i32
      %rem3A_388 = arith.remsi %add3A_382, %select_n3A_387 : i32
      %ne3A_389 = arith.constant 0 : i32
      %ne3A_390 = arith.cmpi ne, %rem3A_388, %ne3A_389 : i32
      %lt3A_391 = arith.constant 0 : i32
      %lt3A_392 = arith.cmpi slt, %rem3A_388, %lt3A_391 : i32
      %lt3A_393 = arith.constant 0 : i32
      %lt3A_394 = arith.cmpi slt, %select_n3A_387, %lt3A_393 : i32
      %ne3A_395 = arith.xori %lt3A_392, %lt3A_394 : i1
      %and3A_396 = arith.andi %ne3A_395, %ne3A_390 : i1
      %add3A_397 = arith.addi %rem3A_388, %select_n3A_387 : i32
      %select_n3A_398 = arith.select %and3A_396, %add3A_397, %rem3A_388 : i32
      %dma_start3A_399 = arith.constant 0 : i32
      %dma_start3A_400 = tpu.memref_slice %arg7[%select_n3A_398, %dma_start3A_399] : memref<80x128xi32, #tpu.memory_space<vmem>> -> memref<1x128xi32, #tpu.memory_space<vmem>>
      %dma_start3A_401 = tpu.memref_squeeze %dma_start3A_400 : memref<1x128xi32, #tpu.memory_space<vmem>> -> memref<128xi32, #tpu.memory_space<vmem>>
      %dma_start3A_402 = arith.constant 0 : i32
      %dma_start3A_403 = arith.constant 0 : i32
      %dma_start3A_404 = tpu.memref_slice %arg2[%dma_start3A_402, %dma_start3A_403] : memref<10000x128xf32, #tpu.memory_space<hbm>> -> memref<10000x128xf32, #tpu.memory_space<hbm>>
      tpu.enqueue_indirect_dma source(%dma_start3A_404 : memref<10000x128xf32, #tpu.memory_space<hbm>>) target(%arg10 : memref<128x128xf32, #tpu.memory_space<vmem>>) offsets(%dma_start3A_401 : memref<128xi32, #tpu.memory_space<vmem>>) semaphore(%arg13 : memref<!tpu.dma_semaphore, #tpu.memory_space<semaphore_mem>>)
      %dma_wait3A_405 = arith.constant 0 : i32
      %dma_wait3A_406 = tpu.memref_slice %arg7[%add3A_380, %dma_wait3A_405] : memref<80x128xi32, #tpu.memory_space<vmem>> -> memref<1x128xi32, #tpu.memory_space<vmem>>
      %dma_wait3A_407 = tpu.memref_squeeze %dma_wait3A_406 : memref<1x128xi32, #tpu.memory_space<vmem>> -> memref<128xi32, #tpu.memory_space<vmem>>
      %dma_wait3A_408 = arith.constant 0 : i32
      %dma_wait3A_409 = arith.constant 0 : i32
      %dma_wait3A_410 = tpu.memref_slice %arg2[%dma_wait3A_408, %dma_wait3A_409] : memref<10000x128xf32, #tpu.memory_space<hbm>> -> memref<10000x128xf32, #tpu.memory_space<hbm>>
      tpu.wait_indirect_dma semaphore(%arg14 : memref<!tpu.dma_semaphore, #tpu.memory_space<semaphore_mem>>) src(%dma_wait3A_410 : memref<10000x128xf32, #tpu.memory_space<hbm>>) dst(%arg11 : memref<128x128xf32, #tpu.memory_space<vmem>>)
      %run_scoped3A_411 = arith.constant 5 : i32
      "tpu.region"() ({
        %run_scoped3A_489 = tpu.sem_alloc : memref<!tpu.dma_semaphore, #tpu.memory_space<semaphore_mem>>
        %dma_start3A_490 = arith.constant 0 : i32
        %dma_start3A_491 = tpu.memref_slice %arg9[%run_scoped3A_411, %dma_start3A_490] : memref<8x128xi32, #tpu.memory_space<vmem>> -> memref<1x128xi32, #tpu.memory_space<vmem>>
        %dma_start3A_492 = tpu.memref_squeeze %dma_start3A_491 : memref<1x128xi32, #tpu.memory_space<vmem>> -> memref<128xi32, #tpu.memory_space<vmem>>
        %dma_start3A_493 = arith.constant 0 : i32
        %dma_start3A_494 = arith.constant 0 : i32
        %dma_start3A_495 = tpu.memref_slice %arg12[%dma_start3A_493, %dma_start3A_494] : memref<10240x128xf32, #tpu.memory_space<vmem_shared>> -> memref<10240x128xf32, #tpu.memory_space<vmem_shared>>
        tpu.enqueue_indirect_dma source(%arg11 : memref<128x128xf32, #tpu.memory_space<vmem>>) target(%dma_start3A_495 : memref<10240x128xf32, #tpu.memory_space<vmem_shared>>) offsets(%dma_start3A_492 : memref<128xi32, #tpu.memory_space<vmem>>) semaphore(%run_scoped3A_489 : memref<!tpu.dma_semaphore, #tpu.memory_space<semaphore_mem>>) {add = true}
        %dma_wait3A_496 = arith.constant 0 : i32
        %dma_wait3A_497 = tpu.memref_slice %arg9[%run_scoped3A_411, %dma_wait3A_496] : memref<8x128xi32, #tpu.memory_space<vmem>> -> memref<1x128xi32, #tpu.memory_space<vmem>>
        %dma_wait3A_498 = tpu.memref_squeeze %dma_wait3A_497 : memref<1x128xi32, #tpu.memory_space<vmem>> -> memref<128xi32, #tpu.memory_space<vmem>>
        %dma_wait3A_499 = arith.constant 0 : i32
        %dma_wait3A_500 = arith.constant 0 : i32
        %dma_wait3A_501 = tpu.memref_slice %arg12[%dma_wait3A_499, %dma_wait3A_500] : memref<10240x128xf32, #tpu.memory_space<vmem_shared>> -> memref<10240x128xf32, #tpu.memory_space<vmem_shared>>
        tpu.wait_indirect_dma semaphore(%run_scoped3A_489 : memref<!tpu.dma_semaphore, #tpu.memory_space<semaphore_mem>>) src(%arg11 : memref<128x128xf32, #tpu.memory_space<vmem>>) dst(%dma_wait3A_501 : memref<10240x128xf32, #tpu.memory_space<vmem_shared>>)
        tpu.yield
      }) : () -> ()
      %add3A_412 = arith.constant 8 : i32
      %add3A_413 = arith.addi %mul3A_50, %add3A_412 : i32
      %add3A_414 = arith.constant 6 : i32
      %add3A_415 = arith.addi %add3A_413, %add3A_414 : i32
      %add3A_416 = arith.constant 1 : i32
      %add3A_417 = arith.addi %add3A_415, %add3A_416 : i32
      %jit3A_418 = arith.constant 80 : i32
      %eq3A_419 = arith.constant 0 : i32
      %eq3A_420 = arith.cmpi eq, %jit3A_418, %eq3A_419 : i32
      %jit3A_421 = arith.constant 1 : i32
      %select_n3A_422 = arith.select %eq3A_420, %jit3A_421, %jit3A_418 : i32
      %rem3A_423 = arith.remsi %add3A_417, %select_n3A_422 : i32
      %ne3A_424 = arith.constant 0 : i32
      %ne3A_425 = arith.cmpi ne, %rem3A_423, %ne3A_424 : i32
      %lt3A_426 = arith.constant 0 : i32
      %lt3A_427 = arith.cmpi slt, %rem3A_423, %lt3A_426 : i32
      %lt3A_428 = arith.constant 0 : i32
      %lt3A_429 = arith.cmpi slt, %select_n3A_422, %lt3A_428 : i32
      %ne3A_430 = arith.xori %lt3A_427, %lt3A_429 : i1
      %and3A_431 = arith.andi %ne3A_430, %ne3A_425 : i1
      %add3A_432 = arith.addi %rem3A_423, %select_n3A_422 : i32
      %select_n3A_433 = arith.select %and3A_431, %add3A_432, %rem3A_423 : i32
      %dma_start3A_434 = arith.constant 0 : i32
      %dma_start3A_435 = tpu.memref_slice %arg7[%select_n3A_433, %dma_start3A_434] : memref<80x128xi32, #tpu.memory_space<vmem>> -> memref<1x128xi32, #tpu.memory_space<vmem>>
      %dma_start3A_436 = tpu.memref_squeeze %dma_start3A_435 : memref<1x128xi32, #tpu.memory_space<vmem>> -> memref<128xi32, #tpu.memory_space<vmem>>
      %dma_start3A_437 = arith.constant 0 : i32
      %dma_start3A_438 = arith.constant 0 : i32
      %dma_start3A_439 = tpu.memref_slice %arg2[%dma_start3A_437, %dma_start3A_438] : memref<10000x128xf32, #tpu.memory_space<hbm>> -> memref<10000x128xf32, #tpu.memory_space<hbm>>
      tpu.enqueue_indirect_dma source(%dma_start3A_439 : memref<10000x128xf32, #tpu.memory_space<hbm>>) target(%arg11 : memref<128x128xf32, #tpu.memory_space<vmem>>) offsets(%dma_start3A_436 : memref<128xi32, #tpu.memory_space<vmem>>) semaphore(%arg14 : memref<!tpu.dma_semaphore, #tpu.memory_space<semaphore_mem>>)
      %dma_wait3A_440 = arith.constant 0 : i32
      %dma_wait3A_441 = tpu.memref_slice %arg7[%add3A_415, %dma_wait3A_440] : memref<80x128xi32, #tpu.memory_space<vmem>> -> memref<1x128xi32, #tpu.memory_space<vmem>>
      %dma_wait3A_442 = tpu.memref_squeeze %dma_wait3A_441 : memref<1x128xi32, #tpu.memory_space<vmem>> -> memref<128xi32, #tpu.memory_space<vmem>>
      %dma_wait3A_443 = arith.constant 0 : i32
      %dma_wait3A_444 = arith.constant 0 : i32
      %dma_wait3A_445 = tpu.memref_slice %arg2[%dma_wait3A_443, %dma_wait3A_444] : memref<10000x128xf32, #tpu.memory_space<hbm>> -> memref<10000x128xf32, #tpu.memory_space<hbm>>
      tpu.wait_indirect_dma semaphore(%arg13 : memref<!tpu.dma_semaphore, #tpu.memory_space<semaphore_mem>>) src(%dma_wait3A_445 : memref<10000x128xf32, #tpu.memory_space<hbm>>) dst(%arg10 : memref<128x128xf32, #tpu.memory_space<vmem>>)
      %run_scoped3A_446 = arith.constant 6 : i32
      "tpu.region"() ({
        %run_scoped3A_489 = tpu.sem_alloc : memref<!tpu.dma_semaphore, #tpu.memory_space<semaphore_mem>>
        %dma_start3A_490 = arith.constant 0 : i32
        %dma_start3A_491 = tpu.memref_slice %arg9[%run_scoped3A_446, %dma_start3A_490] : memref<8x128xi32, #tpu.memory_space<vmem>> -> memref<1x128xi32, #tpu.memory_space<vmem>>
        %dma_start3A_492 = tpu.memref_squeeze %dma_start3A_491 : memref<1x128xi32, #tpu.memory_space<vmem>> -> memref<128xi32, #tpu.memory_space<vmem>>
        %dma_start3A_493 = arith.constant 0 : i32
        %dma_start3A_494 = arith.constant 0 : i32
        %dma_start3A_495 = tpu.memref_slice %arg12[%dma_start3A_493, %dma_start3A_494] : memref<10240x128xf32, #tpu.memory_space<vmem_shared>> -> memref<10240x128xf32, #tpu.memory_space<vmem_shared>>
        tpu.enqueue_indirect_dma source(%arg10 : memref<128x128xf32, #tpu.memory_space<vmem>>) target(%dma_start3A_495 : memref<10240x128xf32, #tpu.memory_space<vmem_shared>>) offsets(%dma_start3A_492 : memref<128xi32, #tpu.memory_space<vmem>>) semaphore(%run_scoped3A_489 : memref<!tpu.dma_semaphore, #tpu.memory_space<semaphore_mem>>) {add = true}
        %dma_wait3A_496 = arith.constant 0 : i32
        %dma_wait3A_497 = tpu.memref_slice %arg9[%run_scoped3A_446, %dma_wait3A_496] : memref<8x128xi32, #tpu.memory_space<vmem>> -> memref<1x128xi32, #tpu.memory_space<vmem>>
        %dma_wait3A_498 = tpu.memref_squeeze %dma_wait3A_497 : memref<1x128xi32, #tpu.memory_space<vmem>> -> memref<128xi32, #tpu.memory_space<vmem>>
        %dma_wait3A_499 = arith.constant 0 : i32
        %dma_wait3A_500 = arith.constant 0 : i32
        %dma_wait3A_501 = tpu.memref_slice %arg12[%dma_wait3A_499, %dma_wait3A_500] : memref<10240x128xf32, #tpu.memory_space<vmem_shared>> -> memref<10240x128xf32, #tpu.memory_space<vmem_shared>>
        tpu.wait_indirect_dma semaphore(%run_scoped3A_489 : memref<!tpu.dma_semaphore, #tpu.memory_space<semaphore_mem>>) src(%arg10 : memref<128x128xf32, #tpu.memory_space<vmem>>) dst(%dma_wait3A_501 : memref<10240x128xf32, #tpu.memory_space<vmem_shared>>)
        tpu.yield
      }) : () -> ()
      %add3A_447 = arith.constant 8 : i32
      %add3A_448 = arith.addi %mul3A_50, %add3A_447 : i32
      %add3A_449 = arith.constant 7 : i32
      %add3A_450 = arith.addi %add3A_448, %add3A_449 : i32
      %add3A_451 = arith.constant 1 : i32
      %add3A_452 = arith.addi %add3A_450, %add3A_451 : i32
      %jit3A_453 = arith.constant 80 : i32
      %eq3A_454 = arith.constant 0 : i32
      %eq3A_455 = arith.cmpi eq, %jit3A_453, %eq3A_454 : i32
      %jit3A_456 = arith.constant 1 : i32
      %select_n3A_457 = arith.select %eq3A_455, %jit3A_456, %jit3A_453 : i32
      %rem3A_458 = arith.remsi %add3A_452, %select_n3A_457 : i32
      %ne3A_459 = arith.constant 0 : i32
      %ne3A_460 = arith.cmpi ne, %rem3A_458, %ne3A_459 : i32
      %lt3A_461 = arith.constant 0 : i32
      %lt3A_462 = arith.cmpi slt, %rem3A_458, %lt3A_461 : i32
      %lt3A_463 = arith.constant 0 : i32
      %lt3A_464 = arith.cmpi slt, %select_n3A_457, %lt3A_463 : i32
      %ne3A_465 = arith.xori %lt3A_462, %lt3A_464 : i1
      %and3A_466 = arith.andi %ne3A_465, %ne3A_460 : i1
      %add3A_467 = arith.addi %rem3A_458, %select_n3A_457 : i32
      %select_n3A_468 = arith.select %and3A_466, %add3A_467, %rem3A_458 : i32
      %dma_start3A_469 = arith.constant 0 : i32
      %dma_start3A_470 = tpu.memref_slice %arg7[%select_n3A_468, %dma_start3A_469] : memref<80x128xi32, #tpu.memory_space<vmem>> -> memref<1x128xi32, #tpu.memory_space<vmem>>
      %dma_start3A_471 = tpu.memref_squeeze %dma_start3A_470 : memref<1x128xi32, #tpu.memory_space<vmem>> -> memref<128xi32, #tpu.memory_space<vmem>>
      %dma_start3A_472 = arith.constant 0 : i32
      %dma_start3A_473 = arith.constant 0 : i32
      %dma_start3A_474 = tpu.memref_slice %arg2[%dma_start3A_472, %dma_start3A_473] : memref<10000x128xf32, #tpu.memory_space<hbm>> -> memref<10000x128xf32, #tpu.memory_space<hbm>>
      tpu.enqueue_indirect_dma source(%dma_start3A_474 : memref<10000x128xf32, #tpu.memory_space<hbm>>) target(%arg10 : memref<128x128xf32, #tpu.memory_space<vmem>>) offsets(%dma_start3A_471 : memref<128xi32, #tpu.memory_space<vmem>>) semaphore(%arg13 : memref<!tpu.dma_semaphore, #tpu.memory_space<semaphore_mem>>)
      %dma_wait3A_475 = arith.constant 0 : i32
      %dma_wait3A_476 = tpu.memref_slice %arg7[%add3A_450, %dma_wait3A_475] : memref<80x128xi32, #tpu.memory_space<vmem>> -> memref<1x128xi32, #tpu.memory_space<vmem>>
      %dma_wait3A_477 = tpu.memref_squeeze %dma_wait3A_476 : memref<1x128xi32, #tpu.memory_space<vmem>> -> memref<128xi32, #tpu.memory_space<vmem>>
      %dma_wait3A_478 = arith.constant 0 : i32
      %dma_wait3A_479 = arith.constant 0 : i32
      %dma_wait3A_480 = tpu.memref_slice %arg2[%dma_wait3A_478, %dma_wait3A_479] : memref<10000x128xf32, #tpu.memory_space<hbm>> -> memref<10000x128xf32, #tpu.memory_space<hbm>>
      tpu.wait_indirect_dma semaphore(%arg14 : memref<!tpu.dma_semaphore, #tpu.memory_space<semaphore_mem>>) src(%dma_wait3A_480 : memref<10000x128xf32, #tpu.memory_space<hbm>>) dst(%arg11 : memref<128x128xf32, #tpu.memory_space<vmem>>)
      %run_scoped3A_481 = arith.constant 7 : i32
      "tpu.region"() ({
        %run_scoped3A_489 = tpu.sem_alloc : memref<!tpu.dma_semaphore, #tpu.memory_space<semaphore_mem>>
        %dma_start3A_490 = arith.constant 0 : i32
        %dma_start3A_491 = tpu.memref_slice %arg9[%run_scoped3A_481, %dma_start3A_490] : memref<8x128xi32, #tpu.memory_space<vmem>> -> memref<1x128xi32, #tpu.memory_space<vmem>>
        %dma_start3A_492 = tpu.memref_squeeze %dma_start3A_491 : memref<1x128xi32, #tpu.memory_space<vmem>> -> memref<128xi32, #tpu.memory_space<vmem>>
        %dma_start3A_493 = arith.constant 0 : i32
        %dma_start3A_494 = arith.constant 0 : i32
        %dma_start3A_495 = tpu.memref_slice %arg12[%dma_start3A_493, %dma_start3A_494] : memref<10240x128xf32, #tpu.memory_space<vmem_shared>> -> memref<10240x128xf32, #tpu.memory_space<vmem_shared>>
        tpu.enqueue_indirect_dma source(%arg11 : memref<128x128xf32, #tpu.memory_space<vmem>>) target(%dma_start3A_495 : memref<10240x128xf32, #tpu.memory_space<vmem_shared>>) offsets(%dma_start3A_492 : memref<128xi32, #tpu.memory_space<vmem>>) semaphore(%run_scoped3A_489 : memref<!tpu.dma_semaphore, #tpu.memory_space<semaphore_mem>>) {add = true}
        %dma_wait3A_496 = arith.constant 0 : i32
        %dma_wait3A_497 = tpu.memref_slice %arg9[%run_scoped3A_481, %dma_wait3A_496] : memref<8x128xi32, #tpu.memory_space<vmem>> -> memref<1x128xi32, #tpu.memory_space<vmem>>
        %dma_wait3A_498 = tpu.memref_squeeze %dma_wait3A_497 : memref<1x128xi32, #tpu.memory_space<vmem>> -> memref<128xi32, #tpu.memory_space<vmem>>
        %dma_wait3A_499 = arith.constant 0 : i32
        %dma_wait3A_500 = arith.constant 0 : i32
        %dma_wait3A_501 = tpu.memref_slice %arg12[%dma_wait3A_499, %dma_wait3A_500] : memref<10240x128xf32, #tpu.memory_space<vmem_shared>> -> memref<10240x128xf32, #tpu.memory_space<vmem_shared>>
        tpu.wait_indirect_dma semaphore(%run_scoped3A_489 : memref<!tpu.dma_semaphore, #tpu.memory_space<semaphore_mem>>) src(%arg11 : memref<128x128xf32, #tpu.memory_space<vmem>>) dst(%dma_wait3A_501 : memref<10240x128xf32, #tpu.memory_space<vmem_shared>>)
        tpu.yield
      }) : () -> ()
      %add3A_482 = arith.constant 3 : i32
      %add3A_483 = arith.addi %add3A_48, %add3A_482 : i32
      %lt3A_484 = arith.constant 10 : i32
      %lt3A_485 = arith.cmpi slt, %add3A_483, %lt3A_484 : i32
      %convert_element_type3A_486 = arith.extui %lt3A_485 : i1 to i32
      %cond3A_487 = arith.constant 0 : i32
      %cond3A_488 = arith.cmpi ne, %convert_element_type3A_486, %cond3A_487 : i32
      scf.if %cond3A_488 {
        %add3A_489 = arith.constant 3 : i32
        %add3A_490 = arith.addi %add3A_48, %add3A_489 : i32
        %dma_start3A_491 = arith.constant 0 : i32
        %dma_start3A_492 = arith.constant 0 : i32
        %dma_start3A_493 = tpu.memref_slice %arg4[%add3A, %add3A_490, %dma_start3A_491, %dma_start3A_492] : memref<32x10x8x128xi32, #tpu.memory_space<hbm>> -> memref<1x1x8x128xi32, #tpu.memory_space<hbm>>
        %dma_start3A_494 = tpu.memref_squeeze %dma_start3A_493 : memref<1x1x8x128xi32, #tpu.memory_space<hbm>> -> memref<8x128xi32, #tpu.memory_space<hbm>>
        %dma_start3A_495 = arith.constant 0 : i32
        %dma_start3A_496 = arith.constant 0 : i32
        %dma_start3A_497 = tpu.memref_slice %arg4[%add3A, %add3A_490, %dma_start3A_495, %dma_start3A_496] : memref<32x10x8x128xi32, #tpu.memory_space<hbm>> -> memref<1x1x8x128xi32, #tpu.memory_space<hbm>>
        %dma_start3A_498 = tpu.memref_squeeze %dma_start3A_497 : memref<1x1x8x128xi32, #tpu.memory_space<hbm>> -> memref<8x128xi32, #tpu.memory_space<hbm>>
        tpu.enqueue_dma source(%dma_start3A_498 : memref<8x128xi32, #tpu.memory_space<hbm>>) target(%arg9 : memref<8x128xi32, #tpu.memory_space<vmem>>) target_semaphore(%arg16 : memref<!tpu.dma_semaphore, #tpu.memory_space<semaphore_mem>>)
      } else {
      }
    }
    %scan3A_30 = arith.constant 5 : i32
    %dma_wait3A = arith.constant 0 : i32
    %dma_wait3A_31 = arith.constant 0 : i32
    %dma_wait3A_32 = tpu.memref_slice %arg7[%dma_wait3A, %dma_wait3A_31] : memref<80x128xi32, #tpu.memory_space<vmem>> -> memref<1x128xi32, #tpu.memory_space<vmem>>
    %dma_wait3A_33 = tpu.memref_squeeze %dma_wait3A_32 : memref<1x128xi32, #tpu.memory_space<vmem>> -> memref<128xi32, #tpu.memory_space<vmem>>
    %dma_wait3A_34 = arith.constant 0 : i32
    %dma_wait3A_35 = arith.constant 0 : i32
    %dma_wait3A_36 = tpu.memref_slice %arg2[%dma_wait3A_34, %dma_wait3A_35] : memref<10000x128xf32, #tpu.memory_space<hbm>> -> memref<10000x128xf32, #tpu.memory_space<hbm>>
    tpu.wait_indirect_dma semaphore(%arg13 : memref<!tpu.dma_semaphore, #tpu.memory_space<semaphore_mem>>) src(%dma_wait3A_36 : memref<10000x128xf32, #tpu.memory_space<hbm>>) dst(%arg10 : memref<128x128xf32, #tpu.memory_space<vmem>>)
    %barrier3A_37 = arith.constant 0 : index
    tpu.barrier barrier_id(%barrier3A_37)
    %mul3A_38 = arith.constant 10240 : i32
    %mul3A_39 = arith.muli %arg0, %mul3A_38 : i32
    %mul3A_40 = arith.constant 640 : i32
    %mul3A_41 = arith.muli %arg1, %mul3A_40 : i32
    %add3A_42 = arith.addi %mul3A_39, %mul3A_41 : i32
    %multiple_of3A_43 = tpu.assume_multiple %add3A_42, 8 : i32
    "tpu.region"() ({
      %run_scoped3A = tpu.sem_alloc : memref<!tpu.dma_semaphore, #tpu.memory_space<semaphore_mem>>
      %dma_start3A_44 = arith.constant 0 : i32
      %dma_start3A_45 = tpu.memref_slice %arg6[%multiple_of3A_43, %dma_start3A_44] : memref<20480x128xf32, #tpu.memory_space<hbm>> -> memref<640x128xf32, #tpu.memory_space<hbm>>
      %dma_start3A_46 = arith.constant 0 : i32
      %dma_start3A_47 = tpu.memref_slice %arg12[%multiple_of3A, %dma_start3A_46] : memref<10240x128xf32, #tpu.memory_space<vmem_shared>> -> memref<640x128xf32, #tpu.memory_space<vmem_shared>>
      tpu.enqueue_dma source(%dma_start3A_47 : memref<640x128xf32, #tpu.memory_space<vmem_shared>>) target(%dma_start3A_45 : memref<640x128xf32, #tpu.memory_space<hbm>>) target_semaphore(%run_scoped3A : memref<!tpu.dma_semaphore, #tpu.memory_space<semaphore_mem>>)
      %dma_wait3A_48 = arith.constant 0 : i32
      %dma_wait3A_49 = tpu.memref_slice %arg6[%multiple_of3A_43, %dma_wait3A_48] : memref<20480x128xf32, #tpu.memory_space<hbm>> -> memref<640x128xf32, #tpu.memory_space<hbm>>
      %dma_wait3A_50 = arith.constant 0 : i32
      %dma_wait3A_51 = tpu.memref_slice %arg12[%multiple_of3A, %dma_wait3A_50] : memref<10240x128xf32, #tpu.memory_space<vmem_shared>> -> memref<640x128xf32, #tpu.memory_space<vmem_shared>>
      tpu.wait_dma2 semaphore(%run_scoped3A : memref<!tpu.dma_semaphore, #tpu.memory_space<semaphore_mem>>) src(%dma_wait3A_51 : memref<640x128xf32, #tpu.memory_space<vmem_shared>>) dst(%dma_wait3A_49 : memref<640x128xf32, #tpu.memory_space<hbm>>)
      tpu.yield
    }) : () -> ()
    return
  }
}

#map = affine_map<(d0, d1) -> (0, 0)>
#map1 = affine_map<(d0, d1) -> (0, 0, 0)>
#map2 = affine_map<(d0, d1) -> (0, 0, 0, 0)>
module attributes {stable_mosaic.version = 14 : i64} {
  func.func @k(%arg0: i32, %arg1: i32, %arg2: memref<10000x128xf32, #tpu.memory_space<hbm>>, %arg3: memref<32x80x128xi32, #tpu.memory_space<hbm>>, %arg4: memref<32x10x8x128xi32, #tpu.memory_space<hbm>>, %arg5: memref<10240x128xf32, #tpu.memory_space<hbm>>, %arg6: memref<20480x128xf32, #tpu.memory_space<hbm>>, %arg7: memref<80x128xi32, #tpu.memory_space<vmem>>, %arg8: memref<8x128xi32, #tpu.memory_space<vmem>>, %arg9: memref<8x128xi32, #tpu.memory_space<vmem>>, %arg10: memref<128x128xf32, #tpu.memory_space<vmem>>, %arg11: memref<128x128xf32, #tpu.memory_space<vmem>>, %arg12: memref<10240x128xf32, #tpu.memory_space<vmem_shared>>, %arg13: memref<!tpu.dma_semaphore, #tpu.memory_space<semaphore_mem>>, %arg14: memref<!tpu.dma_semaphore, #tpu.memory_space<semaphore_mem>>, %arg15: memref<!tpu.dma_semaphore, #tpu.memory_space<semaphore_mem>>, %arg16: memref<!tpu.dma_semaphore, #tpu.memory_space<semaphore_mem>>) attributes {dimension_semantics = [#tpu.dimension_semantics<core_parallel>, #tpu.dimension_semantics<subcore_parallel>], iteration_bounds = array<i64: 2, 16>, scalar_prefetch = 0 : i64, scratch_operands = 10 : i64, tpu.core_type = #tpu.core_type<sc_vector_subcore>, window_params = [{transform_indices = #map}, {transform_indices = #map1}, {transform_indices = #map2}, {transform_indices = #map}, {transform_indices = #map}]} {
    %mul3A = arith.constant 16 : i32
    %mul3A_0 = arith.muli %arg0, %mul3A : i32
    %add3A = arith.addi %mul3A_0, %arg1 : i32
    %mul3A_1 = arith.constant 640 : i32
    %mul3A_2 = arith.muli %arg1, %mul3A_1 : i32
    %multiple_of3A = tpu.assume_multiple %mul3A_2, 8 : i32
    "tpu.region"() ({
      %run_scoped3A = tpu.sem_alloc : memref<!tpu.dma_semaphore, #tpu.memory_space<semaphore_mem>>
      %dma_start3A_44 = arith.constant 0 : i32
      %dma_start3A_45 = tpu.memref_slice %arg12[%multiple_of3A, %dma_start3A_44] : memref<10240x128xf32, #tpu.memory_space<vmem_shared>> -> memref<640x128xf32, #tpu.memory_space<vmem_shared>>
      %dma_start3A_46 = arith.constant 0 : i32
      %dma_start3A_47 = tpu.memref_slice %arg5[%multiple_of3A, %dma_start3A_46] : memref<10240x128xf32, #tpu.memory_space<hbm>> -> memref<640x128xf32, #tpu.memory_space<hbm>>
      tpu.enqueue_dma source(%dma_start3A_47 : memref<640x128xf32, #tpu.memory_space<hbm>>) target(%dma_start3A_45 : memref<640x128xf32, #tpu.memory_space<vmem_shared>>) target_semaphore(%run_scoped3A : memref<!tpu.dma_semaphore, #tpu.memory_space<semaphore_mem>>)
      %dma_wait3A_48 = arith.constant 0 : i32
      %dma_wait3A_49 = tpu.memref_slice %arg12[%multiple_of3A, %dma_wait3A_48] : memref<10240x128xf32, #tpu.memory_space<vmem_shared>> -> memref<640x128xf32, #tpu.memory_space<vmem_shared>>
      %dma_wait3A_50 = arith.constant 0 : i32
      %dma_wait3A_51 = tpu.memref_slice %arg5[%multiple_of3A, %dma_wait3A_50] : memref<10240x128xf32, #tpu.memory_space<hbm>> -> memref<640x128xf32, #tpu.memory_space<hbm>>
      tpu.wait_dma2 semaphore(%run_scoped3A : memref<!tpu.dma_semaphore, #tpu.memory_space<semaphore_mem>>) src(%dma_wait3A_51 : memref<640x128xf32, #tpu.memory_space<hbm>>) dst(%dma_wait3A_49 : memref<640x128xf32, #tpu.memory_space<vmem_shared>>)
      tpu.yield
    }) : () -> ()
    "tpu.region"() ({
      %run_scoped3A = tpu.sem_alloc : memref<!tpu.dma_semaphore, #tpu.memory_space<semaphore_mem>>
      %dma_start3A_44 = arith.constant 0 : i32
      %dma_start3A_45 = arith.constant 0 : i32
      %dma_start3A_46 = tpu.memref_slice %arg3[%add3A, %dma_start3A_44, %dma_start3A_45] : memref<32x80x128xi32, #tpu.memory_space<hbm>> -> memref<1x80x128xi32, #tpu.memory_space<hbm>>
      %dma_start3A_47 = tpu.memref_squeeze %dma_start3A_46 : memref<1x80x128xi32, #tpu.memory_space<hbm>> -> memref<80x128xi32, #tpu.memory_space<hbm>>
      %dma_start3A_48 = arith.constant 0 : i32
      %dma_start3A_49 = arith.constant 0 : i32
      %dma_start3A_50 = tpu.memref_slice %arg3[%add3A, %dma_start3A_48, %dma_start3A_49] : memref<32x80x128xi32, #tpu.memory_space<hbm>> -> memref<1x80x128xi32, #tpu.memory_space<hbm>>
      %dma_start3A_51 = tpu.memref_squeeze %dma_start3A_50 : memref<1x80x128xi32, #tpu.memory_space<hbm>> -> memref<80x128xi32, #tpu.memory_space<hbm>>
      tpu.enqueue_dma source(%dma_start3A_51 : memref<80x128xi32, #tpu.memory_space<hbm>>) target(%arg7 : memref<80x128xi32, #tpu.memory_space<vmem>>) target_semaphore(%run_scoped3A : memref<!tpu.dma_semaphore, #tpu.memory_space<semaphore_mem>>)
      %dma_wait3A_52 = arith.constant 0 : i32
      %dma_wait3A_53 = arith.constant 0 : i32
      %dma_wait3A_54 = tpu.memref_slice %arg3[%add3A, %dma_wait3A_52, %dma_wait3A_53] : memref<32x80x128xi32, #tpu.memory_space<hbm>> -> memref<1x80x128xi32, #tpu.memory_space<hbm>>
      %dma_wait3A_55 = tpu.memref_squeeze %dma_wait3A_54 : memref<1x80x128xi32, #tpu.memory_space<hbm>> -> memref<80x128xi32, #tpu.memory_space<hbm>>
      %dma_wait3A_56 = arith.constant 0 : i32
      %dma_wait3A_57 = arith.constant 0 : i32
      %dma_wait3A_58 = tpu.memref_slice %arg3[%add3A, %dma_wait3A_56, %dma_wait3A_57] : memref<32x80x128xi32, #tpu.memory_space<hbm>> -> memref<1x80x128xi32, #tpu.memory_space<hbm>>
      %dma_wait3A_59 = tpu.memref_squeeze %dma_wait3A_58 : memref<1x80x128xi32, #tpu.memory_space<hbm>> -> memref<80x128xi32, #tpu.memory_space<hbm>>
      tpu.wait_dma2 semaphore(%run_scoped3A : memref<!tpu.dma_semaphore, #tpu.memory_space<semaphore_mem>>) src(%dma_wait3A_59 : memref<80x128xi32, #tpu.memory_space<hbm>>) dst(%arg7 : memref<80x128xi32, #tpu.memory_space<vmem>>)
      tpu.yield
    }) : () -> ()
    %barrier3A = arith.constant 0 : index
    tpu.barrier barrier_id(%barrier3A)
    %dma_start3A = arith.constant 0 : i32
    %dma_start3A_3 = arith.constant 0 : i32
    %dma_start3A_4 = arith.constant 0 : i32
    %dma_start3A_5 = tpu.memref_slice %arg4[%add3A, %dma_start3A, %dma_start3A_3, %dma_start3A_4] : memref<32x10x8x128xi32, #tpu.memory_space<hbm>> -> memref<1x1x8x128xi32, #tpu.memory_space<hbm>>
    %dma_start3A_6 = tpu.memref_squeeze %dma_start3A_5 : memref<1x1x8x128xi32, #tpu.memory_space<hbm>> -> memref<8x128xi32, #tpu.memory_space<hbm>>
    %dma_start3A_7 = arith.constant 0 : i32
    %dma_start3A_8 = arith.constant 0 : i32
    %dma_start3A_9 = tpu.memref_slice %arg4[%add3A, %dma_start3A, %dma_start3A_7, %dma_start3A_8] : memref<32x10x8x128xi32, #tpu.memory_space<hbm>> -> memref<1x1x8x128xi32, #tpu.memory_space<hbm>>
    %dma_start3A_10 = tpu.memref_squeeze %dma_start3A_9 : memref<1x1x8x128xi32, #tpu.memory_space<hbm>> -> memref<8x128xi32, #tpu.memory_space<hbm>>
    tpu.enqueue_dma source(%dma_start3A_10 : memref<8x128xi32, #tpu.memory_space<hbm>>) target(%arg8 : memref<8x128xi32, #tpu.memory_space<vmem>>) target_semaphore(%arg15 : memref<!tpu.dma_semaphore, #tpu.memory_space<semaphore_mem>>)
    %dma_start3A_11 = arith.constant 1 : i32
    %dma_start3A_12 = arith.constant 0 : i32
    %dma_start3A_13 = arith.constant 0 : i32
    %dma_start3A_14 = tpu.memref_slice %arg4[%add3A, %dma_start3A_11, %dma_start3A_12, %dma_start3A_13] : memref<32x10x8x128xi32, #tpu.memory_space<hbm>> -> memref<1x1x8x128xi32, #tpu.memory_space<hbm>>
    %dma_start3A_15 = tpu.memref_squeeze %dma_start3A_14 : memref<1x1x8x128xi32, #tpu.memory_space<hbm>> -> memref<8x128xi32, #tpu.memory_space<hbm>>
    %dma_start3A_16 = arith.constant 0 : i32
    %dma_start3A_17 = arith.constant 0 : i32
    %dma_start3A_18 = tpu.memref_slice %arg4[%add3A, %dma_start3A_11, %dma_start3A_16, %dma_start3A_17] : memref<32x10x8x128xi32, #tpu.memory_space<hbm>> -> memref<1x1x8x128xi32, #tpu.memory_space<hbm>>
    %dma_start3A_19 = tpu.memref_squeeze %dma_start3A_18 : memref<1x1x8x128xi32, #tpu.memory_space<hbm>> -> memref<8x128xi32, #tpu.memory_space<hbm>>
    tpu.enqueue_dma source(%dma_start3A_19 : memref<8x128xi32, #tpu.memory_space<hbm>>) target(%arg9 : memref<8x128xi32, #tpu.memory_space<vmem>>) target_semaphore(%arg16 : memref<!tpu.dma_semaphore, #tpu.memory_space<semaphore_mem>>)
    %dma_start3A_20 = arith.constant 0 : i32
    %dma_start3A_21 = arith.constant 0 : i32
    %dma_start3A_22 = tpu.memref_slice %arg7[%dma_start3A_20, %dma_start3A_21] : memref<80x128xi32, #tpu.memory_space<vmem>> -> memref<1x128xi32, #tpu.memory_space<vmem>>
    %dma_start3A_23 = tpu.memref_squeeze %dma_start3A_22 : memref<1x128xi32, #tpu.memory_space<vmem>> -> memref<128xi32, #tpu.memory_space<vmem>>
    %dma_start3A_24 = arith.constant 0 : i32
    %dma_start3A_25 = arith.constant 0 : i32
    %dma_start3A_26 = tpu.memref_slice %arg2[%dma_start3A_24, %dma_start3A_25] : memref<10000x128xf32, #tpu.memory_space<hbm>> -> memref<10000x128xf32, #tpu.memory_space<hbm>>
    tpu.enqueue_indirect_dma source(%dma_start3A_26 : memref<10000x128xf32, #tpu.memory_space<hbm>>) target(%arg10 : memref<128x128xf32, #tpu.memory_space<vmem>>) offsets(%dma_start3A_23 : memref<128xi32, #tpu.memory_space<vmem>>) semaphore(%arg13 : memref<!tpu.dma_semaphore, #tpu.memory_space<semaphore_mem>>)
    %scan3A = arith.constant 0 : i32
    %scan3A_27 = arith.constant 5 : i32
    %scan3A_28 = arith.addi %scan3A, %scan3A_27 : i32
    %scan3A_29 = arith.constant 1 : i32
    scf.for %scan3A_44 = %scan3A to %scan3A_28 step %scan3A_29  : i32 {
      %mul3A_45 = arith.constant 2 : i32
      %mul3A_46 = arith.muli %scan3A_44, %mul3A_45 : i32
      %add3A_47 = arith.constant 0 : i32
      %add3A_48 = arith.addi %add3A_47, %mul3A_46 : i32
      %mul3A_49 = arith.constant 8 : i32
      %mul3A_50 = arith.muli %add3A_48, %mul3A_49 : i32
      %dma_wait3A_51 = arith.constant 0 : i32
      %dma_wait3A_52 = arith.constant 0 : i32
      %dma_wait3A_53 = tpu.memref_slice %arg4[%add3A, %add3A_48, %dma_wait3A_51, %dma_wait3A_52] : memref<32x10x8x128xi32, #tpu.memory_space<hbm>> -> memref<1x1x8x128xi32, #tpu.memory_space<hbm>>
      %dma_wait3A_54 = tpu.memref_squeeze %dma_wait3A_53 : memref<1x1x8x128xi32, #tpu.memory_space<hbm>> -> memref<8x128xi32, #tpu.memory_space<hbm>>
      %dma_wait3A_55 = arith.constant 0 : i32
      %dma_wait3A_56 = arith.constant 0 : i32
      %dma_wait3A_57 = tpu.memref_slice %arg4[%add3A, %add3A_48, %dma_wait3A_55, %dma_wait3A_56] : memref<32x10x8x128xi32, #tpu.memory_space<hbm>> -> memref<1x1x8x128xi32, #tpu.memory_space<hbm>>
      %dma_wait3A_58 = tpu.memref_squeeze %dma_wait3A_57 : memref<1x1x8x128xi32, #tpu.memory_space<hbm>> -> memref<8x128xi32, #tpu.memory_space<hbm>>
      tpu.wait_dma2 semaphore(%arg15 : memref<!tpu.dma_semaphore, #tpu.memory_space<semaphore_mem>>) src(%dma_wait3A_58 : memref<8x128xi32, #tpu.memory_space<hbm>>) dst(%arg8 : memref<8x128xi32, #tpu.memory_space<vmem>>)
      %add3A_59 = arith.constant 0 : i32
      %add3A_60 = arith.addi %mul3A_50, %add3A_59 : i32
      %add3A_61 = arith.constant 1 : i32
      %add3A_62 = arith.addi %add3A_60, %add3A_61 : i32
      %dma_start3A_63 = arith.constant 0 : i32
      %dma_start3A_64 = tpu.memref_slice %arg7[%add3A_62, %dma_start3A_63] : memref<80x128xi32, #tpu.memory_space<vmem>> -> memref<1x128xi32, #tpu.memory_space<vmem>>
      %dma_start3A_65 = tpu.memref_squeeze %dma_start3A_64 : memref<1x128xi32, #tpu.memory_space<vmem>> -> memref<128xi32, #tpu.memory_space<vmem>>
      %dma_start3A_66 = arith.constant 0 : i32
      %dma_start3A_67 = arith.constant 0 : i32
      %dma_start3A_68 = tpu.memref_slice %arg2[%dma_start3A_66, %dma_start3A_67] : memref<10000x128xf32, #tpu.memory_space<hbm>> -> memref<10000x128xf32, #tpu.memory_space<hbm>>
      tpu.enqueue_indirect_dma source(%dma_start3A_68 : memref<10000x128xf32, #tpu.memory_space<hbm>>) target(%arg11 : memref<128x128xf32, #tpu.memory_space<vmem>>) offsets(%dma_start3A_65 : memref<128xi32, #tpu.memory_space<vmem>>) semaphore(%arg14 : memref<!tpu.dma_semaphore, #tpu.memory_space<semaphore_mem>>)
      %dma_wait3A_69 = arith.constant 0 : i32
      %dma_wait3A_70 = tpu.memref_slice %arg7[%add3A_60, %dma_wait3A_69] : memref<80x128xi32, #tpu.memory_space<vmem>> -> memref<1x128xi32, #tpu.memory_space<vmem>>
      %dma_wait3A_71 = tpu.memref_squeeze %dma_wait3A_70 : memref<1x128xi32, #tpu.memory_space<vmem>> -> memref<128xi32, #tpu.memory_space<vmem>>
      %dma_wait3A_72 = arith.constant 0 : i32
      %dma_wait3A_73 = arith.constant 0 : i32
      %dma_wait3A_74 = tpu.memref_slice %arg2[%dma_wait3A_72, %dma_wait3A_73] : memref<10000x128xf32, #tpu.memory_space<hbm>> -> memref<10000x128xf32, #tpu.memory_space<hbm>>
      tpu.wait_indirect_dma semaphore(%arg13 : memref<!tpu.dma_semaphore, #tpu.memory_space<semaphore_mem>>) src(%dma_wait3A_74 : memref<10000x128xf32, #tpu.memory_space<hbm>>) dst(%arg10 : memref<128x128xf32, #tpu.memory_space<vmem>>)
      %run_scoped3A = arith.constant 0 : i32
      "tpu.region"() ({
        %run_scoped3A_489 = tpu.sem_alloc : memref<!tpu.dma_semaphore, #tpu.memory_space<semaphore_mem>>
        %dma_start3A_490 = arith.constant 0 : i32
        %dma_start3A_491 = tpu.memref_slice %arg8[%run_scoped3A, %dma_start3A_490] : memref<8x128xi32, #tpu.memory_space<vmem>> -> memref<1x128xi32, #tpu.memory_space<vmem>>
        %dma_start3A_492 = tpu.memref_squeeze %dma_start3A_491 : memref<1x128xi32, #tpu.memory_space<vmem>> -> memref<128xi32, #tpu.memory_space<vmem>>
        %dma_start3A_493 = arith.constant 0 : i32
        %dma_start3A_494 = arith.constant 0 : i32
        %dma_start3A_495 = tpu.memref_slice %arg12[%dma_start3A_493, %dma_start3A_494] : memref<10240x128xf32, #tpu.memory_space<vmem_shared>> -> memref<10240x128xf32, #tpu.memory_space<vmem_shared>>
        tpu.enqueue_indirect_dma source(%arg10 : memref<128x128xf32, #tpu.memory_space<vmem>>) target(%dma_start3A_495 : memref<10240x128xf32, #tpu.memory_space<vmem_shared>>) offsets(%dma_start3A_492 : memref<128xi32, #tpu.memory_space<vmem>>) semaphore(%run_scoped3A_489 : memref<!tpu.dma_semaphore, #tpu.memory_space<semaphore_mem>>) {add = true}
        %dma_wait3A_496 = arith.constant 0 : i32
        %dma_wait3A_497 = tpu.memref_slice %arg8[%run_scoped3A, %dma_wait3A_496] : memref<8x128xi32, #tpu.memory_space<vmem>> -> memref<1x128xi32, #tpu.memory_space<vmem>>
        %dma_wait3A_498 = tpu.memref_squeeze %dma_wait3A_497 : memref<1x128xi32, #tpu.memory_space<vmem>> -> memref<128xi32, #tpu.memory_space<vmem>>
        %dma_wait3A_499 = arith.constant 0 : i32
        %dma_wait3A_500 = arith.constant 0 : i32
        %dma_wait3A_501 = tpu.memref_slice %arg12[%dma_wait3A_499, %dma_wait3A_500] : memref<10240x128xf32, #tpu.memory_space<vmem_shared>> -> memref<10240x128xf32, #tpu.memory_space<vmem_shared>>
        tpu.wait_indirect_dma semaphore(%run_scoped3A_489 : memref<!tpu.dma_semaphore, #tpu.memory_space<semaphore_mem>>) src(%arg10 : memref<128x128xf32, #tpu.memory_space<vmem>>) dst(%dma_wait3A_501 : memref<10240x128xf32, #tpu.memory_space<vmem_shared>>)
        tpu.yield
      }) : () -> ()
      %add3A_75 = arith.constant 1 : i32
      %add3A_76 = arith.addi %mul3A_50, %add3A_75 : i32
      %add3A_77 = arith.constant 1 : i32
      %add3A_78 = arith.addi %add3A_76, %add3A_77 : i32
      %dma_start3A_79 = arith.constant 0 : i32
      %dma_start3A_80 = tpu.memref_slice %arg7[%add3A_78, %dma_start3A_79] : memref<80x128xi32, #tpu.memory_space<vmem>> -> memref<1x128xi32, #tpu.memory_space<vmem>>
      %dma_start3A_81 = tpu.memref_squeeze %dma_start3A_80 : memref<1x128xi32, #tpu.memory_space<vmem>> -> memref<128xi32, #tpu.memory_space<vmem>>
      %dma_start3A_82 = arith.constant 0 : i32
      %dma_start3A_83 = arith.constant 0 : i32
      %dma_start3A_84 = tpu.memref_slice %arg2[%dma_start3A_82, %dma_start3A_83] : memref<10000x128xf32, #tpu.memory_space<hbm>> -> memref<10000x128xf32, #tpu.memory_space<hbm>>
      tpu.enqueue_indirect_dma source(%dma_start3A_84 : memref<10000x128xf32, #tpu.memory_space<hbm>>) target(%arg10 : memref<128x128xf32, #tpu.memory_space<vmem>>) offsets(%dma_start3A_81 : memref<128xi32, #tpu.memory_space<vmem>>) semaphore(%arg13 : memref<!tpu.dma_semaphore, #tpu.memory_space<semaphore_mem>>)
      %dma_wait3A_85 = arith.constant 0 : i32
      %dma_wait3A_86 = tpu.memref_slice %arg7[%add3A_76, %dma_wait3A_85] : memref<80x128xi32, #tpu.memory_space<vmem>> -> memref<1x128xi32, #tpu.memory_space<vmem>>
      %dma_wait3A_87 = tpu.memref_squeeze %dma_wait3A_86 : memref<1x128xi32, #tpu.memory_space<vmem>> -> memref<128xi32, #tpu.memory_space<vmem>>
      %dma_wait3A_88 = arith.constant 0 : i32
      %dma_wait3A_89 = arith.constant 0 : i32
      %dma_wait3A_90 = tpu.memref_slice %arg2[%dma_wait3A_88, %dma_wait3A_89] : memref<10000x128xf32, #tpu.memory_space<hbm>> -> memref<10000x128xf32, #tpu.memory_space<hbm>>
      tpu.wait_indirect_dma semaphore(%arg14 : memref<!tpu.dma_semaphore, #tpu.memory_space<semaphore_mem>>) src(%dma_wait3A_90 : memref<10000x128xf32, #tpu.memory_space<hbm>>) dst(%arg11 : memref<128x128xf32, #tpu.memory_space<vmem>>)
      %run_scoped3A_91 = arith.constant 1 : i32
      "tpu.region"() ({
        %run_scoped3A_489 = tpu.sem_alloc : memref<!tpu.dma_semaphore, #tpu.memory_space<semaphore_mem>>
        %dma_start3A_490 = arith.constant 0 : i32
        %dma_start3A_491 = tpu.memref_slice %arg8[%run_scoped3A_91, %dma_start3A_490] : memref<8x128xi32, #tpu.memory_space<vmem>> -> memref<1x128xi32, #tpu.memory_space<vmem>>
        %dma_start3A_492 = tpu.memref_squeeze %dma_start3A_491 : memref<1x128xi32, #tpu.memory_space<vmem>> -> memref<128xi32, #tpu.memory_space<vmem>>
        %dma_start3A_493 = arith.constant 0 : i32
        %dma_start3A_494 = arith.constant 0 : i32
        %dma_start3A_495 = tpu.memref_slice %arg12[%dma_start3A_493, %dma_start3A_494] : memref<10240x128xf32, #tpu.memory_space<vmem_shared>> -> memref<10240x128xf32, #tpu.memory_space<vmem_shared>>
        tpu.enqueue_indirect_dma source(%arg11 : memref<128x128xf32, #tpu.memory_space<vmem>>) target(%dma_start3A_495 : memref<10240x128xf32, #tpu.memory_space<vmem_shared>>) offsets(%dma_start3A_492 : memref<128xi32, #tpu.memory_space<vmem>>) semaphore(%run_scoped3A_489 : memref<!tpu.dma_semaphore, #tpu.memory_space<semaphore_mem>>) {add = true}
        %dma_wait3A_496 = arith.constant 0 : i32
        %dma_wait3A_497 = tpu.memref_slice %arg8[%run_scoped3A_91, %dma_wait3A_496] : memref<8x128xi32, #tpu.memory_space<vmem>> -> memref<1x128xi32, #tpu.memory_space<vmem>>
        %dma_wait3A_498 = tpu.memref_squeeze %dma_wait3A_497 : memref<1x128xi32, #tpu.memory_space<vmem>> -> memref<128xi32, #tpu.memory_space<vmem>>
        %dma_wait3A_499 = arith.constant 0 : i32
        %dma_wait3A_500 = arith.constant 0 : i32
        %dma_wait3A_501 = tpu.memref_slice %arg12[%dma_wait3A_499, %dma_wait3A_500] : memref<10240x128xf32, #tpu.memory_space<vmem_shared>> -> memref<10240x128xf32, #tpu.memory_space<vmem_shared>>
        tpu.wait_indirect_dma semaphore(%run_scoped3A_489 : memref<!tpu.dma_semaphore, #tpu.memory_space<semaphore_mem>>) src(%arg11 : memref<128x128xf32, #tpu.memory_space<vmem>>) dst(%dma_wait3A_501 : memref<10240x128xf32, #tpu.memory_space<vmem_shared>>)
        tpu.yield
      }) : () -> ()
      %add3A_92 = arith.constant 2 : i32
      %add3A_93 = arith.addi %mul3A_50, %add3A_92 : i32
      %add3A_94 = arith.constant 1 : i32
      %add3A_95 = arith.addi %add3A_93, %add3A_94 : i32
      %dma_start3A_96 = arith.constant 0 : i32
      %dma_start3A_97 = tpu.memref_slice %arg7[%add3A_95, %dma_start3A_96] : memref<80x128xi32, #tpu.memory_space<vmem>> -> memref<1x128xi32, #tpu.memory_space<vmem>>
      %dma_start3A_98 = tpu.memref_squeeze %dma_start3A_97 : memref<1x128xi32, #tpu.memory_space<vmem>> -> memref<128xi32, #tpu.memory_space<vmem>>
      %dma_start3A_99 = arith.constant 0 : i32
      %dma_start3A_100 = arith.constant 0 : i32
      %dma_start3A_101 = tpu.memref_slice %arg2[%dma_start3A_99, %dma_start3A_100] : memref<10000x128xf32, #tpu.memory_space<hbm>> -> memref<10000x128xf32, #tpu.memory_space<hbm>>
      tpu.enqueue_indirect_dma source(%dma_start3A_101 : memref<10000x128xf32, #tpu.memory_space<hbm>>) target(%arg11 : memref<128x128xf32, #tpu.memory_space<vmem>>) offsets(%dma_start3A_98 : memref<128xi32, #tpu.memory_space<vmem>>) semaphore(%arg14 : memref<!tpu.dma_semaphore, #tpu.memory_space<semaphore_mem>>)
      %dma_wait3A_102 = arith.constant 0 : i32
      %dma_wait3A_103 = tpu.memref_slice %arg7[%add3A_93, %dma_wait3A_102] : memref<80x128xi32, #tpu.memory_space<vmem>> -> memref<1x128xi32, #tpu.memory_space<vmem>>
      %dma_wait3A_104 = tpu.memref_squeeze %dma_wait3A_103 : memref<1x128xi32, #tpu.memory_space<vmem>> -> memref<128xi32, #tpu.memory_space<vmem>>
      %dma_wait3A_105 = arith.constant 0 : i32
      %dma_wait3A_106 = arith.constant 0 : i32
      %dma_wait3A_107 = tpu.memref_slice %arg2[%dma_wait3A_105, %dma_wait3A_106] : memref<10000x128xf32, #tpu.memory_space<hbm>> -> memref<10000x128xf32, #tpu.memory_space<hbm>>
      tpu.wait_indirect_dma semaphore(%arg13 : memref<!tpu.dma_semaphore, #tpu.memory_space<semaphore_mem>>) src(%dma_wait3A_107 : memref<10000x128xf32, #tpu.memory_space<hbm>>) dst(%arg10 : memref<128x128xf32, #tpu.memory_space<vmem>>)
      %run_scoped3A_108 = arith.constant 2 : i32
      "tpu.region"() ({
        %run_scoped3A_489 = tpu.sem_alloc : memref<!tpu.dma_semaphore, #tpu.memory_space<semaphore_mem>>
        %dma_start3A_490 = arith.constant 0 : i32
        %dma_start3A_491 = tpu.memref_slice %arg8[%run_scoped3A_108, %dma_start3A_490] : memref<8x128xi32, #tpu.memory_space<vmem>> -> memref<1x128xi32, #tpu.memory_space<vmem>>
        %dma_start3A_492 = tpu.memref_squeeze %dma_start3A_491 : memref<1x128xi32, #tpu.memory_space<vmem>> -> memref<128xi32, #tpu.memory_space<vmem>>
        %dma_start3A_493 = arith.constant 0 : i32
        %dma_start3A_494 = arith.constant 0 : i32
        %dma_start3A_495 = tpu.memref_slice %arg12[%dma_start3A_493, %dma_start3A_494] : memref<10240x128xf32, #tpu.memory_space<vmem_shared>> -> memref<10240x128xf32, #tpu.memory_space<vmem_shared>>
        tpu.enqueue_indirect_dma source(%arg10 : memref<128x128xf32, #tpu.memory_space<vmem>>) target(%dma_start3A_495 : memref<10240x128xf32, #tpu.memory_space<vmem_shared>>) offsets(%dma_start3A_492 : memref<128xi32, #tpu.memory_space<vmem>>) semaphore(%run_scoped3A_489 : memref<!tpu.dma_semaphore, #tpu.memory_space<semaphore_mem>>) {add = true}
        %dma_wait3A_496 = arith.constant 0 : i32
        %dma_wait3A_497 = tpu.memref_slice %arg8[%run_scoped3A_108, %dma_wait3A_496] : memref<8x128xi32, #tpu.memory_space<vmem>> -> memref<1x128xi32, #tpu.memory_space<vmem>>
        %dma_wait3A_498 = tpu.memref_squeeze %dma_wait3A_497 : memref<1x128xi32, #tpu.memory_space<vmem>> -> memref<128xi32, #tpu.memory_space<vmem>>
        %dma_wait3A_499 = arith.constant 0 : i32
        %dma_wait3A_500 = arith.constant 0 : i32
        %dma_wait3A_501 = tpu.memref_slice %arg12[%dma_wait3A_499, %dma_wait3A_500] : memref<10240x128xf32, #tpu.memory_space<vmem_shared>> -> memref<10240x128xf32, #tpu.memory_space<vmem_shared>>
        tpu.wait_indirect_dma semaphore(%run_scoped3A_489 : memref<!tpu.dma_semaphore, #tpu.memory_space<semaphore_mem>>) src(%arg10 : memref<128x128xf32, #tpu.memory_space<vmem>>) dst(%dma_wait3A_501 : memref<10240x128xf32, #tpu.memory_space<vmem_shared>>)
        tpu.yield
      }) : () -> ()
      %add3A_109 = arith.constant 3 : i32
      %add3A_110 = arith.addi %mul3A_50, %add3A_109 : i32
      %add3A_111 = arith.constant 1 : i32
      %add3A_112 = arith.addi %add3A_110, %add3A_111 : i32
      %dma_start3A_113 = arith.constant 0 : i32
      %dma_start3A_114 = tpu.memref_slice %arg7[%add3A_112, %dma_start3A_113] : memref<80x128xi32, #tpu.memory_space<vmem>> -> memref<1x128xi32, #tpu.memory_space<vmem>>
      %dma_start3A_115 = tpu.memref_squeeze %dma_start3A_114 : memref<1x128xi32, #tpu.memory_space<vmem>> -> memref<128xi32, #tpu.memory_space<vmem>>
      %dma_start3A_116 = arith.constant 0 : i32
      %dma_start3A_117 = arith.constant 0 : i32
      %dma_start3A_118 = tpu.memref_slice %arg2[%dma_start3A_116, %dma_start3A_117] : memref<10000x128xf32, #tpu.memory_space<hbm>> -> memref<10000x128xf32, #tpu.memory_space<hbm>>
      tpu.enqueue_indirect_dma source(%dma_start3A_118 : memref<10000x128xf32, #tpu.memory_space<hbm>>) target(%arg10 : memref<128x128xf32, #tpu.memory_space<vmem>>) offsets(%dma_start3A_115 : memref<128xi32, #tpu.memory_space<vmem>>) semaphore(%arg13 : memref<!tpu.dma_semaphore, #tpu.memory_space<semaphore_mem>>)
      %dma_wait3A_119 = arith.constant 0 : i32
      %dma_wait3A_120 = tpu.memref_slice %arg7[%add3A_110, %dma_wait3A_119] : memref<80x128xi32, #tpu.memory_space<vmem>> -> memref<1x128xi32, #tpu.memory_space<vmem>>
      %dma_wait3A_121 = tpu.memref_squeeze %dma_wait3A_120 : memref<1x128xi32, #tpu.memory_space<vmem>> -> memref<128xi32, #tpu.memory_space<vmem>>
      %dma_wait3A_122 = arith.constant 0 : i32
      %dma_wait3A_123 = arith.constant 0 : i32
      %dma_wait3A_124 = tpu.memref_slice %arg2[%dma_wait3A_122, %dma_wait3A_123] : memref<10000x128xf32, #tpu.memory_space<hbm>> -> memref<10000x128xf32, #tpu.memory_space<hbm>>
      tpu.wait_indirect_dma semaphore(%arg14 : memref<!tpu.dma_semaphore, #tpu.memory_space<semaphore_mem>>) src(%dma_wait3A_124 : memref<10000x128xf32, #tpu.memory_space<hbm>>) dst(%arg11 : memref<128x128xf32, #tpu.memory_space<vmem>>)
      %run_scoped3A_125 = arith.constant 3 : i32
      "tpu.region"() ({
        %run_scoped3A_489 = tpu.sem_alloc : memref<!tpu.dma_semaphore, #tpu.memory_space<semaphore_mem>>
        %dma_start3A_490 = arith.constant 0 : i32
        %dma_start3A_491 = tpu.memref_slice %arg8[%run_scoped3A_125, %dma_start3A_490] : memref<8x128xi32, #tpu.memory_space<vmem>> -> memref<1x128xi32, #tpu.memory_space<vmem>>
        %dma_start3A_492 = tpu.memref_squeeze %dma_start3A_491 : memref<1x128xi32, #tpu.memory_space<vmem>> -> memref<128xi32, #tpu.memory_space<vmem>>
        %dma_start3A_493 = arith.constant 0 : i32
        %dma_start3A_494 = arith.constant 0 : i32
        %dma_start3A_495 = tpu.memref_slice %arg12[%dma_start3A_493, %dma_start3A_494] : memref<10240x128xf32, #tpu.memory_space<vmem_shared>> -> memref<10240x128xf32, #tpu.memory_space<vmem_shared>>
        tpu.enqueue_indirect_dma source(%arg11 : memref<128x128xf32, #tpu.memory_space<vmem>>) target(%dma_start3A_495 : memref<10240x128xf32, #tpu.memory_space<vmem_shared>>) offsets(%dma_start3A_492 : memref<128xi32, #tpu.memory_space<vmem>>) semaphore(%run_scoped3A_489 : memref<!tpu.dma_semaphore, #tpu.memory_space<semaphore_mem>>) {add = true}
        %dma_wait3A_496 = arith.constant 0 : i32
        %dma_wait3A_497 = tpu.memref_slice %arg8[%run_scoped3A_125, %dma_wait3A_496] : memref<8x128xi32, #tpu.memory_space<vmem>> -> memref<1x128xi32, #tpu.memory_space<vmem>>
        %dma_wait3A_498 = tpu.memref_squeeze %dma_wait3A_497 : memref<1x128xi32, #tpu.memory_space<vmem>> -> memref<128xi32, #tpu.memory_space<vmem>>
        %dma_wait3A_499 = arith.constant 0 : i32
        %dma_wait3A_500 = arith.constant 0 : i32
        %dma_wait3A_501 = tpu.memref_slice %arg12[%dma_wait3A_499, %dma_wait3A_500] : memref<10240x128xf32, #tpu.memory_space<vmem_shared>> -> memref<10240x128xf32, #tpu.memory_space<vmem_shared>>
        tpu.wait_indirect_dma semaphore(%run_scoped3A_489 : memref<!tpu.dma_semaphore, #tpu.memory_space<semaphore_mem>>) src(%arg11 : memref<128x128xf32, #tpu.memory_space<vmem>>) dst(%dma_wait3A_501 : memref<10240x128xf32, #tpu.memory_space<vmem_shared>>)
        tpu.yield
      }) : () -> ()
      %add3A_126 = arith.constant 4 : i32
      %add3A_127 = arith.addi %mul3A_50, %add3A_126 : i32
      %add3A_128 = arith.constant 1 : i32
      %add3A_129 = arith.addi %add3A_127, %add3A_128 : i32
      %dma_start3A_130 = arith.constant 0 : i32
      %dma_start3A_131 = tpu.memref_slice %arg7[%add3A_129, %dma_start3A_130] : memref<80x128xi32, #tpu.memory_space<vmem>> -> memref<1x128xi32, #tpu.memory_space<vmem>>
      %dma_start3A_132 = tpu.memref_squeeze %dma_start3A_131 : memref<1x128xi32, #tpu.memory_space<vmem>> -> memref<128xi32, #tpu.memory_space<vmem>>
      %dma_start3A_133 = arith.constant 0 : i32
      %dma_start3A_134 = arith.constant 0 : i32
      %dma_start3A_135 = tpu.memref_slice %arg2[%dma_start3A_133, %dma_start3A_134] : memref<10000x128xf32, #tpu.memory_space<hbm>> -> memref<10000x128xf32, #tpu.memory_space<hbm>>
      tpu.enqueue_indirect_dma source(%dma_start3A_135 : memref<10000x128xf32, #tpu.memory_space<hbm>>) target(%arg11 : memref<128x128xf32, #tpu.memory_space<vmem>>) offsets(%dma_start3A_132 : memref<128xi32, #tpu.memory_space<vmem>>) semaphore(%arg14 : memref<!tpu.dma_semaphore, #tpu.memory_space<semaphore_mem>>)
      %dma_wait3A_136 = arith.constant 0 : i32
      %dma_wait3A_137 = tpu.memref_slice %arg7[%add3A_127, %dma_wait3A_136] : memref<80x128xi32, #tpu.memory_space<vmem>> -> memref<1x128xi32, #tpu.memory_space<vmem>>
      %dma_wait3A_138 = tpu.memref_squeeze %dma_wait3A_137 : memref<1x128xi32, #tpu.memory_space<vmem>> -> memref<128xi32, #tpu.memory_space<vmem>>
      %dma_wait3A_139 = arith.constant 0 : i32
      %dma_wait3A_140 = arith.constant 0 : i32
      %dma_wait3A_141 = tpu.memref_slice %arg2[%dma_wait3A_139, %dma_wait3A_140] : memref<10000x128xf32, #tpu.memory_space<hbm>> -> memref<10000x128xf32, #tpu.memory_space<hbm>>
      tpu.wait_indirect_dma semaphore(%arg13 : memref<!tpu.dma_semaphore, #tpu.memory_space<semaphore_mem>>) src(%dma_wait3A_141 : memref<10000x128xf32, #tpu.memory_space<hbm>>) dst(%arg10 : memref<128x128xf32, #tpu.memory_space<vmem>>)
      %run_scoped3A_142 = arith.constant 4 : i32
      "tpu.region"() ({
        %run_scoped3A_489 = tpu.sem_alloc : memref<!tpu.dma_semaphore, #tpu.memory_space<semaphore_mem>>
        %dma_start3A_490 = arith.constant 0 : i32
        %dma_start3A_491 = tpu.memref_slice %arg8[%run_scoped3A_142, %dma_start3A_490] : memref<8x128xi32, #tpu.memory_space<vmem>> -> memref<1x128xi32, #tpu.memory_space<vmem>>
        %dma_start3A_492 = tpu.memref_squeeze %dma_start3A_491 : memref<1x128xi32, #tpu.memory_space<vmem>> -> memref<128xi32, #tpu.memory_space<vmem>>
        %dma_start3A_493 = arith.constant 0 : i32
        %dma_start3A_494 = arith.constant 0 : i32
        %dma_start3A_495 = tpu.memref_slice %arg12[%dma_start3A_493, %dma_start3A_494] : memref<10240x128xf32, #tpu.memory_space<vmem_shared>> -> memref<10240x128xf32, #tpu.memory_space<vmem_shared>>
        tpu.enqueue_indirect_dma source(%arg10 : memref<128x128xf32, #tpu.memory_space<vmem>>) target(%dma_start3A_495 : memref<10240x128xf32, #tpu.memory_space<vmem_shared>>) offsets(%dma_start3A_492 : memref<128xi32, #tpu.memory_space<vmem>>) semaphore(%run_scoped3A_489 : memref<!tpu.dma_semaphore, #tpu.memory_space<semaphore_mem>>) {add = true}
        %dma_wait3A_496 = arith.constant 0 : i32
        %dma_wait3A_497 = tpu.memref_slice %arg8[%run_scoped3A_142, %dma_wait3A_496] : memref<8x128xi32, #tpu.memory_space<vmem>> -> memref<1x128xi32, #tpu.memory_space<vmem>>
        %dma_wait3A_498 = tpu.memref_squeeze %dma_wait3A_497 : memref<1x128xi32, #tpu.memory_space<vmem>> -> memref<128xi32, #tpu.memory_space<vmem>>
        %dma_wait3A_499 = arith.constant 0 : i32
        %dma_wait3A_500 = arith.constant 0 : i32
        %dma_wait3A_501 = tpu.memref_slice %arg12[%dma_wait3A_499, %dma_wait3A_500] : memref<10240x128xf32, #tpu.memory_space<vmem_shared>> -> memref<10240x128xf32, #tpu.memory_space<vmem_shared>>
        tpu.wait_indirect_dma semaphore(%run_scoped3A_489 : memref<!tpu.dma_semaphore, #tpu.memory_space<semaphore_mem>>) src(%arg10 : memref<128x128xf32, #tpu.memory_space<vmem>>) dst(%dma_wait3A_501 : memref<10240x128xf32, #tpu.memory_space<vmem_shared>>)
        tpu.yield
      }) : () -> ()
      %add3A_143 = arith.constant 5 : i32
      %add3A_144 = arith.addi %mul3A_50, %add3A_143 : i32
      %add3A_145 = arith.constant 1 : i32
      %add3A_146 = arith.addi %add3A_144, %add3A_145 : i32
      %dma_start3A_147 = arith.constant 0 : i32
      %dma_start3A_148 = tpu.memref_slice %arg7[%add3A_146, %dma_start3A_147] : memref<80x128xi32, #tpu.memory_space<vmem>> -> memref<1x128xi32, #tpu.memory_space<vmem>>
      %dma_start3A_149 = tpu.memref_squeeze %dma_start3A_148 : memref<1x128xi32, #tpu.memory_space<vmem>> -> memref<128xi32, #tpu.memory_space<vmem>>
      %dma_start3A_150 = arith.constant 0 : i32
      %dma_start3A_151 = arith.constant 0 : i32
      %dma_start3A_152 = tpu.memref_slice %arg2[%dma_start3A_150, %dma_start3A_151] : memref<10000x128xf32, #tpu.memory_space<hbm>> -> memref<10000x128xf32, #tpu.memory_space<hbm>>
      tpu.enqueue_indirect_dma source(%dma_start3A_152 : memref<10000x128xf32, #tpu.memory_space<hbm>>) target(%arg10 : memref<128x128xf32, #tpu.memory_space<vmem>>) offsets(%dma_start3A_149 : memref<128xi32, #tpu.memory_space<vmem>>) semaphore(%arg13 : memref<!tpu.dma_semaphore, #tpu.memory_space<semaphore_mem>>)
      %dma_wait3A_153 = arith.constant 0 : i32
      %dma_wait3A_154 = tpu.memref_slice %arg7[%add3A_144, %dma_wait3A_153] : memref<80x128xi32, #tpu.memory_space<vmem>> -> memref<1x128xi32, #tpu.memory_space<vmem>>
      %dma_wait3A_155 = tpu.memref_squeeze %dma_wait3A_154 : memref<1x128xi32, #tpu.memory_space<vmem>> -> memref<128xi32, #tpu.memory_space<vmem>>
      %dma_wait3A_156 = arith.constant 0 : i32
      %dma_wait3A_157 = arith.constant 0 : i32
      %dma_wait3A_158 = tpu.memref_slice %arg2[%dma_wait3A_156, %dma_wait3A_157] : memref<10000x128xf32, #tpu.memory_space<hbm>> -> memref<10000x128xf32, #tpu.memory_space<hbm>>
      tpu.wait_indirect_dma semaphore(%arg14 : memref<!tpu.dma_semaphore, #tpu.memory_space<semaphore_mem>>) src(%dma_wait3A_158 : memref<10000x128xf32, #tpu.memory_space<hbm>>) dst(%arg11 : memref<128x128xf32, #tpu.memory_space<vmem>>)
      %run_scoped3A_159 = arith.constant 5 : i32
      "tpu.region"() ({
        %run_scoped3A_489 = tpu.sem_alloc : memref<!tpu.dma_semaphore, #tpu.memory_space<semaphore_mem>>
        %dma_start3A_490 = arith.constant 0 : i32
        %dma_start3A_491 = tpu.memref_slice %arg8[%run_scoped3A_159, %dma_start3A_490] : memref<8x128xi32, #tpu.memory_space<vmem>> -> memref<1x128xi32, #tpu.memory_space<vmem>>
        %dma_start3A_492 = tpu.memref_squeeze %dma_start3A_491 : memref<1x128xi32, #tpu.memory_space<vmem>> -> memref<128xi32, #tpu.memory_space<vmem>>
        %dma_start3A_493 = arith.constant 0 : i32
        %dma_start3A_494 = arith.constant 0 : i32
        %dma_start3A_495 = tpu.memref_slice %arg12[%dma_start3A_493, %dma_start3A_494] : memref<10240x128xf32, #tpu.memory_space<vmem_shared>> -> memref<10240x128xf32, #tpu.memory_space<vmem_shared>>
        tpu.enqueue_indirect_dma source(%arg11 : memref<128x128xf32, #tpu.memory_space<vmem>>) target(%dma_start3A_495 : memref<10240x128xf32, #tpu.memory_space<vmem_shared>>) offsets(%dma_start3A_492 : memref<128xi32, #tpu.memory_space<vmem>>) semaphore(%run_scoped3A_489 : memref<!tpu.dma_semaphore, #tpu.memory_space<semaphore_mem>>) {add = true}
        %dma_wait3A_496 = arith.constant 0 : i32
        %dma_wait3A_497 = tpu.memref_slice %arg8[%run_scoped3A_159, %dma_wait3A_496] : memref<8x128xi32, #tpu.memory_space<vmem>> -> memref<1x128xi32, #tpu.memory_space<vmem>>
        %dma_wait3A_498 = tpu.memref_squeeze %dma_wait3A_497 : memref<1x128xi32, #tpu.memory_space<vmem>> -> memref<128xi32, #tpu.memory_space<vmem>>
        %dma_wait3A_499 = arith.constant 0 : i32
        %dma_wait3A_500 = arith.constant 0 : i32
        %dma_wait3A_501 = tpu.memref_slice %arg12[%dma_wait3A_499, %dma_wait3A_500] : memref<10240x128xf32, #tpu.memory_space<vmem_shared>> -> memref<10240x128xf32, #tpu.memory_space<vmem_shared>>
        tpu.wait_indirect_dma semaphore(%run_scoped3A_489 : memref<!tpu.dma_semaphore, #tpu.memory_space<semaphore_mem>>) src(%arg11 : memref<128x128xf32, #tpu.memory_space<vmem>>) dst(%dma_wait3A_501 : memref<10240x128xf32, #tpu.memory_space<vmem_shared>>)
        tpu.yield
      }) : () -> ()
      %add3A_160 = arith.constant 6 : i32
      %add3A_161 = arith.addi %mul3A_50, %add3A_160 : i32
      %add3A_162 = arith.constant 1 : i32
      %add3A_163 = arith.addi %add3A_161, %add3A_162 : i32
      %dma_start3A_164 = arith.constant 0 : i32
      %dma_start3A_165 = tpu.memref_slice %arg7[%add3A_163, %dma_start3A_164] : memref<80x128xi32, #tpu.memory_space<vmem>> -> memref<1x128xi32, #tpu.memory_space<vmem>>
      %dma_start3A_166 = tpu.memref_squeeze %dma_start3A_165 : memref<1x128xi32, #tpu.memory_space<vmem>> -> memref<128xi32, #tpu.memory_space<vmem>>
      %dma_start3A_167 = arith.constant 0 : i32
      %dma_start3A_168 = arith.constant 0 : i32
      %dma_start3A_169 = tpu.memref_slice %arg2[%dma_start3A_167, %dma_start3A_168] : memref<10000x128xf32, #tpu.memory_space<hbm>> -> memref<10000x128xf32, #tpu.memory_space<hbm>>
      tpu.enqueue_indirect_dma source(%dma_start3A_169 : memref<10000x128xf32, #tpu.memory_space<hbm>>) target(%arg11 : memref<128x128xf32, #tpu.memory_space<vmem>>) offsets(%dma_start3A_166 : memref<128xi32, #tpu.memory_space<vmem>>) semaphore(%arg14 : memref<!tpu.dma_semaphore, #tpu.memory_space<semaphore_mem>>)
      %dma_wait3A_170 = arith.constant 0 : i32
      %dma_wait3A_171 = tpu.memref_slice %arg7[%add3A_161, %dma_wait3A_170] : memref<80x128xi32, #tpu.memory_space<vmem>> -> memref<1x128xi32, #tpu.memory_space<vmem>>
      %dma_wait3A_172 = tpu.memref_squeeze %dma_wait3A_171 : memref<1x128xi32, #tpu.memory_space<vmem>> -> memref<128xi32, #tpu.memory_space<vmem>>
      %dma_wait3A_173 = arith.constant 0 : i32
      %dma_wait3A_174 = arith.constant 0 : i32
      %dma_wait3A_175 = tpu.memref_slice %arg2[%dma_wait3A_173, %dma_wait3A_174] : memref<10000x128xf32, #tpu.memory_space<hbm>> -> memref<10000x128xf32, #tpu.memory_space<hbm>>
      tpu.wait_indirect_dma semaphore(%arg13 : memref<!tpu.dma_semaphore, #tpu.memory_space<semaphore_mem>>) src(%dma_wait3A_175 : memref<10000x128xf32, #tpu.memory_space<hbm>>) dst(%arg10 : memref<128x128xf32, #tpu.memory_space<vmem>>)
      %run_scoped3A_176 = arith.constant 6 : i32
      "tpu.region"() ({
        %run_scoped3A_489 = tpu.sem_alloc : memref<!tpu.dma_semaphore, #tpu.memory_space<semaphore_mem>>
        %dma_start3A_490 = arith.constant 0 : i32
        %dma_start3A_491 = tpu.memref_slice %arg8[%run_scoped3A_176, %dma_start3A_490] : memref<8x128xi32, #tpu.memory_space<vmem>> -> memref<1x128xi32, #tpu.memory_space<vmem>>
        %dma_start3A_492 = tpu.memref_squeeze %dma_start3A_491 : memref<1x128xi32, #tpu.memory_space<vmem>> -> memref<128xi32, #tpu.memory_space<vmem>>
        %dma_start3A_493 = arith.constant 0 : i32
        %dma_start3A_494 = arith.constant 0 : i32
        %dma_start3A_495 = tpu.memref_slice %arg12[%dma_start3A_493, %dma_start3A_494] : memref<10240x128xf32, #tpu.memory_space<vmem_shared>> -> memref<10240x128xf32, #tpu.memory_space<vmem_shared>>
        tpu.enqueue_indirect_dma source(%arg10 : memref<128x128xf32, #tpu.memory_space<vmem>>) target(%dma_start3A_495 : memref<10240x128xf32, #tpu.memory_space<vmem_shared>>) offsets(%dma_start3A_492 : memref<128xi32, #tpu.memory_space<vmem>>) semaphore(%run_scoped3A_489 : memref<!tpu.dma_semaphore, #tpu.memory_space<semaphore_mem>>) {add = true}
        %dma_wait3A_496 = arith.constant 0 : i32
        %dma_wait3A_497 = tpu.memref_slice %arg8[%run_scoped3A_176, %dma_wait3A_496] : memref<8x128xi32, #tpu.memory_space<vmem>> -> memref<1x128xi32, #tpu.memory_space<vmem>>
        %dma_wait3A_498 = tpu.memref_squeeze %dma_wait3A_497 : memref<1x128xi32, #tpu.memory_space<vmem>> -> memref<128xi32, #tpu.memory_space<vmem>>
        %dma_wait3A_499 = arith.constant 0 : i32
        %dma_wait3A_500 = arith.constant 0 : i32
        %dma_wait3A_501 = tpu.memref_slice %arg12[%dma_wait3A_499, %dma_wait3A_500] : memref<10240x128xf32, #tpu.memory_space<vmem_shared>> -> memref<10240x128xf32, #tpu.memory_space<vmem_shared>>
        tpu.wait_indirect_dma semaphore(%run_scoped3A_489 : memref<!tpu.dma_semaphore, #tpu.memory_space<semaphore_mem>>) src(%arg10 : memref<128x128xf32, #tpu.memory_space<vmem>>) dst(%dma_wait3A_501 : memref<10240x128xf32, #tpu.memory_space<vmem_shared>>)
        tpu.yield
      }) : () -> ()
      %add3A_177 = arith.constant 7 : i32
      %add3A_178 = arith.addi %mul3A_50, %add3A_177 : i32
      %add3A_179 = arith.constant 1 : i32
      %add3A_180 = arith.addi %add3A_178, %add3A_179 : i32
      %dma_start3A_181 = arith.constant 0 : i32
      %dma_start3A_182 = tpu.memref_slice %arg7[%add3A_180, %dma_start3A_181] : memref<80x128xi32, #tpu.memory_space<vmem>> -> memref<1x128xi32, #tpu.memory_space<vmem>>
      %dma_start3A_183 = tpu.memref_squeeze %dma_start3A_182 : memref<1x128xi32, #tpu.memory_space<vmem>> -> memref<128xi32, #tpu.memory_space<vmem>>
      %dma_start3A_184 = arith.constant 0 : i32
      %dma_start3A_185 = arith.constant 0 : i32
      %dma_start3A_186 = tpu.memref_slice %arg2[%dma_start3A_184, %dma_start3A_185] : memref<10000x128xf32, #tpu.memory_space<hbm>> -> memref<10000x128xf32, #tpu.memory_space<hbm>>
      tpu.enqueue_indirect_dma source(%dma_start3A_186 : memref<10000x128xf32, #tpu.memory_space<hbm>>) target(%arg10 : memref<128x128xf32, #tpu.memory_space<vmem>>) offsets(%dma_start3A_183 : memref<128xi32, #tpu.memory_space<vmem>>) semaphore(%arg13 : memref<!tpu.dma_semaphore, #tpu.memory_space<semaphore_mem>>)
      %dma_wait3A_187 = arith.constant 0 : i32
      %dma_wait3A_188 = tpu.memref_slice %arg7[%add3A_178, %dma_wait3A_187] : memref<80x128xi32, #tpu.memory_space<vmem>> -> memref<1x128xi32, #tpu.memory_space<vmem>>
      %dma_wait3A_189 = tpu.memref_squeeze %dma_wait3A_188 : memref<1x128xi32, #tpu.memory_space<vmem>> -> memref<128xi32, #tpu.memory_space<vmem>>
      %dma_wait3A_190 = arith.constant 0 : i32
      %dma_wait3A_191 = arith.constant 0 : i32
      %dma_wait3A_192 = tpu.memref_slice %arg2[%dma_wait3A_190, %dma_wait3A_191] : memref<10000x128xf32, #tpu.memory_space<hbm>> -> memref<10000x128xf32, #tpu.memory_space<hbm>>
      tpu.wait_indirect_dma semaphore(%arg14 : memref<!tpu.dma_semaphore, #tpu.memory_space<semaphore_mem>>) src(%dma_wait3A_192 : memref<10000x128xf32, #tpu.memory_space<hbm>>) dst(%arg11 : memref<128x128xf32, #tpu.memory_space<vmem>>)
      %run_scoped3A_193 = arith.constant 7 : i32
      "tpu.region"() ({
        %run_scoped3A_489 = tpu.sem_alloc : memref<!tpu.dma_semaphore, #tpu.memory_space<semaphore_mem>>
        %dma_start3A_490 = arith.constant 0 : i32
        %dma_start3A_491 = tpu.memref_slice %arg8[%run_scoped3A_193, %dma_start3A_490] : memref<8x128xi32, #tpu.memory_space<vmem>> -> memref<1x128xi32, #tpu.memory_space<vmem>>
        %dma_start3A_492 = tpu.memref_squeeze %dma_start3A_491 : memref<1x128xi32, #tpu.memory_space<vmem>> -> memref<128xi32, #tpu.memory_space<vmem>>
        %dma_start3A_493 = arith.constant 0 : i32
        %dma_start3A_494 = arith.constant 0 : i32
        %dma_start3A_495 = tpu.memref_slice %arg12[%dma_start3A_493, %dma_start3A_494] : memref<10240x128xf32, #tpu.memory_space<vmem_shared>> -> memref<10240x128xf32, #tpu.memory_space<vmem_shared>>
        tpu.enqueue_indirect_dma source(%arg11 : memref<128x128xf32, #tpu.memory_space<vmem>>) target(%dma_start3A_495 : memref<10240x128xf32, #tpu.memory_space<vmem_shared>>) offsets(%dma_start3A_492 : memref<128xi32, #tpu.memory_space<vmem>>) semaphore(%run_scoped3A_489 : memref<!tpu.dma_semaphore, #tpu.memory_space<semaphore_mem>>) {add = true}
        %dma_wait3A_496 = arith.constant 0 : i32
        %dma_wait3A_497 = tpu.memref_slice %arg8[%run_scoped3A_193, %dma_wait3A_496] : memref<8x128xi32, #tpu.memory_space<vmem>> -> memref<1x128xi32, #tpu.memory_space<vmem>>
        %dma_wait3A_498 = tpu.memref_squeeze %dma_wait3A_497 : memref<1x128xi32, #tpu.memory_space<vmem>> -> memref<128xi32, #tpu.memory_space<vmem>>
        %dma_wait3A_499 = arith.constant 0 : i32
        %dma_wait3A_500 = arith.constant 0 : i32
        %dma_wait3A_501 = tpu.memref_slice %arg12[%dma_wait3A_499, %dma_wait3A_500] : memref<10240x128xf32, #tpu.memory_space<vmem_shared>> -> memref<10240x128xf32, #tpu.memory_space<vmem_shared>>
        tpu.wait_indirect_dma semaphore(%run_scoped3A_489 : memref<!tpu.dma_semaphore, #tpu.memory_space<semaphore_mem>>) src(%arg11 : memref<128x128xf32, #tpu.memory_space<vmem>>) dst(%dma_wait3A_501 : memref<10240x128xf32, #tpu.memory_space<vmem_shared>>)
        tpu.yield
      }) : () -> ()
      %add3A_194 = arith.constant 2 : i32
      %add3A_195 = arith.addi %add3A_48, %add3A_194 : i32
      %lt3A = arith.constant 10 : i32
      %lt3A_196 = arith.cmpi slt, %add3A_195, %lt3A : i32
      %convert_element_type3A = arith.extui %lt3A_196 : i1 to i32
      %cond3A = arith.constant 0 : i32
      %cond3A_197 = arith.cmpi ne, %convert_element_type3A, %cond3A : i32
      scf.if %cond3A_197 {
        %add3A_489 = arith.constant 2 : i32
        %add3A_490 = arith.addi %add3A_48, %add3A_489 : i32
        %dma_start3A_491 = arith.constant 0 : i32
        %dma_start3A_492 = arith.constant 0 : i32
        %dma_start3A_493 = tpu.memref_slice %arg4[%add3A, %add3A_490, %dma_start3A_491, %dma_start3A_492] : memref<32x10x8x128xi32, #tpu.memory_space<hbm>> -> memref<1x1x8x128xi32, #tpu.memory_space<hbm>>
        %dma_start3A_494 = tpu.memref_squeeze %dma_start3A_493 : memref<1x1x8x128xi32, #tpu.memory_space<hbm>> -> memref<8x128xi32, #tpu.memory_space<hbm>>
        %dma_start3A_495 = arith.constant 0 : i32
        %dma_start3A_496 = arith.constant 0 : i32
        %dma_start3A_497 = tpu.memref_slice %arg4[%add3A, %add3A_490, %dma_start3A_495, %dma_start3A_496] : memref<32x10x8x128xi32, #tpu.memory_space<hbm>> -> memref<1x1x8x128xi32, #tpu.memory_space<hbm>>
        %dma_start3A_498 = tpu.memref_squeeze %dma_start3A_497 : memref<1x1x8x128xi32, #tpu.memory_space<hbm>> -> memref<8x128xi32, #tpu.memory_space<hbm>>
        tpu.enqueue_dma source(%dma_start3A_498 : memref<8x128xi32, #tpu.memory_space<hbm>>) target(%arg8 : memref<8x128xi32, #tpu.memory_space<vmem>>) target_semaphore(%arg15 : memref<!tpu.dma_semaphore, #tpu.memory_space<semaphore_mem>>)
      } else {
      }
      %add3A_198 = arith.constant 1 : i32
      %add3A_199 = arith.addi %add3A_48, %add3A_198 : i32
      %dma_wait3A_200 = arith.constant 0 : i32
      %dma_wait3A_201 = arith.constant 0 : i32
      %dma_wait3A_202 = tpu.memref_slice %arg4[%add3A, %add3A_199, %dma_wait3A_200, %dma_wait3A_201] : memref<32x10x8x128xi32, #tpu.memory_space<hbm>> -> memref<1x1x8x128xi32, #tpu.memory_space<hbm>>
      %dma_wait3A_203 = tpu.memref_squeeze %dma_wait3A_202 : memref<1x1x8x128xi32, #tpu.memory_space<hbm>> -> memref<8x128xi32, #tpu.memory_space<hbm>>
      %dma_wait3A_204 = arith.constant 0 : i32
      %dma_wait3A_205 = arith.constant 0 : i32
      %dma_wait3A_206 = tpu.memref_slice %arg4[%add3A, %add3A_199, %dma_wait3A_204, %dma_wait3A_205] : memref<32x10x8x128xi32, #tpu.memory_space<hbm>> -> memref<1x1x8x128xi32, #tpu.memory_space<hbm>>
      %dma_wait3A_207 = tpu.memref_squeeze %dma_wait3A_206 : memref<1x1x8x128xi32, #tpu.memory_space<hbm>> -> memref<8x128xi32, #tpu.memory_space<hbm>>
      tpu.wait_dma2 semaphore(%arg16 : memref<!tpu.dma_semaphore, #tpu.memory_space<semaphore_mem>>) src(%dma_wait3A_207 : memref<8x128xi32, #tpu.memory_space<hbm>>) dst(%arg9 : memref<8x128xi32, #tpu.memory_space<vmem>>)
      %add3A_208 = arith.constant 8 : i32
      %add3A_209 = arith.addi %mul3A_50, %add3A_208 : i32
      %add3A_210 = arith.constant 0 : i32
      %add3A_211 = arith.addi %add3A_209, %add3A_210 : i32
      %add3A_212 = arith.constant 1 : i32
      %add3A_213 = arith.addi %add3A_211, %add3A_212 : i32
      %jit3A = arith.constant 80 : i32
      %eq3A = arith.constant 0 : i32
      %eq3A_214 = arith.cmpi eq, %jit3A, %eq3A : i32
      %jit3A_215 = arith.constant 1 : i32
      %select_n3A = arith.select %eq3A_214, %jit3A_215, %jit3A : i32
      %rem3A = arith.remsi %add3A_213, %select_n3A : i32
      %ne3A = arith.constant 0 : i32
      %ne3A_216 = arith.cmpi ne, %rem3A, %ne3A : i32
      %lt3A_217 = arith.constant 0 : i32
      %lt3A_218 = arith.cmpi slt, %rem3A, %lt3A_217 : i32
      %lt3A_219 = arith.constant 0 : i32
      %lt3A_220 = arith.cmpi slt, %select_n3A, %lt3A_219 : i32
      %ne3A_221 = arith.xori %lt3A_218, %lt3A_220 : i1
      %and3A = arith.andi %ne3A_221, %ne3A_216 : i1
      %add3A_222 = arith.addi %rem3A, %select_n3A : i32
      %select_n3A_223 = arith.select %and3A, %add3A_222, %rem3A : i32
      %dma_start3A_224 = arith.constant 0 : i32
      %dma_start3A_225 = tpu.memref_slice %arg7[%select_n3A_223, %dma_start3A_224] : memref<80x128xi32, #tpu.memory_space<vmem>> -> memref<1x128xi32, #tpu.memory_space<vmem>>
      %dma_start3A_226 = tpu.memref_squeeze %dma_start3A_225 : memref<1x128xi32, #tpu.memory_space<vmem>> -> memref<128xi32, #tpu.memory_space<vmem>>
      %dma_start3A_227 = arith.constant 0 : i32
      %dma_start3A_228 = arith.constant 0 : i32
      %dma_start3A_229 = tpu.memref_slice %arg2[%dma_start3A_227, %dma_start3A_228] : memref<10000x128xf32, #tpu.memory_space<hbm>> -> memref<10000x128xf32, #tpu.memory_space<hbm>>
      tpu.enqueue_indirect_dma source(%dma_start3A_229 : memref<10000x128xf32, #tpu.memory_space<hbm>>) target(%arg11 : memref<128x128xf32, #tpu.memory_space<vmem>>) offsets(%dma_start3A_226 : memref<128xi32, #tpu.memory_space<vmem>>) semaphore(%arg14 : memref<!tpu.dma_semaphore, #tpu.memory_space<semaphore_mem>>)
      %dma_wait3A_230 = arith.constant 0 : i32
      %dma_wait3A_231 = tpu.memref_slice %arg7[%add3A_211, %dma_wait3A_230] : memref<80x128xi32, #tpu.memory_space<vmem>> -> memref<1x128xi32, #tpu.memory_space<vmem>>
      %dma_wait3A_232 = tpu.memref_squeeze %dma_wait3A_231 : memref<1x128xi32, #tpu.memory_space<vmem>> -> memref<128xi32, #tpu.memory_space<vmem>>
      %dma_wait3A_233 = arith.constant 0 : i32
      %dma_wait3A_234 = arith.constant 0 : i32
      %dma_wait3A_235 = tpu.memref_slice %arg2[%dma_wait3A_233, %dma_wait3A_234] : memref<10000x128xf32, #tpu.memory_space<hbm>> -> memref<10000x128xf32, #tpu.memory_space<hbm>>
      tpu.wait_indirect_dma semaphore(%arg13 : memref<!tpu.dma_semaphore, #tpu.memory_space<semaphore_mem>>) src(%dma_wait3A_235 : memref<10000x128xf32, #tpu.memory_space<hbm>>) dst(%arg10 : memref<128x128xf32, #tpu.memory_space<vmem>>)
      %run_scoped3A_236 = arith.constant 0 : i32
      "tpu.region"() ({
        %run_scoped3A_489 = tpu.sem_alloc : memref<!tpu.dma_semaphore, #tpu.memory_space<semaphore_mem>>
        %dma_start3A_490 = arith.constant 0 : i32
        %dma_start3A_491 = tpu.memref_slice %arg9[%run_scoped3A_236, %dma_start3A_490] : memref<8x128xi32, #tpu.memory_space<vmem>> -> memref<1x128xi32, #tpu.memory_space<vmem>>
        %dma_start3A_492 = tpu.memref_squeeze %dma_start3A_491 : memref<1x128xi32, #tpu.memory_space<vmem>> -> memref<128xi32, #tpu.memory_space<vmem>>
        %dma_start3A_493 = arith.constant 0 : i32
        %dma_start3A_494 = arith.constant 0 : i32
        %dma_start3A_495 = tpu.memref_slice %arg12[%dma_start3A_493, %dma_start3A_494] : memref<10240x128xf32, #tpu.memory_space<vmem_shared>> -> memref<10240x128xf32, #tpu.memory_space<vmem_shared>>
        tpu.enqueue_indirect_dma source(%arg10 : memref<128x128xf32, #tpu.memory_space<vmem>>) target(%dma_start3A_495 : memref<10240x128xf32, #tpu.memory_space<vmem_shared>>) offsets(%dma_start3A_492 : memref<128xi32, #tpu.memory_space<vmem>>) semaphore(%run_scoped3A_489 : memref<!tpu.dma_semaphore, #tpu.memory_space<semaphore_mem>>) {add = true}
        %dma_wait3A_496 = arith.constant 0 : i32
        %dma_wait3A_497 = tpu.memref_slice %arg9[%run_scoped3A_236, %dma_wait3A_496] : memref<8x128xi32, #tpu.memory_space<vmem>> -> memref<1x128xi32, #tpu.memory_space<vmem>>
        %dma_wait3A_498 = tpu.memref_squeeze %dma_wait3A_497 : memref<1x128xi32, #tpu.memory_space<vmem>> -> memref<128xi32, #tpu.memory_space<vmem>>
        %dma_wait3A_499 = arith.constant 0 : i32
        %dma_wait3A_500 = arith.constant 0 : i32
        %dma_wait3A_501 = tpu.memref_slice %arg12[%dma_wait3A_499, %dma_wait3A_500] : memref<10240x128xf32, #tpu.memory_space<vmem_shared>> -> memref<10240x128xf32, #tpu.memory_space<vmem_shared>>
        tpu.wait_indirect_dma semaphore(%run_scoped3A_489 : memref<!tpu.dma_semaphore, #tpu.memory_space<semaphore_mem>>) src(%arg10 : memref<128x128xf32, #tpu.memory_space<vmem>>) dst(%dma_wait3A_501 : memref<10240x128xf32, #tpu.memory_space<vmem_shared>>)
        tpu.yield
      }) : () -> ()
      %add3A_237 = arith.constant 8 : i32
      %add3A_238 = arith.addi %mul3A_50, %add3A_237 : i32
      %add3A_239 = arith.constant 1 : i32
      %add3A_240 = arith.addi %add3A_238, %add3A_239 : i32
      %add3A_241 = arith.constant 1 : i32
      %add3A_242 = arith.addi %add3A_240, %add3A_241 : i32
      %jit3A_243 = arith.constant 80 : i32
      %eq3A_244 = arith.constant 0 : i32
      %eq3A_245 = arith.cmpi eq, %jit3A_243, %eq3A_244 : i32
      %jit3A_246 = arith.constant 1 : i32
      %select_n3A_247 = arith.select %eq3A_245, %jit3A_246, %jit3A_243 : i32
      %rem3A_248 = arith.remsi %add3A_242, %select_n3A_247 : i32
      %ne3A_249 = arith.constant 0 : i32
      %ne3A_250 = arith.cmpi ne, %rem3A_248, %ne3A_249 : i32
      %lt3A_251 = arith.constant 0 : i32
      %lt3A_252 = arith.cmpi slt, %rem3A_248, %lt3A_251 : i32
      %lt3A_253 = arith.constant 0 : i32
      %lt3A_254 = arith.cmpi slt, %select_n3A_247, %lt3A_253 : i32
      %ne3A_255 = arith.xori %lt3A_252, %lt3A_254 : i1
      %and3A_256 = arith.andi %ne3A_255, %ne3A_250 : i1
      %add3A_257 = arith.addi %rem3A_248, %select_n3A_247 : i32
      %select_n3A_258 = arith.select %and3A_256, %add3A_257, %rem3A_248 : i32
      %dma_start3A_259 = arith.constant 0 : i32
      %dma_start3A_260 = tpu.memref_slice %arg7[%select_n3A_258, %dma_start3A_259] : memref<80x128xi32, #tpu.memory_space<vmem>> -> memref<1x128xi32, #tpu.memory_space<vmem>>
      %dma_start3A_261 = tpu.memref_squeeze %dma_start3A_260 : memref<1x128xi32, #tpu.memory_space<vmem>> -> memref<128xi32, #tpu.memory_space<vmem>>
      %dma_start3A_262 = arith.constant 0 : i32
      %dma_start3A_263 = arith.constant 0 : i32
      %dma_start3A_264 = tpu.memref_slice %arg2[%dma_start3A_262, %dma_start3A_263] : memref<10000x128xf32, #tpu.memory_space<hbm>> -> memref<10000x128xf32, #tpu.memory_space<hbm>>
      tpu.enqueue_indirect_dma source(%dma_start3A_264 : memref<10000x128xf32, #tpu.memory_space<hbm>>) target(%arg10 : memref<128x128xf32, #tpu.memory_space<vmem>>) offsets(%dma_start3A_261 : memref<128xi32, #tpu.memory_space<vmem>>) semaphore(%arg13 : memref<!tpu.dma_semaphore, #tpu.memory_space<semaphore_mem>>)
      %dma_wait3A_265 = arith.constant 0 : i32
      %dma_wait3A_266 = tpu.memref_slice %arg7[%add3A_240, %dma_wait3A_265] : memref<80x128xi32, #tpu.memory_space<vmem>> -> memref<1x128xi32, #tpu.memory_space<vmem>>
      %dma_wait3A_267 = tpu.memref_squeeze %dma_wait3A_266 : memref<1x128xi32, #tpu.memory_space<vmem>> -> memref<128xi32, #tpu.memory_space<vmem>>
      %dma_wait3A_268 = arith.constant 0 : i32
      %dma_wait3A_269 = arith.constant 0 : i32
      %dma_wait3A_270 = tpu.memref_slice %arg2[%dma_wait3A_268, %dma_wait3A_269] : memref<10000x128xf32, #tpu.memory_space<hbm>> -> memref<10000x128xf32, #tpu.memory_space<hbm>>
      tpu.wait_indirect_dma semaphore(%arg14 : memref<!tpu.dma_semaphore, #tpu.memory_space<semaphore_mem>>) src(%dma_wait3A_270 : memref<10000x128xf32, #tpu.memory_space<hbm>>) dst(%arg11 : memref<128x128xf32, #tpu.memory_space<vmem>>)
      %run_scoped3A_271 = arith.constant 1 : i32
      "tpu.region"() ({
        %run_scoped3A_489 = tpu.sem_alloc : memref<!tpu.dma_semaphore, #tpu.memory_space<semaphore_mem>>
        %dma_start3A_490 = arith.constant 0 : i32
        %dma_start3A_491 = tpu.memref_slice %arg9[%run_scoped3A_271, %dma_start3A_490] : memref<8x128xi32, #tpu.memory_space<vmem>> -> memref<1x128xi32, #tpu.memory_space<vmem>>
        %dma_start3A_492 = tpu.memref_squeeze %dma_start3A_491 : memref<1x128xi32, #tpu.memory_space<vmem>> -> memref<128xi32, #tpu.memory_space<vmem>>
        %dma_start3A_493 = arith.constant 0 : i32
        %dma_start3A_494 = arith.constant 0 : i32
        %dma_start3A_495 = tpu.memref_slice %arg12[%dma_start3A_493, %dma_start3A_494] : memref<10240x128xf32, #tpu.memory_space<vmem_shared>> -> memref<10240x128xf32, #tpu.memory_space<vmem_shared>>
        tpu.enqueue_indirect_dma source(%arg11 : memref<128x128xf32, #tpu.memory_space<vmem>>) target(%dma_start3A_495 : memref<10240x128xf32, #tpu.memory_space<vmem_shared>>) offsets(%dma_start3A_492 : memref<128xi32, #tpu.memory_space<vmem>>) semaphore(%run_scoped3A_489 : memref<!tpu.dma_semaphore, #tpu.memory_space<semaphore_mem>>) {add = true}
        %dma_wait3A_496 = arith.constant 0 : i32
        %dma_wait3A_497 = tpu.memref_slice %arg9[%run_scoped3A_271, %dma_wait3A_496] : memref<8x128xi32, #tpu.memory_space<vmem>> -> memref<1x128xi32, #tpu.memory_space<vmem>>
        %dma_wait3A_498 = tpu.memref_squeeze %dma_wait3A_497 : memref<1x128xi32, #tpu.memory_space<vmem>> -> memref<128xi32, #tpu.memory_space<vmem>>
        %dma_wait3A_499 = arith.constant 0 : i32
        %dma_wait3A_500 = arith.constant 0 : i32
        %dma_wait3A_501 = tpu.memref_slice %arg12[%dma_wait3A_499, %dma_wait3A_500] : memref<10240x128xf32, #tpu.memory_space<vmem_shared>> -> memref<10240x128xf32, #tpu.memory_space<vmem_shared>>
        tpu.wait_indirect_dma semaphore(%run_scoped3A_489 : memref<!tpu.dma_semaphore, #tpu.memory_space<semaphore_mem>>) src(%arg11 : memref<128x128xf32, #tpu.memory_space<vmem>>) dst(%dma_wait3A_501 : memref<10240x128xf32, #tpu.memory_space<vmem_shared>>)
        tpu.yield
      }) : () -> ()
      %add3A_272 = arith.constant 8 : i32
      %add3A_273 = arith.addi %mul3A_50, %add3A_272 : i32
      %add3A_274 = arith.constant 2 : i32
      %add3A_275 = arith.addi %add3A_273, %add3A_274 : i32
      %add3A_276 = arith.constant 1 : i32
      %add3A_277 = arith.addi %add3A_275, %add3A_276 : i32
      %jit3A_278 = arith.constant 80 : i32
      %eq3A_279 = arith.constant 0 : i32
      %eq3A_280 = arith.cmpi eq, %jit3A_278, %eq3A_279 : i32
      %jit3A_281 = arith.constant 1 : i32
      %select_n3A_282 = arith.select %eq3A_280, %jit3A_281, %jit3A_278 : i32
      %rem3A_283 = arith.remsi %add3A_277, %select_n3A_282 : i32
      %ne3A_284 = arith.constant 0 : i32
      %ne3A_285 = arith.cmpi ne, %rem3A_283, %ne3A_284 : i32
      %lt3A_286 = arith.constant 0 : i32
      %lt3A_287 = arith.cmpi slt, %rem3A_283, %lt3A_286 : i32
      %lt3A_288 = arith.constant 0 : i32
      %lt3A_289 = arith.cmpi slt, %select_n3A_282, %lt3A_288 : i32
      %ne3A_290 = arith.xori %lt3A_287, %lt3A_289 : i1
      %and3A_291 = arith.andi %ne3A_290, %ne3A_285 : i1
      %add3A_292 = arith.addi %rem3A_283, %select_n3A_282 : i32
      %select_n3A_293 = arith.select %and3A_291, %add3A_292, %rem3A_283 : i32
      %dma_start3A_294 = arith.constant 0 : i32
      %dma_start3A_295 = tpu.memref_slice %arg7[%select_n3A_293, %dma_start3A_294] : memref<80x128xi32, #tpu.memory_space<vmem>> -> memref<1x128xi32, #tpu.memory_space<vmem>>
      %dma_start3A_296 = tpu.memref_squeeze %dma_start3A_295 : memref<1x128xi32, #tpu.memory_space<vmem>> -> memref<128xi32, #tpu.memory_space<vmem>>
      %dma_start3A_297 = arith.constant 0 : i32
      %dma_start3A_298 = arith.constant 0 : i32
      %dma_start3A_299 = tpu.memref_slice %arg2[%dma_start3A_297, %dma_start3A_298] : memref<10000x128xf32, #tpu.memory_space<hbm>> -> memref<10000x128xf32, #tpu.memory_space<hbm>>
      tpu.enqueue_indirect_dma source(%dma_start3A_299 : memref<10000x128xf32, #tpu.memory_space<hbm>>) target(%arg11 : memref<128x128xf32, #tpu.memory_space<vmem>>) offsets(%dma_start3A_296 : memref<128xi32, #tpu.memory_space<vmem>>) semaphore(%arg14 : memref<!tpu.dma_semaphore, #tpu.memory_space<semaphore_mem>>)
      %dma_wait3A_300 = arith.constant 0 : i32
      %dma_wait3A_301 = tpu.memref_slice %arg7[%add3A_275, %dma_wait3A_300] : memref<80x128xi32, #tpu.memory_space<vmem>> -> memref<1x128xi32, #tpu.memory_space<vmem>>
      %dma_wait3A_302 = tpu.memref_squeeze %dma_wait3A_301 : memref<1x128xi32, #tpu.memory_space<vmem>> -> memref<128xi32, #tpu.memory_space<vmem>>
      %dma_wait3A_303 = arith.constant 0 : i32
      %dma_wait3A_304 = arith.constant 0 : i32
      %dma_wait3A_305 = tpu.memref_slice %arg2[%dma_wait3A_303, %dma_wait3A_304] : memref<10000x128xf32, #tpu.memory_space<hbm>> -> memref<10000x128xf32, #tpu.memory_space<hbm>>
      tpu.wait_indirect_dma semaphore(%arg13 : memref<!tpu.dma_semaphore, #tpu.memory_space<semaphore_mem>>) src(%dma_wait3A_305 : memref<10000x128xf32, #tpu.memory_space<hbm>>) dst(%arg10 : memref<128x128xf32, #tpu.memory_space<vmem>>)
      %run_scoped3A_306 = arith.constant 2 : i32
      "tpu.region"() ({
        %run_scoped3A_489 = tpu.sem_alloc : memref<!tpu.dma_semaphore, #tpu.memory_space<semaphore_mem>>
        %dma_start3A_490 = arith.constant 0 : i32
        %dma_start3A_491 = tpu.memref_slice %arg9[%run_scoped3A_306, %dma_start3A_490] : memref<8x128xi32, #tpu.memory_space<vmem>> -> memref<1x128xi32, #tpu.memory_space<vmem>>
        %dma_start3A_492 = tpu.memref_squeeze %dma_start3A_491 : memref<1x128xi32, #tpu.memory_space<vmem>> -> memref<128xi32, #tpu.memory_space<vmem>>
        %dma_start3A_493 = arith.constant 0 : i32
        %dma_start3A_494 = arith.constant 0 : i32
        %dma_start3A_495 = tpu.memref_slice %arg12[%dma_start3A_493, %dma_start3A_494] : memref<10240x128xf32, #tpu.memory_space<vmem_shared>> -> memref<10240x128xf32, #tpu.memory_space<vmem_shared>>
        tpu.enqueue_indirect_dma source(%arg10 : memref<128x128xf32, #tpu.memory_space<vmem>>) target(%dma_start3A_495 : memref<10240x128xf32, #tpu.memory_space<vmem_shared>>) offsets(%dma_start3A_492 : memref<128xi32, #tpu.memory_space<vmem>>) semaphore(%run_scoped3A_489 : memref<!tpu.dma_semaphore, #tpu.memory_space<semaphore_mem>>) {add = true}
        %dma_wait3A_496 = arith.constant 0 : i32
        %dma_wait3A_497 = tpu.memref_slice %arg9[%run_scoped3A_306, %dma_wait3A_496] : memref<8x128xi32, #tpu.memory_space<vmem>> -> memref<1x128xi32, #tpu.memory_space<vmem>>
        %dma_wait3A_498 = tpu.memref_squeeze %dma_wait3A_497 : memref<1x128xi32, #tpu.memory_space<vmem>> -> memref<128xi32, #tpu.memory_space<vmem>>
        %dma_wait3A_499 = arith.constant 0 : i32
        %dma_wait3A_500 = arith.constant 0 : i32
        %dma_wait3A_501 = tpu.memref_slice %arg12[%dma_wait3A_499, %dma_wait3A_500] : memref<10240x128xf32, #tpu.memory_space<vmem_shared>> -> memref<10240x128xf32, #tpu.memory_space<vmem_shared>>
        tpu.wait_indirect_dma semaphore(%run_scoped3A_489 : memref<!tpu.dma_semaphore, #tpu.memory_space<semaphore_mem>>) src(%arg10 : memref<128x128xf32, #tpu.memory_space<vmem>>) dst(%dma_wait3A_501 : memref<10240x128xf32, #tpu.memory_space<vmem_shared>>)
        tpu.yield
      }) : () -> ()
      %add3A_307 = arith.constant 8 : i32
      %add3A_308 = arith.addi %mul3A_50, %add3A_307 : i32
      %add3A_309 = arith.constant 3 : i32
      %add3A_310 = arith.addi %add3A_308, %add3A_309 : i32
      %add3A_311 = arith.constant 1 : i32
      %add3A_312 = arith.addi %add3A_310, %add3A_311 : i32
      %jit3A_313 = arith.constant 80 : i32
      %eq3A_314 = arith.constant 0 : i32
      %eq3A_315 = arith.cmpi eq, %jit3A_313, %eq3A_314 : i32
      %jit3A_316 = arith.constant 1 : i32
      %select_n3A_317 = arith.select %eq3A_315, %jit3A_316, %jit3A_313 : i32
      %rem3A_318 = arith.remsi %add3A_312, %select_n3A_317 : i32
      %ne3A_319 = arith.constant 0 : i32
      %ne3A_320 = arith.cmpi ne, %rem3A_318, %ne3A_319 : i32
      %lt3A_321 = arith.constant 0 : i32
      %lt3A_322 = arith.cmpi slt, %rem3A_318, %lt3A_321 : i32
      %lt3A_323 = arith.constant 0 : i32
      %lt3A_324 = arith.cmpi slt, %select_n3A_317, %lt3A_323 : i32
      %ne3A_325 = arith.xori %lt3A_322, %lt3A_324 : i1
      %and3A_326 = arith.andi %ne3A_325, %ne3A_320 : i1
      %add3A_327 = arith.addi %rem3A_318, %select_n3A_317 : i32
      %select_n3A_328 = arith.select %and3A_326, %add3A_327, %rem3A_318 : i32
      %dma_start3A_329 = arith.constant 0 : i32
      %dma_start3A_330 = tpu.memref_slice %arg7[%select_n3A_328, %dma_start3A_329] : memref<80x128xi32, #tpu.memory_space<vmem>> -> memref<1x128xi32, #tpu.memory_space<vmem>>
      %dma_start3A_331 = tpu.memref_squeeze %dma_start3A_330 : memref<1x128xi32, #tpu.memory_space<vmem>> -> memref<128xi32, #tpu.memory_space<vmem>>
      %dma_start3A_332 = arith.constant 0 : i32
      %dma_start3A_333 = arith.constant 0 : i32
      %dma_start3A_334 = tpu.memref_slice %arg2[%dma_start3A_332, %dma_start3A_333] : memref<10000x128xf32, #tpu.memory_space<hbm>> -> memref<10000x128xf32, #tpu.memory_space<hbm>>
      tpu.enqueue_indirect_dma source(%dma_start3A_334 : memref<10000x128xf32, #tpu.memory_space<hbm>>) target(%arg10 : memref<128x128xf32, #tpu.memory_space<vmem>>) offsets(%dma_start3A_331 : memref<128xi32, #tpu.memory_space<vmem>>) semaphore(%arg13 : memref<!tpu.dma_semaphore, #tpu.memory_space<semaphore_mem>>)
      %dma_wait3A_335 = arith.constant 0 : i32
      %dma_wait3A_336 = tpu.memref_slice %arg7[%add3A_310, %dma_wait3A_335] : memref<80x128xi32, #tpu.memory_space<vmem>> -> memref<1x128xi32, #tpu.memory_space<vmem>>
      %dma_wait3A_337 = tpu.memref_squeeze %dma_wait3A_336 : memref<1x128xi32, #tpu.memory_space<vmem>> -> memref<128xi32, #tpu.memory_space<vmem>>
      %dma_wait3A_338 = arith.constant 0 : i32
      %dma_wait3A_339 = arith.constant 0 : i32
      %dma_wait3A_340 = tpu.memref_slice %arg2[%dma_wait3A_338, %dma_wait3A_339] : memref<10000x128xf32, #tpu.memory_space<hbm>> -> memref<10000x128xf32, #tpu.memory_space<hbm>>
      tpu.wait_indirect_dma semaphore(%arg14 : memref<!tpu.dma_semaphore, #tpu.memory_space<semaphore_mem>>) src(%dma_wait3A_340 : memref<10000x128xf32, #tpu.memory_space<hbm>>) dst(%arg11 : memref<128x128xf32, #tpu.memory_space<vmem>>)
      %run_scoped3A_341 = arith.constant 3 : i32
      "tpu.region"() ({
        %run_scoped3A_489 = tpu.sem_alloc : memref<!tpu.dma_semaphore, #tpu.memory_space<semaphore_mem>>
        %dma_start3A_490 = arith.constant 0 : i32
        %dma_start3A_491 = tpu.memref_slice %arg9[%run_scoped3A_341, %dma_start3A_490] : memref<8x128xi32, #tpu.memory_space<vmem>> -> memref<1x128xi32, #tpu.memory_space<vmem>>
        %dma_start3A_492 = tpu.memref_squeeze %dma_start3A_491 : memref<1x128xi32, #tpu.memory_space<vmem>> -> memref<128xi32, #tpu.memory_space<vmem>>
        %dma_start3A_493 = arith.constant 0 : i32
        %dma_start3A_494 = arith.constant 0 : i32
        %dma_start3A_495 = tpu.memref_slice %arg12[%dma_start3A_493, %dma_start3A_494] : memref<10240x128xf32, #tpu.memory_space<vmem_shared>> -> memref<10240x128xf32, #tpu.memory_space<vmem_shared>>
        tpu.enqueue_indirect_dma source(%arg11 : memref<128x128xf32, #tpu.memory_space<vmem>>) target(%dma_start3A_495 : memref<10240x128xf32, #tpu.memory_space<vmem_shared>>) offsets(%dma_start3A_492 : memref<128xi32, #tpu.memory_space<vmem>>) semaphore(%run_scoped3A_489 : memref<!tpu.dma_semaphore, #tpu.memory_space<semaphore_mem>>) {add = true}
        %dma_wait3A_496 = arith.constant 0 : i32
        %dma_wait3A_497 = tpu.memref_slice %arg9[%run_scoped3A_341, %dma_wait3A_496] : memref<8x128xi32, #tpu.memory_space<vmem>> -> memref<1x128xi32, #tpu.memory_space<vmem>>
        %dma_wait3A_498 = tpu.memref_squeeze %dma_wait3A_497 : memref<1x128xi32, #tpu.memory_space<vmem>> -> memref<128xi32, #tpu.memory_space<vmem>>
        %dma_wait3A_499 = arith.constant 0 : i32
        %dma_wait3A_500 = arith.constant 0 : i32
        %dma_wait3A_501 = tpu.memref_slice %arg12[%dma_wait3A_499, %dma_wait3A_500] : memref<10240x128xf32, #tpu.memory_space<vmem_shared>> -> memref<10240x128xf32, #tpu.memory_space<vmem_shared>>
        tpu.wait_indirect_dma semaphore(%run_scoped3A_489 : memref<!tpu.dma_semaphore, #tpu.memory_space<semaphore_mem>>) src(%arg11 : memref<128x128xf32, #tpu.memory_space<vmem>>) dst(%dma_wait3A_501 : memref<10240x128xf32, #tpu.memory_space<vmem_shared>>)
        tpu.yield
      }) : () -> ()
      %add3A_342 = arith.constant 8 : i32
      %add3A_343 = arith.addi %mul3A_50, %add3A_342 : i32
      %add3A_344 = arith.constant 4 : i32
      %add3A_345 = arith.addi %add3A_343, %add3A_344 : i32
      %add3A_346 = arith.constant 1 : i32
      %add3A_347 = arith.addi %add3A_345, %add3A_346 : i32
      %jit3A_348 = arith.constant 80 : i32
      %eq3A_349 = arith.constant 0 : i32
      %eq3A_350 = arith.cmpi eq, %jit3A_348, %eq3A_349 : i32
      %jit3A_351 = arith.constant 1 : i32
      %select_n3A_352 = arith.select %eq3A_350, %jit3A_351, %jit3A_348 : i32
      %rem3A_353 = arith.remsi %add3A_347, %select_n3A_352 : i32
      %ne3A_354 = arith.constant 0 : i32
      %ne3A_355 = arith.cmpi ne, %rem3A_353, %ne3A_354 : i32
      %lt3A_356 = arith.constant 0 : i32
      %lt3A_357 = arith.cmpi slt, %rem3A_353, %lt3A_356 : i32
      %lt3A_358 = arith.constant 0 : i32
      %lt3A_359 = arith.cmpi slt, %select_n3A_352, %lt3A_358 : i32
      %ne3A_360 = arith.xori %lt3A_357, %lt3A_359 : i1
      %and3A_361 = arith.andi %ne3A_360, %ne3A_355 : i1
      %add3A_362 = arith.addi %rem3A_353, %select_n3A_352 : i32
      %select_n3A_363 = arith.select %and3A_361, %add3A_362, %rem3A_353 : i32
      %dma_start3A_364 = arith.constant 0 : i32
      %dma_start3A_365 = tpu.memref_slice %arg7[%select_n3A_363, %dma_start3A_364] : memref<80x128xi32, #tpu.memory_space<vmem>> -> memref<1x128xi32, #tpu.memory_space<vmem>>
      %dma_start3A_366 = tpu.memref_squeeze %dma_start3A_365 : memref<1x128xi32, #tpu.memory_space<vmem>> -> memref<128xi32, #tpu.memory_space<vmem>>
      %dma_start3A_367 = arith.constant 0 : i32
      %dma_start3A_368 = arith.constant 0 : i32
      %dma_start3A_369 = tpu.memref_slice %arg2[%dma_start3A_367, %dma_start3A_368] : memref<10000x128xf32, #tpu.memory_space<hbm>> -> memref<10000x128xf32, #tpu.memory_space<hbm>>
      tpu.enqueue_indirect_dma source(%dma_start3A_369 : memref<10000x128xf32, #tpu.memory_space<hbm>>) target(%arg11 : memref<128x128xf32, #tpu.memory_space<vmem>>) offsets(%dma_start3A_366 : memref<128xi32, #tpu.memory_space<vmem>>) semaphore(%arg14 : memref<!tpu.dma_semaphore, #tpu.memory_space<semaphore_mem>>)
      %dma_wait3A_370 = arith.constant 0 : i32
      %dma_wait3A_371 = tpu.memref_slice %arg7[%add3A_345, %dma_wait3A_370] : memref<80x128xi32, #tpu.memory_space<vmem>> -> memref<1x128xi32, #tpu.memory_space<vmem>>
      %dma_wait3A_372 = tpu.memref_squeeze %dma_wait3A_371 : memref<1x128xi32, #tpu.memory_space<vmem>> -> memref<128xi32, #tpu.memory_space<vmem>>
      %dma_wait3A_373 = arith.constant 0 : i32
      %dma_wait3A_374 = arith.constant 0 : i32
      %dma_wait3A_375 = tpu.memref_slice %arg2[%dma_wait3A_373, %dma_wait3A_374] : memref<10000x128xf32, #tpu.memory_space<hbm>> -> memref<10000x128xf32, #tpu.memory_space<hbm>>
      tpu.wait_indirect_dma semaphore(%arg13 : memref<!tpu.dma_semaphore, #tpu.memory_space<semaphore_mem>>) src(%dma_wait3A_375 : memref<10000x128xf32, #tpu.memory_space<hbm>>) dst(%arg10 : memref<128x128xf32, #tpu.memory_space<vmem>>)
      %run_scoped3A_376 = arith.constant 4 : i32
      "tpu.region"() ({
        %run_scoped3A_489 = tpu.sem_alloc : memref<!tpu.dma_semaphore, #tpu.memory_space<semaphore_mem>>
        %dma_start3A_490 = arith.constant 0 : i32
        %dma_start3A_491 = tpu.memref_slice %arg9[%run_scoped3A_376, %dma_start3A_490] : memref<8x128xi32, #tpu.memory_space<vmem>> -> memref<1x128xi32, #tpu.memory_space<vmem>>
        %dma_start3A_492 = tpu.memref_squeeze %dma_start3A_491 : memref<1x128xi32, #tpu.memory_space<vmem>> -> memref<128xi32, #tpu.memory_space<vmem>>
        %dma_start3A_493 = arith.constant 0 : i32
        %dma_start3A_494 = arith.constant 0 : i32
        %dma_start3A_495 = tpu.memref_slice %arg12[%dma_start3A_493, %dma_start3A_494] : memref<10240x128xf32, #tpu.memory_space<vmem_shared>> -> memref<10240x128xf32, #tpu.memory_space<vmem_shared>>
        tpu.enqueue_indirect_dma source(%arg10 : memref<128x128xf32, #tpu.memory_space<vmem>>) target(%dma_start3A_495 : memref<10240x128xf32, #tpu.memory_space<vmem_shared>>) offsets(%dma_start3A_492 : memref<128xi32, #tpu.memory_space<vmem>>) semaphore(%run_scoped3A_489 : memref<!tpu.dma_semaphore, #tpu.memory_space<semaphore_mem>>) {add = true}
        %dma_wait3A_496 = arith.constant 0 : i32
        %dma_wait3A_497 = tpu.memref_slice %arg9[%run_scoped3A_376, %dma_wait3A_496] : memref<8x128xi32, #tpu.memory_space<vmem>> -> memref<1x128xi32, #tpu.memory_space<vmem>>
        %dma_wait3A_498 = tpu.memref_squeeze %dma_wait3A_497 : memref<1x128xi32, #tpu.memory_space<vmem>> -> memref<128xi32, #tpu.memory_space<vmem>>
        %dma_wait3A_499 = arith.constant 0 : i32
        %dma_wait3A_500 = arith.constant 0 : i32
        %dma_wait3A_501 = tpu.memref_slice %arg12[%dma_wait3A_499, %dma_wait3A_500] : memref<10240x128xf32, #tpu.memory_space<vmem_shared>> -> memref<10240x128xf32, #tpu.memory_space<vmem_shared>>
        tpu.wait_indirect_dma semaphore(%run_scoped3A_489 : memref<!tpu.dma_semaphore, #tpu.memory_space<semaphore_mem>>) src(%arg10 : memref<128x128xf32, #tpu.memory_space<vmem>>) dst(%dma_wait3A_501 : memref<10240x128xf32, #tpu.memory_space<vmem_shared>>)
        tpu.yield
      }) : () -> ()
      %add3A_377 = arith.constant 8 : i32
      %add3A_378 = arith.addi %mul3A_50, %add3A_377 : i32
      %add3A_379 = arith.constant 5 : i32
      %add3A_380 = arith.addi %add3A_378, %add3A_379 : i32
      %add3A_381 = arith.constant 1 : i32
      %add3A_382 = arith.addi %add3A_380, %add3A_381 : i32
      %jit3A_383 = arith.constant 80 : i32
      %eq3A_384 = arith.constant 0 : i32
      %eq3A_385 = arith.cmpi eq, %jit3A_383, %eq3A_384 : i32
      %jit3A_386 = arith.constant 1 : i32
      %select_n3A_387 = arith.select %eq3A_385, %jit3A_386, %jit3A_383 : i32
      %rem3A_388 = arith.remsi %add3A_382, %select_n3A_387 : i32
      %ne3A_389 = arith.constant 0 : i32
      %ne3A_390 = arith.cmpi ne, %rem3A_388, %ne3A_389 : i32
      %lt3A_391 = arith.constant 0 : i32
      %lt3A_392 = arith.cmpi slt, %rem3A_388, %lt3A_391 : i32
      %lt3A_393 = arith.constant 0 : i32
      %lt3A_394 = arith.cmpi slt, %select_n3A_387, %lt3A_393 : i32
      %ne3A_395 = arith.xori %lt3A_392, %lt3A_394 : i1
      %and3A_396 = arith.andi %ne3A_395, %ne3A_390 : i1
      %add3A_397 = arith.addi %rem3A_388, %select_n3A_387 : i32
      %select_n3A_398 = arith.select %and3A_396, %add3A_397, %rem3A_388 : i32
      %dma_start3A_399 = arith.constant 0 : i32
      %dma_start3A_400 = tpu.memref_slice %arg7[%select_n3A_398, %dma_start3A_399] : memref<80x128xi32, #tpu.memory_space<vmem>> -> memref<1x128xi32, #tpu.memory_space<vmem>>
      %dma_start3A_401 = tpu.memref_squeeze %dma_start3A_400 : memref<1x128xi32, #tpu.memory_space<vmem>> -> memref<128xi32, #tpu.memory_space<vmem>>
      %dma_start3A_402 = arith.constant 0 : i32
      %dma_start3A_403 = arith.constant 0 : i32
      %dma_start3A_404 = tpu.memref_slice %arg2[%dma_start3A_402, %dma_start3A_403] : memref<10000x128xf32, #tpu.memory_space<hbm>> -> memref<10000x128xf32, #tpu.memory_space<hbm>>
      tpu.enqueue_indirect_dma source(%dma_start3A_404 : memref<10000x128xf32, #tpu.memory_space<hbm>>) target(%arg10 : memref<128x128xf32, #tpu.memory_space<vmem>>) offsets(%dma_start3A_401 : memref<128xi32, #tpu.memory_space<vmem>>) semaphore(%arg13 : memref<!tpu.dma_semaphore, #tpu.memory_space<semaphore_mem>>)
      %dma_wait3A_405 = arith.constant 0 : i32
      %dma_wait3A_406 = tpu.memref_slice %arg7[%add3A_380, %dma_wait3A_405] : memref<80x128xi32, #tpu.memory_space<vmem>> -> memref<1x128xi32, #tpu.memory_space<vmem>>
      %dma_wait3A_407 = tpu.memref_squeeze %dma_wait3A_406 : memref<1x128xi32, #tpu.memory_space<vmem>> -> memref<128xi32, #tpu.memory_space<vmem>>
      %dma_wait3A_408 = arith.constant 0 : i32
      %dma_wait3A_409 = arith.constant 0 : i32
      %dma_wait3A_410 = tpu.memref_slice %arg2[%dma_wait3A_408, %dma_wait3A_409] : memref<10000x128xf32, #tpu.memory_space<hbm>> -> memref<10000x128xf32, #tpu.memory_space<hbm>>
      tpu.wait_indirect_dma semaphore(%arg14 : memref<!tpu.dma_semaphore, #tpu.memory_space<semaphore_mem>>) src(%dma_wait3A_410 : memref<10000x128xf32, #tpu.memory_space<hbm>>) dst(%arg11 : memref<128x128xf32, #tpu.memory_space<vmem>>)
      %run_scoped3A_411 = arith.constant 5 : i32
      "tpu.region"() ({
        %run_scoped3A_489 = tpu.sem_alloc : memref<!tpu.dma_semaphore, #tpu.memory_space<semaphore_mem>>
        %dma_start3A_490 = arith.constant 0 : i32
        %dma_start3A_491 = tpu.memref_slice %arg9[%run_scoped3A_411, %dma_start3A_490] : memref<8x128xi32, #tpu.memory_space<vmem>> -> memref<1x128xi32, #tpu.memory_space<vmem>>
        %dma_start3A_492 = tpu.memref_squeeze %dma_start3A_491 : memref<1x128xi32, #tpu.memory_space<vmem>> -> memref<128xi32, #tpu.memory_space<vmem>>
        %dma_start3A_493 = arith.constant 0 : i32
        %dma_start3A_494 = arith.constant 0 : i32
        %dma_start3A_495 = tpu.memref_slice %arg12[%dma_start3A_493, %dma_start3A_494] : memref<10240x128xf32, #tpu.memory_space<vmem_shared>> -> memref<10240x128xf32, #tpu.memory_space<vmem_shared>>
        tpu.enqueue_indirect_dma source(%arg11 : memref<128x128xf32, #tpu.memory_space<vmem>>) target(%dma_start3A_495 : memref<10240x128xf32, #tpu.memory_space<vmem_shared>>) offsets(%dma_start3A_492 : memref<128xi32, #tpu.memory_space<vmem>>) semaphore(%run_scoped3A_489 : memref<!tpu.dma_semaphore, #tpu.memory_space<semaphore_mem>>) {add = true}
        %dma_wait3A_496 = arith.constant 0 : i32
        %dma_wait3A_497 = tpu.memref_slice %arg9[%run_scoped3A_411, %dma_wait3A_496] : memref<8x128xi32, #tpu.memory_space<vmem>> -> memref<1x128xi32, #tpu.memory_space<vmem>>
        %dma_wait3A_498 = tpu.memref_squeeze %dma_wait3A_497 : memref<1x128xi32, #tpu.memory_space<vmem>> -> memref<128xi32, #tpu.memory_space<vmem>>
        %dma_wait3A_499 = arith.constant 0 : i32
        %dma_wait3A_500 = arith.constant 0 : i32
        %dma_wait3A_501 = tpu.memref_slice %arg12[%dma_wait3A_499, %dma_wait3A_500] : memref<10240x128xf32, #tpu.memory_space<vmem_shared>> -> memref<10240x128xf32, #tpu.memory_space<vmem_shared>>
        tpu.wait_indirect_dma semaphore(%run_scoped3A_489 : memref<!tpu.dma_semaphore, #tpu.memory_space<semaphore_mem>>) src(%arg11 : memref<128x128xf32, #tpu.memory_space<vmem>>) dst(%dma_wait3A_501 : memref<10240x128xf32, #tpu.memory_space<vmem_shared>>)
        tpu.yield
      }) : () -> ()
      %add3A_412 = arith.constant 8 : i32
      %add3A_413 = arith.addi %mul3A_50, %add3A_412 : i32
      %add3A_414 = arith.constant 6 : i32
      %add3A_415 = arith.addi %add3A_413, %add3A_414 : i32
      %add3A_416 = arith.constant 1 : i32
      %add3A_417 = arith.addi %add3A_415, %add3A_416 : i32
      %jit3A_418 = arith.constant 80 : i32
      %eq3A_419 = arith.constant 0 : i32
      %eq3A_420 = arith.cmpi eq, %jit3A_418, %eq3A_419 : i32
      %jit3A_421 = arith.constant 1 : i32
      %select_n3A_422 = arith.select %eq3A_420, %jit3A_421, %jit3A_418 : i32
      %rem3A_423 = arith.remsi %add3A_417, %select_n3A_422 : i32
      %ne3A_424 = arith.constant 0 : i32
      %ne3A_425 = arith.cmpi ne, %rem3A_423, %ne3A_424 : i32
      %lt3A_426 = arith.constant 0 : i32
      %lt3A_427 = arith.cmpi slt, %rem3A_423, %lt3A_426 : i32
      %lt3A_428 = arith.constant 0 : i32
      %lt3A_429 = arith.cmpi slt, %select_n3A_422, %lt3A_428 : i32
      %ne3A_430 = arith.xori %lt3A_427, %lt3A_429 : i1
      %and3A_431 = arith.andi %ne3A_430, %ne3A_425 : i1
      %add3A_432 = arith.addi %rem3A_423, %select_n3A_422 : i32
      %select_n3A_433 = arith.select %and3A_431, %add3A_432, %rem3A_423 : i32
      %dma_start3A_434 = arith.constant 0 : i32
      %dma_start3A_435 = tpu.memref_slice %arg7[%select_n3A_433, %dma_start3A_434] : memref<80x128xi32, #tpu.memory_space<vmem>> -> memref<1x128xi32, #tpu.memory_space<vmem>>
      %dma_start3A_436 = tpu.memref_squeeze %dma_start3A_435 : memref<1x128xi32, #tpu.memory_space<vmem>> -> memref<128xi32, #tpu.memory_space<vmem>>
      %dma_start3A_437 = arith.constant 0 : i32
      %dma_start3A_438 = arith.constant 0 : i32
      %dma_start3A_439 = tpu.memref_slice %arg2[%dma_start3A_437, %dma_start3A_438] : memref<10000x128xf32, #tpu.memory_space<hbm>> -> memref<10000x128xf32, #tpu.memory_space<hbm>>
      tpu.enqueue_indirect_dma source(%dma_start3A_439 : memref<10000x128xf32, #tpu.memory_space<hbm>>) target(%arg11 : memref<128x128xf32, #tpu.memory_space<vmem>>) offsets(%dma_start3A_436 : memref<128xi32, #tpu.memory_space<vmem>>) semaphore(%arg14 : memref<!tpu.dma_semaphore, #tpu.memory_space<semaphore_mem>>)
      %dma_wait3A_440 = arith.constant 0 : i32
      %dma_wait3A_441 = tpu.memref_slice %arg7[%add3A_415, %dma_wait3A_440] : memref<80x128xi32, #tpu.memory_space<vmem>> -> memref<1x128xi32, #tpu.memory_space<vmem>>
      %dma_wait3A_442 = tpu.memref_squeeze %dma_wait3A_441 : memref<1x128xi32, #tpu.memory_space<vmem>> -> memref<128xi32, #tpu.memory_space<vmem>>
      %dma_wait3A_443 = arith.constant 0 : i32
      %dma_wait3A_444 = arith.constant 0 : i32
      %dma_wait3A_445 = tpu.memref_slice %arg2[%dma_wait3A_443, %dma_wait3A_444] : memref<10000x128xf32, #tpu.memory_space<hbm>> -> memref<10000x128xf32, #tpu.memory_space<hbm>>
      tpu.wait_indirect_dma semaphore(%arg13 : memref<!tpu.dma_semaphore, #tpu.memory_space<semaphore_mem>>) src(%dma_wait3A_445 : memref<10000x128xf32, #tpu.memory_space<hbm>>) dst(%arg10 : memref<128x128xf32, #tpu.memory_space<vmem>>)
      %run_scoped3A_446 = arith.constant 6 : i32
      "tpu.region"() ({
        %run_scoped3A_489 = tpu.sem_alloc : memref<!tpu.dma_semaphore, #tpu.memory_space<semaphore_mem>>
        %dma_start3A_490 = arith.constant 0 : i32
        %dma_start3A_491 = tpu.memref_slice %arg9[%run_scoped3A_446, %dma_start3A_490] : memref<8x128xi32, #tpu.memory_space<vmem>> -> memref<1x128xi32, #tpu.memory_space<vmem>>
        %dma_start3A_492 = tpu.memref_squeeze %dma_start3A_491 : memref<1x128xi32, #tpu.memory_space<vmem>> -> memref<128xi32, #tpu.memory_space<vmem>>
        %dma_start3A_493 = arith.constant 0 : i32
        %dma_start3A_494 = arith.constant 0 : i32
        %dma_start3A_495 = tpu.memref_slice %arg12[%dma_start3A_493, %dma_start3A_494] : memref<10240x128xf32, #tpu.memory_space<vmem_shared>> -> memref<10240x128xf32, #tpu.memory_space<vmem_shared>>
        tpu.enqueue_indirect_dma source(%arg10 : memref<128x128xf32, #tpu.memory_space<vmem>>) target(%dma_start3A_495 : memref<10240x128xf32, #tpu.memory_space<vmem_shared>>) offsets(%dma_start3A_492 : memref<128xi32, #tpu.memory_space<vmem>>) semaphore(%run_scoped3A_489 : memref<!tpu.dma_semaphore, #tpu.memory_space<semaphore_mem>>) {add = true}
        %dma_wait3A_496 = arith.constant 0 : i32
        %dma_wait3A_497 = tpu.memref_slice %arg9[%run_scoped3A_446, %dma_wait3A_496] : memref<8x128xi32, #tpu.memory_space<vmem>> -> memref<1x128xi32, #tpu.memory_space<vmem>>
        %dma_wait3A_498 = tpu.memref_squeeze %dma_wait3A_497 : memref<1x128xi32, #tpu.memory_space<vmem>> -> memref<128xi32, #tpu.memory_space<vmem>>
        %dma_wait3A_499 = arith.constant 0 : i32
        %dma_wait3A_500 = arith.constant 0 : i32
        %dma_wait3A_501 = tpu.memref_slice %arg12[%dma_wait3A_499, %dma_wait3A_500] : memref<10240x128xf32, #tpu.memory_space<vmem_shared>> -> memref<10240x128xf32, #tpu.memory_space<vmem_shared>>
        tpu.wait_indirect_dma semaphore(%run_scoped3A_489 : memref<!tpu.dma_semaphore, #tpu.memory_space<semaphore_mem>>) src(%arg10 : memref<128x128xf32, #tpu.memory_space<vmem>>) dst(%dma_wait3A_501 : memref<10240x128xf32, #tpu.memory_space<vmem_shared>>)
        tpu.yield
      }) : () -> ()
      %add3A_447 = arith.constant 8 : i32
      %add3A_448 = arith.addi %mul3A_50, %add3A_447 : i32
      %add3A_449 = arith.constant 7 : i32
      %add3A_450 = arith.addi %add3A_448, %add3A_449 : i32
      %add3A_451 = arith.constant 1 : i32
      %add3A_452 = arith.addi %add3A_450, %add3A_451 : i32
      %jit3A_453 = arith.constant 80 : i32
      %eq3A_454 = arith.constant 0 : i32
      %eq3A_455 = arith.cmpi eq, %jit3A_453, %eq3A_454 : i32
      %jit3A_456 = arith.constant 1 : i32
      %select_n3A_457 = arith.select %eq3A_455, %jit3A_456, %jit3A_453 : i32
      %rem3A_458 = arith.remsi %add3A_452, %select_n3A_457 : i32
      %ne3A_459 = arith.constant 0 : i32
      %ne3A_460 = arith.cmpi ne, %rem3A_458, %ne3A_459 : i32
      %lt3A_461 = arith.constant 0 : i32
      %lt3A_462 = arith.cmpi slt, %rem3A_458, %lt3A_461 : i32
      %lt3A_463 = arith.constant 0 : i32
      %lt3A_464 = arith.cmpi slt, %select_n3A_457, %lt3A_463 : i32
      %ne3A_465 = arith.xori %lt3A_462, %lt3A_464 : i1
      %and3A_466 = arith.andi %ne3A_465, %ne3A_460 : i1
      %add3A_467 = arith.addi %rem3A_458, %select_n3A_457 : i32
      %select_n3A_468 = arith.select %and3A_466, %add3A_467, %rem3A_458 : i32
      %dma_start3A_469 = arith.constant 0 : i32
      %dma_start3A_470 = tpu.memref_slice %arg7[%select_n3A_468, %dma_start3A_469] : memref<80x128xi32, #tpu.memory_space<vmem>> -> memref<1x128xi32, #tpu.memory_space<vmem>>
      %dma_start3A_471 = tpu.memref_squeeze %dma_start3A_470 : memref<1x128xi32, #tpu.memory_space<vmem>> -> memref<128xi32, #tpu.memory_space<vmem>>
      %dma_start3A_472 = arith.constant 0 : i32
      %dma_start3A_473 = arith.constant 0 : i32
      %dma_start3A_474 = tpu.memref_slice %arg2[%dma_start3A_472, %dma_start3A_473] : memref<10000x128xf32, #tpu.memory_space<hbm>> -> memref<10000x128xf32, #tpu.memory_space<hbm>>
      tpu.enqueue_indirect_dma source(%dma_start3A_474 : memref<10000x128xf32, #tpu.memory_space<hbm>>) target(%arg10 : memref<128x128xf32, #tpu.memory_space<vmem>>) offsets(%dma_start3A_471 : memref<128xi32, #tpu.memory_space<vmem>>) semaphore(%arg13 : memref<!tpu.dma_semaphore, #tpu.memory_space<semaphore_mem>>)
      %dma_wait3A_475 = arith.constant 0 : i32
      %dma_wait3A_476 = tpu.memref_slice %arg7[%add3A_450, %dma_wait3A_475] : memref<80x128xi32, #tpu.memory_space<vmem>> -> memref<1x128xi32, #tpu.memory_space<vmem>>
      %dma_wait3A_477 = tpu.memref_squeeze %dma_wait3A_476 : memref<1x128xi32, #tpu.memory_space<vmem>> -> memref<128xi32, #tpu.memory_space<vmem>>
      %dma_wait3A_478 = arith.constant 0 : i32
      %dma_wait3A_479 = arith.constant 0 : i32
      %dma_wait3A_480 = tpu.memref_slice %arg2[%dma_wait3A_478, %dma_wait3A_479] : memref<10000x128xf32, #tpu.memory_space<hbm>> -> memref<10000x128xf32, #tpu.memory_space<hbm>>
      tpu.wait_indirect_dma semaphore(%arg14 : memref<!tpu.dma_semaphore, #tpu.memory_space<semaphore_mem>>) src(%dma_wait3A_480 : memref<10000x128xf32, #tpu.memory_space<hbm>>) dst(%arg11 : memref<128x128xf32, #tpu.memory_space<vmem>>)
      %run_scoped3A_481 = arith.constant 7 : i32
      "tpu.region"() ({
        %run_scoped3A_489 = tpu.sem_alloc : memref<!tpu.dma_semaphore, #tpu.memory_space<semaphore_mem>>
        %dma_start3A_490 = arith.constant 0 : i32
        %dma_start3A_491 = tpu.memref_slice %arg9[%run_scoped3A_481, %dma_start3A_490] : memref<8x128xi32, #tpu.memory_space<vmem>> -> memref<1x128xi32, #tpu.memory_space<vmem>>
        %dma_start3A_492 = tpu.memref_squeeze %dma_start3A_491 : memref<1x128xi32, #tpu.memory_space<vmem>> -> memref<128xi32, #tpu.memory_space<vmem>>
        %dma_start3A_493 = arith.constant 0 : i32
        %dma_start3A_494 = arith.constant 0 : i32
        %dma_start3A_495 = tpu.memref_slice %arg12[%dma_start3A_493, %dma_start3A_494] : memref<10240x128xf32, #tpu.memory_space<vmem_shared>> -> memref<10240x128xf32, #tpu.memory_space<vmem_shared>>
        tpu.enqueue_indirect_dma source(%arg11 : memref<128x128xf32, #tpu.memory_space<vmem>>) target(%dma_start3A_495 : memref<10240x128xf32, #tpu.memory_space<vmem_shared>>) offsets(%dma_start3A_492 : memref<128xi32, #tpu.memory_space<vmem>>) semaphore(%run_scoped3A_489 : memref<!tpu.dma_semaphore, #tpu.memory_space<semaphore_mem>>) {add = true}
        %dma_wait3A_496 = arith.constant 0 : i32
        %dma_wait3A_497 = tpu.memref_slice %arg9[%run_scoped3A_481, %dma_wait3A_496] : memref<8x128xi32, #tpu.memory_space<vmem>> -> memref<1x128xi32, #tpu.memory_space<vmem>>
        %dma_wait3A_498 = tpu.memref_squeeze %dma_wait3A_497 : memref<1x128xi32, #tpu.memory_space<vmem>> -> memref<128xi32, #tpu.memory_space<vmem>>
        %dma_wait3A_499 = arith.constant 0 : i32
        %dma_wait3A_500 = arith.constant 0 : i32
        %dma_wait3A_501 = tpu.memref_slice %arg12[%dma_wait3A_499, %dma_wait3A_500] : memref<10240x128xf32, #tpu.memory_space<vmem_shared>> -> memref<10240x128xf32, #tpu.memory_space<vmem_shared>>
        tpu.wait_indirect_dma semaphore(%run_scoped3A_489 : memref<!tpu.dma_semaphore, #tpu.memory_space<semaphore_mem>>) src(%arg11 : memref<128x128xf32, #tpu.memory_space<vmem>>) dst(%dma_wait3A_501 : memref<10240x128xf32, #tpu.memory_space<vmem_shared>>)
        tpu.yield
      }) : () -> ()
      %add3A_482 = arith.constant 3 : i32
      %add3A_483 = arith.addi %add3A_48, %add3A_482 : i32
      %lt3A_484 = arith.constant 10 : i32
      %lt3A_485 = arith.cmpi slt, %add3A_483, %lt3A_484 : i32
      %convert_element_type3A_486 = arith.extui %lt3A_485 : i1 to i32
      %cond3A_487 = arith.constant 0 : i32
      %cond3A_488 = arith.cmpi ne, %convert_element_type3A_486, %cond3A_487 : i32
      scf.if %cond3A_488 {
        %add3A_489 = arith.constant 3 : i32
        %add3A_490 = arith.addi %add3A_48, %add3A_489 : i32
        %dma_start3A_491 = arith.constant 0 : i32
        %dma_start3A_492 = arith.constant 0 : i32
        %dma_start3A_493 = tpu.memref_slice %arg4[%add3A, %add3A_490, %dma_start3A_491, %dma_start3A_492] : memref<32x10x8x128xi32, #tpu.memory_space<hbm>> -> memref<1x1x8x128xi32, #tpu.memory_space<hbm>>
        %dma_start3A_494 = tpu.memref_squeeze %dma_start3A_493 : memref<1x1x8x128xi32, #tpu.memory_space<hbm>> -> memref<8x128xi32, #tpu.memory_space<hbm>>
        %dma_start3A_495 = arith.constant 0 : i32
        %dma_start3A_496 = arith.constant 0 : i32
        %dma_start3A_497 = tpu.memref_slice %arg4[%add3A, %add3A_490, %dma_start3A_495, %dma_start3A_496] : memref<32x10x8x128xi32, #tpu.memory_space<hbm>> -> memref<1x1x8x128xi32, #tpu.memory_space<hbm>>
        %dma_start3A_498 = tpu.memref_squeeze %dma_start3A_497 : memref<1x1x8x128xi32, #tpu.memory_space<hbm>> -> memref<8x128xi32, #tpu.memory_space<hbm>>
        tpu.enqueue_dma source(%dma_start3A_498 : memref<8x128xi32, #tpu.memory_space<hbm>>) target(%arg9 : memref<8x128xi32, #tpu.memory_space<vmem>>) target_semaphore(%arg16 : memref<!tpu.dma_semaphore, #tpu.memory_space<semaphore_mem>>)
      } else {
      }
    }
    %scan3A_30 = arith.constant 5 : i32
    %dma_wait3A = arith.constant 0 : i32
    %dma_wait3A_31 = arith.constant 0 : i32
    %dma_wait3A_32 = tpu.memref_slice %arg7[%dma_wait3A, %dma_wait3A_31] : memref<80x128xi32, #tpu.memory_space<vmem>> -> memref<1x128xi32, #tpu.memory_space<vmem>>
    %dma_wait3A_33 = tpu.memref_squeeze %dma_wait3A_32 : memref<1x128xi32, #tpu.memory_space<vmem>> -> memref<128xi32, #tpu.memory_space<vmem>>
    %dma_wait3A_34 = arith.constant 0 : i32
    %dma_wait3A_35 = arith.constant 0 : i32
    %dma_wait3A_36 = tpu.memref_slice %arg2[%dma_wait3A_34, %dma_wait3A_35] : memref<10000x128xf32, #tpu.memory_space<hbm>> -> memref<10000x128xf32, #tpu.memory_space<hbm>>
    tpu.wait_indirect_dma semaphore(%arg13 : memref<!tpu.dma_semaphore, #tpu.memory_space<semaphore_mem>>) src(%dma_wait3A_36 : memref<10000x128xf32, #tpu.memory_space<hbm>>) dst(%arg10 : memref<128x128xf32, #tpu.memory_space<vmem>>)
    %barrier3A_37 = arith.constant 0 : index
    tpu.barrier barrier_id(%barrier3A_37)
    %mul3A_38 = arith.constant 10240 : i32
    %mul3A_39 = arith.muli %arg0, %mul3A_38 : i32
    %mul3A_40 = arith.constant 640 : i32
    %mul3A_41 = arith.muli %arg1, %mul3A_40 : i32
    %add3A_42 = arith.addi %mul3A_39, %mul3A_41 : i32
    %multiple_of3A_43 = tpu.assume_multiple %add3A_42, 8 : i32
    "tpu.region"() ({
      %run_scoped3A = tpu.sem_alloc : memref<!tpu.dma_semaphore, #tpu.memory_space<semaphore_mem>>
      %dma_start3A_44 = arith.constant 0 : i32
      %dma_start3A_45 = tpu.memref_slice %arg6[%multiple_of3A_43, %dma_start3A_44] : memref<20480x128xf32, #tpu.memory_space<hbm>> -> memref<640x128xf32, #tpu.memory_space<hbm>>
      %dma_start3A_46 = arith.constant 0 : i32
      %dma_start3A_47 = tpu.memref_slice %arg12[%multiple_of3A, %dma_start3A_46] : memref<10240x128xf32, #tpu.memory_space<vmem_shared>> -> memref<640x128xf32, #tpu.memory_space<vmem_shared>>
      tpu.enqueue_dma source(%dma_start3A_47 : memref<640x128xf32, #tpu.memory_space<vmem_shared>>) target(%dma_start3A_45 : memref<640x128xf32, #tpu.memory_space<hbm>>) target_semaphore(%run_scoped3A : memref<!tpu.dma_semaphore, #tpu.memory_space<semaphore_mem>>)
      %dma_wait3A_48 = arith.constant 0 : i32
      %dma_wait3A_49 = tpu.memref_slice %arg6[%multiple_of3A_43, %dma_wait3A_48] : memref<20480x128xf32, #tpu.memory_space<hbm>> -> memref<640x128xf32, #tpu.memory_space<hbm>>
      %dma_wait3A_50 = arith.constant 0 : i32
      %dma_wait3A_51 = tpu.memref_slice %arg12[%multiple_of3A, %dma_wait3A_50] : memref<10240x128xf32, #tpu.memory_space<vmem_shared>> -> memref<640x128xf32, #tpu.memory_space<vmem_shared>>
      tpu.wait_dma2 semaphore(%run_scoped3A : memref<!tpu.dma_semaphore, #tpu.memory_space<semaphore_mem>>) src(%dma_wait3A_51 : memref<640x128xf32, #tpu.memory_space<vmem_shared>>) dst(%dma_wait3A_49 : memref<640x128xf32, #tpu.memory_space<hbm>>)
      tpu.yield
    }) : () -> ()
    return
  }
}

module attributes {stable_mosaic.version = 14 : i64} {
  func.func @body(%arg0: i32, %arg1: memref<2x10240xf32, #tpu.memory_space<vmem>>, %arg2: memref<10240x1xf32, #tpu.memory_space<vmem>>) attributes {dimension_semantics = [#tpu.dimension_semantics<arbitrary>], iteration_bounds = array<i64: 1>, scalar_prefetch = 0 : i64, scratch_operands = 0 : i64, tpu.core_type = #tpu.core_type<tc>, window_params = [{pipeline_mode = #tpu.pipeline_mode<synchronous>, transform_indices = @transform_0, window_bounds = array<i64: 2, 10240>}, {pipeline_mode = #tpu.pipeline_mode<synchronous>, transform_indices = @transform_1, window_bounds = array<i64: 10240, 1>}]} {
    %get3A = arith.constant 0 : index
    %get3A_0 = arith.constant 0 : index
    %get3A_1 = vector.load %arg1[%get3A, %get3A_0] : memref<2x10240xf32, #tpu.memory_space<vmem>>, vector<1x10240xf32>
    %get3A_2 = vector.shape_cast %get3A_1 : vector<1x10240xf32> to vector<10240xf32>
    %get3A_3 = arith.constant 1 : index
    %get3A_4 = arith.constant 0 : index
    %get3A_5 = vector.load %arg1[%get3A_3, %get3A_4] : memref<2x10240xf32, #tpu.memory_space<vmem>>, vector<1x10240xf32>
    %get3A_6 = vector.shape_cast %get3A_5 : vector<1x10240xf32> to vector<10240xf32>
    %add3A = arith.addf %get3A_2, %get3A_6 : vector<10240xf32>
    %gt3A = arith.constant 0.000000e+00 : f32
    %gt3A_7 = vector.broadcast %gt3A : f32 to vector<10240xf32>
    %gt3A_8 = arith.cmpf ogt, %add3A, %gt3A_7 : vector<10240xf32>
    %rsqrt3A = math.rsqrt %add3A : vector<10240xf32>
    %jit3A = arith.constant 0.000000e+00 : f32
    %broadcast_in_dim3A = vector.broadcast %jit3A : f32 to vector<10240xf32>
    %select_n3A = arith.select %gt3A_8, %rsqrt3A, %broadcast_in_dim3A : vector<10240xi1>, vector<10240xf32>
    %broadcast_in_dim3A_9 = vector.shape_cast %select_n3A : vector<10240xf32> to vector<10240x1xf32>
    %swap3A = arith.constant 0 : index
    %swap3A_10 = arith.constant 0 : index
    %swap3A_11 = vector.load %arg2[%swap3A, %swap3A_10] : memref<10240x1xf32, #tpu.memory_space<vmem>>, vector<10240x1xf32>
    tpu.vector_store %arg2[%swap3A, %swap3A_10], %broadcast_in_dim3A_9 {strides = array<i32>} : memref<10240x1xf32, #tpu.memory_space<vmem>>, vector<10240x1xf32>,
    return
  }
  func.func @transform_0(%arg0: i32) -> (i32, i32) {
    %c0_i32 = arith.constant 0 : i32
    %c0_i32_0 = arith.constant 0 : i32
    %c0_i32_1 = arith.constant 0 : i32
    return %c0_i32, %c0_i32_0 : i32, i32
  }
  func.func @transform_1(%arg0: i32) -> (i32, i32) {
    %c0_i32 = arith.constant 0 : i32
    %c0_i32_0 = arith.constant 0 : i32
    %c0_i32_1 = arith.constant 0 : i32
    return %c0_i32, %c0_i32_0 : i32, i32
  }
}

module attributes {stable_mosaic.version = 14 : i64} {
  func.func @body(%arg0: i32, %arg1: memref<1000x128xf32, #tpu.memory_space<vmem>>, %arg2: memref<128x128xf32, #tpu.memory_space<vmem>>, %arg3: memref<1000x1xf32, #tpu.memory_space<vmem>>, %arg4: memref<1000x128xf32, #tpu.memory_space<vmem>>) attributes {dimension_semantics = [#tpu.dimension_semantics<arbitrary>], iteration_bounds = array<i64: 10>, scalar_prefetch = 0 : i64, scratch_operands = 0 : i64, tpu.core_type = #tpu.core_type<tc>, window_params = [{transform_indices = @transform_0, window_bounds = array<i64: 1000, 128>}, {pipeline_mode = #tpu.pipeline_mode<synchronous>, transform_indices = @transform_1, window_bounds = array<i64: 128, 128>}, {transform_indices = @transform_2, window_bounds = array<i64: 1000, 1>}, {transform_indices = @transform_3, window_bounds = array<i64: 1000, 128>}]} {
    %get3A = arith.constant 0 : index
    %get3A_0 = arith.constant 0 : index
    %get3A_1 = vector.load %arg1[%get3A, %get3A_0] : memref<1000x128xf32, #tpu.memory_space<vmem>>, vector<1000x128xf32>
    %get3A_2 = arith.constant 0 : index
    %get3A_3 = arith.constant 0 : index
    %get3A_4 = vector.load %arg2[%get3A_2, %get3A_3] : memref<128x128xf32, #tpu.memory_space<vmem>>, vector<128x128xf32>
    %dot_general3A = arith.constant dense<0.000000e+00> : vector<1000x128xf32>
    %dot_general3A_5 = tpu.matmul %get3A_1, %get3A_4, %dot_general3A {dimension_numbers = #tpu.dot_dimension_numbers<[1], [1], [0], [0], [0, 0, 1, 0], [], []>, transpose_lhs_hint = false} : vector<1000x128xf32>, vector<128x128xf32>, vector<1000x128xf32> -> vector<1000x128xf32>
    %get3A_6 = arith.constant 0 : index
    %get3A_7 = arith.constant 0 : index
    %get3A_8 = vector.load %arg3[%get3A_6, %get3A_7] : memref<1000x1xf32, #tpu.memory_space<vmem>>, vector<1000x1xf32>
    %mul3A = vector.broadcast %get3A_8 : vector<1000x1xf32> to vector<1000x128xf32>
    %mul3A_9 = arith.mulf %dot_general3A_5, %mul3A : vector<1000x128xf32>
    %swap3A = arith.constant 0 : index
    %swap3A_10 = arith.constant 0 : index
    %swap3A_11 = vector.load %arg4[%swap3A, %swap3A_10] : memref<1000x128xf32, #tpu.memory_space<vmem>>, vector<1000x128xf32>
    tpu.vector_store %arg4[%swap3A, %swap3A_10], %mul3A_9 {strides = array<i32>} : memref<1000x128xf32, #tpu.memory_space<vmem>>, vector<1000x128xf32>,
    return
  }
  func.func @transform_0(%arg0: i32) -> (i32, i32) {
    %c0_i32 = arith.constant 0 : i32
    %c0_i32_0 = arith.constant 0 : i32
    return %arg0, %c0_i32 : i32, i32
  }
  func.func @transform_1(%arg0: i32) -> (i32, i32) {
    %c0_i32 = arith.constant 0 : i32
    %c0_i32_0 = arith.constant 0 : i32
    %c0_i32_1 = arith.constant 0 : i32
    return %c0_i32, %c0_i32_0 : i32, i32
  }
  func.func @transform_2(%arg0: i32) -> (i32, i32) {
    %c0_i32 = arith.constant 0 : i32
    %c0_i32_0 = arith.constant 0 : i32
    return %arg0, %c0_i32 : i32, i32
  }
  func.func @transform_3(%arg0: i32) -> (i32, i32) {
    %c0_i32 = arith.constant 0 : i32
    %c0_i32_0 = arith.constant 0 : i32
    return %arg0, %c0_i32 : i32, i32
  }
}

module attributes {stable_mosaic.version = 14 : i64} {
  func.func @body(%arg0: i32, %arg1: memref<2x10000x128xf32, #tpu.memory_space<vmem>>, %arg2: memref<10000x1xf32, #tpu.memory_space<vmem>>, %arg3: memref<1x128xf32, #tpu.memory_space<vmem>>, %arg4: memref<128x128xf32, #tpu.memory_space<vmem>>, %arg5: memref<10000x128xf32, #tpu.memory_space<vmem>>) attributes {dimension_semantics = [#tpu.dimension_semantics<arbitrary>], iteration_bounds = array<i64: 1>, scalar_prefetch = 0 : i64, scratch_operands = 0 : i64, tpu.core_type = #tpu.core_type<tc>, window_params = [{transform_indices = @transform_0, window_bounds = array<i64: 2, 10000, 128>}, {transform_indices = @transform_1, window_bounds = array<i64: 10000, 1>}, {pipeline_mode = #tpu.pipeline_mode<synchronous>, transform_indices = @transform_2, window_bounds = array<i64: 1, 128>}, {pipeline_mode = #tpu.pipeline_mode<synchronous>, transform_indices = @transform_3, window_bounds = array<i64: 128, 128>}, {pipeline_mode = #tpu.pipeline_mode<synchronous>, transform_indices = @transform_4, window_bounds = array<i64: 10000, 128>}]} {
    %get3A = arith.constant 0 : index
    %get3A_0 = arith.constant 0 : index
    %get3A_1 = arith.constant 0 : index
    %get3A_2 = vector.load %arg1[%get3A, %get3A_0, %get3A_1] : memref<2x10000x128xf32, #tpu.memory_space<vmem>>, vector<1x10000x128xf32>
    %get3A_3 = vector.shape_cast %get3A_2 : vector<1x10000x128xf32> to vector<10000x128xf32>
    %get3A_4 = arith.constant 1 : index
    %get3A_5 = arith.constant 0 : index
    %get3A_6 = arith.constant 0 : index
    %get3A_7 = vector.load %arg1[%get3A_4, %get3A_5, %get3A_6] : memref<2x10000x128xf32, #tpu.memory_space<vmem>>, vector<1x10000x128xf32>
    %get3A_8 = vector.shape_cast %get3A_7 : vector<1x10000x128xf32> to vector<10000x128xf32>
    %add3A = arith.addf %get3A_3, %get3A_8 : vector<10000x128xf32>
    %get3A_9 = arith.constant 0 : index
    %get3A_10 = arith.constant 0 : index
    %get3A_11 = vector.load %arg2[%get3A_9, %get3A_10] : memref<10000x1xf32, #tpu.memory_space<vmem>>, vector<10000x1xf32>
    %mul3A = vector.broadcast %get3A_11 : vector<10000x1xf32> to vector<10000x128xf32>
    %mul3A_12 = arith.mulf %add3A, %mul3A : vector<10000x128xf32>
    %get3A_13 = arith.constant 0 : index
    %get3A_14 = arith.constant 0 : index
    %get3A_15 = vector.load %arg3[%get3A_13, %get3A_14] : memref<1x128xf32, #tpu.memory_space<vmem>>, vector<1x128xf32>
    %add3A_16 = vector.broadcast %get3A_15 : vector<1x128xf32> to vector<10000x128xf32>
    %add3A_17 = arith.addf %mul3A_12, %add3A_16 : vector<10000x128xf32>
    %reduce_sum3A = arith.constant dense<0.000000e+00> : vector<128xf32>
    %reduce_sum3A_18 = vector.multi_reduction <add>, %add3A_17, %reduce_sum3A [0] : vector<10000x128xf32> to vector<128xf32>
    %div3A = arith.constant 1.000000e+04 : f32
    %div3A_19 = vector.broadcast %div3A : f32 to vector<128xf32>
    %div3A_20 = arith.divf %reduce_sum3A_18, %div3A_19 : vector<128xf32>
    %broadcast_in_dim3A = vector.shape_cast %div3A_20 : vector<128xf32> to vector<1x128xf32>
    %sub3A = vector.broadcast %broadcast_in_dim3A : vector<1x128xf32> to vector<10000x128xf32>
    %sub3A_21 = arith.subf %add3A_17, %sub3A : vector<10000x128xf32>
    %mul3A_22 = arith.mulf %sub3A_21, %sub3A_21 : vector<10000x128xf32>
    %reduce_sum3A_23 = arith.constant dense<0.000000e+00> : vector<128xf32>
    %reduce_sum3A_24 = vector.multi_reduction <add>, %mul3A_22, %reduce_sum3A_23 [0] : vector<10000x128xf32> to vector<128xf32>
    %div3A_25 = arith.constant 1.000000e+04 : f32
    %div3A_26 = vector.broadcast %div3A_25 : f32 to vector<128xf32>
    %div3A_27 = arith.divf %reduce_sum3A_24, %div3A_26 : vector<128xf32>
    %add3A_28 = arith.constant 9.99999974E-6 : f32
    %add3A_29 = vector.broadcast %add3A_28 : f32 to vector<128xf32>
    %add3A_30 = arith.addf %div3A_27, %add3A_29 : vector<128xf32>
    %rsqrt3A = math.rsqrt %add3A_30 : vector<128xf32>
    %broadcast_in_dim3A_31 = vector.shape_cast %rsqrt3A : vector<128xf32> to vector<1x128xf32>
    %mul3A_32 = vector.broadcast %broadcast_in_dim3A_31 : vector<1x128xf32> to vector<10000x128xf32>
    %mul3A_33 = arith.mulf %sub3A_21, %mul3A_32 : vector<10000x128xf32>
    %max3A = arith.constant 0.000000e+00 : f32
    %max3A_34 = vector.broadcast %max3A : f32 to vector<10000x128xf32>
    %max3A_35 = arith.maximumf %mul3A_33, %max3A_34 : vector<10000x128xf32>
    %get3A_36 = arith.constant 0 : index
    %get3A_37 = arith.constant 0 : index
    %get3A_38 = vector.load %arg4[%get3A_36, %get3A_37] : memref<128x128xf32, #tpu.memory_space<vmem>>, vector<128x128xf32>
    %dot_general3A = arith.constant dense<0.000000e+00> : vector<10000x128xf32>
    %dot_general3A_39 = tpu.matmul %max3A_35, %get3A_38, %dot_general3A {dimension_numbers = #tpu.dot_dimension_numbers<[1], [1], [0], [0], [0, 0, 1, 0], [], []>, transpose_lhs_hint = false} : vector<10000x128xf32>, vector<128x128xf32>, vector<10000x128xf32> -> vector<10000x128xf32>
    %get3A_40 = arith.constant 0 : index
    %get3A_41 = arith.constant 0 : index
    %get3A_42 = vector.load %arg2[%get3A_40, %get3A_41] : memref<10000x1xf32, #tpu.memory_space<vmem>>, vector<10000x1xf32>
    %mul3A_43 = vector.broadcast %get3A_42 : vector<10000x1xf32> to vector<10000x128xf32>
    %mul3A_44 = arith.mulf %dot_general3A_39, %mul3A_43 : vector<10000x128xf32>
    %swap3A = arith.constant 0 : index
    %swap3A_45 = arith.constant 0 : index
    %swap3A_46 = vector.load %arg5[%swap3A, %swap3A_45] : memref<10000x128xf32, #tpu.memory_space<vmem>>, vector<10000x128xf32>
    tpu.vector_store %arg5[%swap3A, %swap3A_45], %mul3A_44 {strides = array<i32>} : memref<10000x128xf32, #tpu.memory_space<vmem>>, vector<10000x128xf32>,
    return
  }
  func.func @transform_0(%arg0: i32) -> (i32, i32, i32) {
    %c0_i32 = arith.constant 0 : i32
    %c0_i32_0 = arith.constant 0 : i32
    %c0_i32_1 = arith.constant 0 : i32
    %c0_i32_2 = arith.constant 0 : i32
    return %c0_i32, %c0_i32_0, %c0_i32_1 : i32, i32, i32
  }
  func.func @transform_1(%arg0: i32) -> (i32, i32) {
    %c0_i32 = arith.constant 0 : i32
    %c0_i32_0 = arith.constant 0 : i32
    %c0_i32_1 = arith.constant 0 : i32
    return %c0_i32, %c0_i32_0 : i32, i32
  }
  func.func @transform_2(%arg0: i32) -> (i32, i32) {
    %c0_i32 = arith.constant 0 : i32
    %c0_i32_0 = arith.constant 0 : i32
    %c0_i32_1 = arith.constant 0 : i32
    return %c0_i32, %c0_i32_0 : i32, i32
  }
  func.func @transform_3(%arg0: i32) -> (i32, i32) {
    %c0_i32 = arith.constant 0 : i32
    %c0_i32_0 = arith.constant 0 : i32
    %c0_i32_1 = arith.constant 0 : i32
    return %c0_i32, %c0_i32_0 : i32, i32
  }
  func.func @transform_4(%arg0: i32) -> (i32, i32) {
    %c0_i32 = arith.constant 0 : i32
    %c0_i32_0 = arith.constant 0 : i32
    %c0_i32_1 = arith.constant 0 : i32
    return %c0_i32, %c0_i32_0 : i32, i32
  }
}

module attributes {stable_mosaic.version = 14 : i64} {
  func.func @body(%arg0: i32, %arg1: memref<2x1000x128xf32, #tpu.memory_space<vmem>>, %arg2: memref<1000x1xf32, #tpu.memory_space<vmem>>, %arg3: memref<1x128xf32, #tpu.memory_space<vmem>>, %arg4: memref<1000x128xf32, #tpu.memory_space<vmem>>) attributes {dimension_semantics = [#tpu.dimension_semantics<arbitrary>], iteration_bounds = array<i64: 10>, scalar_prefetch = 0 : i64, scratch_operands = 0 : i64, tpu.core_type = #tpu.core_type<tc>, window_params = [{transform_indices = @transform_0, window_bounds = array<i64: 2, 1000, 128>}, {transform_indices = @transform_1, window_bounds = array<i64: 1000, 1>}, {pipeline_mode = #tpu.pipeline_mode<synchronous>, transform_indices = @transform_2, window_bounds = array<i64: 1, 128>}, {transform_indices = @transform_3, window_bounds = array<i64: 1000, 128>}]} {
    %get3A = arith.constant 0 : index
    %get3A_0 = arith.constant 0 : index
    %get3A_1 = arith.constant 0 : index
    %get3A_2 = vector.load %arg1[%get3A, %get3A_0, %get3A_1] : memref<2x1000x128xf32, #tpu.memory_space<vmem>>, vector<1x1000x128xf32>
    %get3A_3 = vector.shape_cast %get3A_2 : vector<1x1000x128xf32> to vector<1000x128xf32>
    %get3A_4 = arith.constant 1 : index
    %get3A_5 = arith.constant 0 : index
    %get3A_6 = arith.constant 0 : index
    %get3A_7 = vector.load %arg1[%get3A_4, %get3A_5, %get3A_6] : memref<2x1000x128xf32, #tpu.memory_space<vmem>>, vector<1x1000x128xf32>
    %get3A_8 = vector.shape_cast %get3A_7 : vector<1x1000x128xf32> to vector<1000x128xf32>
    %add3A = arith.addf %get3A_3, %get3A_8 : vector<1000x128xf32>
    %get3A_9 = arith.constant 0 : index
    %get3A_10 = arith.constant 0 : index
    %get3A_11 = vector.load %arg2[%get3A_9, %get3A_10] : memref<1000x1xf32, #tpu.memory_space<vmem>>, vector<1000x1xf32>
    %mul3A = vector.broadcast %get3A_11 : vector<1000x1xf32> to vector<1000x128xf32>
    %mul3A_12 = arith.mulf %add3A, %mul3A : vector<1000x128xf32>
    %get3A_13 = arith.constant 0 : index
    %get3A_14 = arith.constant 0 : index
    %get3A_15 = vector.load %arg3[%get3A_13, %get3A_14] : memref<1x128xf32, #tpu.memory_space<vmem>>, vector<1x128xf32>
    %add3A_16 = vector.broadcast %get3A_15 : vector<1x128xf32> to vector<1000x128xf32>
    %add3A_17 = arith.addf %mul3A_12, %add3A_16 : vector<1000x128xf32>
    %swap3A = arith.constant 0 : index
    %swap3A_18 = arith.constant 0 : index
    %swap3A_19 = vector.load %arg4[%swap3A, %swap3A_18] : memref<1000x128xf32, #tpu.memory_space<vmem>>, vector<1000x128xf32>
    tpu.vector_store %arg4[%swap3A, %swap3A_18], %add3A_17 {strides = array<i32>} : memref<1000x128xf32, #tpu.memory_space<vmem>>, vector<1000x128xf32>,
    return
  }
  func.func @transform_0(%arg0: i32) -> (i32, i32, i32) {
    %c0_i32 = arith.constant 0 : i32
    %c0_i32_0 = arith.constant 0 : i32
    %c0_i32_1 = arith.constant 0 : i32
    return %c0_i32, %arg0, %c0_i32_0 : i32, i32, i32
  }
  func.func @transform_1(%arg0: i32) -> (i32, i32) {
    %c0_i32 = arith.constant 0 : i32
    %c0_i32_0 = arith.constant 0 : i32
    return %arg0, %c0_i32 : i32, i32
  }
  func.func @transform_2(%arg0: i32) -> (i32, i32) {
    %c0_i32 = arith.constant 0 : i32
    %c0_i32_0 = arith.constant 0 : i32
    %c0_i32_1 = arith.constant 0 : i32
    return %c0_i32, %c0_i32_0 : i32, i32
  }
  func.func @transform_3(%arg0: i32) -> (i32, i32) {
    %c0_i32 = arith.constant 0 : i32
    %c0_i32_0 = arith.constant 0 : i32
    return %arg0, %c0_i32 : i32, i32
  }
}

</mosaic_0001>

<sc_bundles>
// kernel: kernel.12.cloned.1.call-start
scs
__scs_entry_jumppad:
0x0: {  	(pc) =	sbr.rel $0x88, $3  }
0x1: {  	(tag) =	ssettag $0x0;
	lr =	simm.s32 $0x1  }
0x2: {  	[smem:$0x3F9B] =	sst lr;
	_ =	strace $0xD0000000  }
0x3: {  	_ = 	snop  }
0x4: {  	_ = 	snop  }
0x5: {  	_ = 	snop  }
0x6: {  	_ = 	snop  }
0x7: {  	_ = 	snop  }
__scs_overlays_trampoline_lowered:
0x8: {  	[smem:$0x3FAA] =	sst s0  }
0x9: {  	[smem:$0x3FAB] =	sst s1  }
0xa: {  	[smem:$0x3FAC] =	sst s2  }
0xb: {  	[smem:$0x3FAD] =	sst s3  }
0xc: {  	[smem:$0x3FAE] =	sst s4  }
0xd: {  	[smem:$0x3FAF] =	sst s5  }
0xe: {  	[smem:$0x3FB0] =	sst s6  }
0xf: {  	[smem:$0x3FB1] =	sst s7  }
0x10: {  	[smem:$0x3FB2] =	sst s8  }
0x11: {  	[smem:$0x3FB3] =	sst s9;
	s0 =	simm.s32 @!p0 $0x0  }
0x12: {  	s1 =	sld [smem:$0x3F99];
	s0 =	simm.s32 @p0 $0x1  }
0x13: {  	[smem:$0x3FB4] =	sst s0;
	s0 =	simm.s32 @!p1 $0x0  }
0x14: {  	s2 =	sld [smem:$0x3F98];
	s0 =	simm.s32 @p1 $0x1  }
0x15: {  	[smem:$0x3FB5] =	sst s0;
	s0 =	simm.s32 @!p2 $0x0  }
0x16: {  	s3 =	sld [smem:$0x3FDB];
	s0 =	simm.s32 @p2 $0x1  }
0x17: {  	s4 =	simm.s32 $0x1BF5;
	[smem:$0x3FB7] =	sst s0  }
0x18: {  	s0 =	sld [smem:$0x3F9A];
	_ =	swait.ge [sflag:s4], $0x0  }
0x19: {  	s7 =	sld [smem:$0x3F9B]  }
0x1a: {  	s8 =	sadd.s32 $0xFFFFE003, lr  }
0x1b: {  	s9 =	sadd.s32 $0xFFFFFEF7, lr;
	s5 =	simm.s32 $0xFFFFFFFF;
	p2 =	slt.u32 s8, $0xFFFFF086  }
0x1c: {  	p1 =	slt.u32 s9, $0xF7A;
	s5 =	simm.s32 @!p2 $0x0  }
0x1d: {  	s5 =	simm.s32 @p1 $0x1;
	p0 =	seq.s32 s7, s2  }
0x1e: {  	s7 =	smul.u32 @!p0 $0xF7A, s2;
	p2 =	seq.s32 @!p0 s5, $0x0  }
0x1f: {  	s9 =	smul.u32 $0xF7A, s1;
	s8 =	simm.s32 @!p0 $0x1BF5;
	p2 =	por !p2, p0  }
0x20: {  	[sflag:s8] =	ssyncset.s32 @!p0 $0xFFFFF086;
	s6 =	sadd.s32 @!p0 s3, s7;
	s7 =	simm.s32 @!p0 $0x108  }
0x21: {  	s3 =	sadd.s32 s3, s9;
	s6 =	sadd.s32 @!p0 $0x88, s6;
	s7 =	simm.s32 @p2 $0x1082  }
0x22: {  	[simem:s7], [sflag:s8] =	dma.local @!p0 [hbm:s6], $0xF7A  }
0x23: {  	s9 =	sor.u32 $0xD0000000, s2;
	s6 =	simm.s32 $0x108;
	_ =	swait.ge @!p0 [sflag:s8], $0x0  }
0x24: {  	s3 =	sadd.s32 $0x88, s3;
	s6 =	simm.s32 @!p1 $0x1082;
	[sflag:s4] =	ssyncset.s32 $0xFFFFF086  }
0x25: {  	[simem:s6], [sflag:s4] =	dma.local [hbm:s3], $0xF7A  }
0x26: {  	[smem:$0x3F9B] =	sst s1;
	(tag) =	ssettag s2;
	_ =	strace s9  }
0x27: {  	s1 =	sld [smem:$0x3FAB]  }
0x28: {  	s2 =	sld [smem:$0x3FAC]  }
0x29: {  	s4 =	sld [smem:$0x3FAE]  }
0x2a: {  	p0 =	seq.s32 s5, $0x0;
	s5 =	sld [smem:$0x3FAF]  }
0x2b: {  	s6 =	sld [smem:$0x3FB0]  }
0x2c: {  	s7 =	sld [smem:$0x3FB1]  }
0x2d: {  	s3 =	simm.s32 $0x108;
	s8 =	sld [smem:$0x3FB2]  }
0x2e: {  	s3 =	simm.s32 @!p0 $0x1082;
	s9 =	sld [smem:$0x3FB3]  }
0x2f: {  	lr =	sadd.s32 s0, s3;
	s0 =	sld [smem:$0x3FAA]  }
0x30: {  	s3 =	sld [smem:$0x3FAD]  }
0x31: {  	[smem:$0x3FB6] =	sst s10  }
0x32: {  	s10 =	sld [smem:$0x3FB4];
	_ =	sdelay $0x3  }
0x33: {  	p0 =	seq.s32 s10, $0x1;
	s10 =	sld [smem:$0x3FB6];
	_ =	sdelay $0x3  }
0x34: {  	[smem:$0x3FB6] =	sst s10  }
0x35: {  	s10 =	sld [smem:$0x3FB5];
	_ =	sdelay $0x3  }
0x36: {  	p1 =	seq.s32 s10, $0x1;
	s10 =	sld [smem:$0x3FB6];
	_ =	sdelay $0x3  }
0x37: {  	[smem:$0x3FB6] =	sst s10  }
0x38: {  	s10 =	sld [smem:$0x3FB7]  }
0x39: {  	_ = 	snop;
	(pc) =	sbr.ind lr, $3  }
0x3a: {  	_ = 	snop  }
0x3b: {  	_ = 	snop  }
0x3c: {  	p2 =	seq.s32 s10, $0x1;
	s10 =	sld [smem:$0x3FB6]  }
0x3d: {  	_ =	shalt  }
0x3e: {  	_ =	shalt  }
0x3f: {  	_ =	shalt  }
0x40: {  	_ =	shalt  }
0x41: {  	_ =	shalt  }
0x42: {  	_ =	shalt  }
0x43: {  	_ =	shalt  }
0x44: {  	_ =	shalt  }
0x45: {  	_ =	shalt  }
0x46: {  	_ =	shalt  }
0x47: {  	_ =	shalt  }
0x48: {  	_ =	shalt  }
0x49: {  	_ =	shalt  }
0x4a: {  	_ =	shalt  }
0x4b: {  	_ =	shalt  }
0x4c: {  	_ =	shalt  }
0x4d: {  	_ =	shalt  }
0x4e: {  	_ =	shalt  }
0x4f: {  	_ =	shalt  }
0x50: {  	_ =	shalt  }
0x51: {  	_ =	shalt  }
0x52: {  	_ =	shalt  }
0x53: {  	_ =	shalt  }
0x54: {  	_ =	shalt  }
0x55: {  	_ =	shalt  }
0x56: {  	_ =	shalt  }
0x57: {  	_ =	shalt  }
0x58: {  	_ =	shalt  }
0x59: {  	_ =	shalt  }
0x5a: {  	_ =	shalt  }
0x5b: {  	_ =	shalt  }
0x5c: {  	_ =	shalt  }
0x5d: {  	_ =	shalt  }
0x5e: {  	_ =	shalt  }
0x5f: {  	_ =	shalt  }
0x60: {  	_ =	shalt  }
0x61: {  	_ =	shalt  }
0x62: {  	_ =	shalt  }
0x63: {  	_ =	shalt  }
0x64: {  	_ =	shalt  }
0x65: {  	_ =	shalt  }
0x66: {  	_ =	shalt  }
0x67: {  	_ =	shalt  }
0x68: {  	_ =	shalt  }
0x69: {  	_ =	shalt  }
0x6a: {  	_ =	shalt  }
0x6b: {  	_ =	shalt  }
0x6c: {  	_ =	shalt  }
0x6d: {  	_ =	shalt  }
0x6e: {  	_ =	shalt  }
0x6f: {  	_ =	shalt  }
0x70: {  	_ =	shalt  }
0x71: {  	_ =	shalt  }
0x72: {  	_ =	shalt  }
0x73: {  	_ =	shalt  }
0x74: {  	_ =	shalt  }
0x75: {  	_ =	shalt  }
0x76: {  	_ =	shalt  }
0x77: {  	_ =	shalt  }
0x78: {  	_ =	shalt  }
0x79: {  	_ =	shalt  }
0x7a: {  	_ =	shalt  }
0x7b: {  	_ =	shalt  }
0x7c: {  	_ =	shalt  }
0x7d: {  	_ =	shalt  }
0x7e: {  	_ =	shalt  }
0x7f: {  	_ =	shalt  }
0x80: {  	_ =	shalt  }
0x81: {  	_ =	shalt  }
0x82: {  	_ =	shalt  }
0x83: {  	_ =	shalt  }
0x84: {  	_ =	shalt  }
0x85: {  	_ =	shalt  }
0x86: {  	_ =	shalt  }
0x87: {  	_ =	shalt  }
.Lfunc_end0:
.L_simem_size_0:
called_computation.1_lowered:
.L_overlay_start_0:
0x88: {  	s2 =	sld [smem:$0x3FD9]  }
0x89: {  	s3 =	sld [smem:$0x3FFE];
	_ =	sdelay $0x1  }
0x8a: {  	s1 =	srdreg.scid  }
0x8b: {  	s0 =	sand.u32 $0x1, s1  }
0x8c: {  	s17 =	sshll.u32 s0, $0xA;
	s2 =	sadd.s32 s3, s2  }
0x8d: {  	s2 =	sadd.s32 s2, s17  }
0x8e: {  	[smem:$0x3FC2] =	sst s2  }
0x8f: {  	_ = 	snop  }
0x90: {  	s2 =	sld [smem:$0x3FD0];
	(tm) =	ssettm $0x1  }
0x91: {  	s18 =	sld [smem:$0x3FFB];
	_ =	sdelay $0x3  }
0x92: {  	_ =	strace s18  }
0x93: {  	s3 =	sld [smem:$0x3FFC];
	_ =	sdelay $0x3  }
0x94: {  	_ =	strace s3  }
0x95: {  	s3 =	sld [smem:$0x3FFD];
	_ =	sdelay $0x3  }
0x96: {  	_ =	strace s3  }
0x97: {  	_ =	strace $0x8FFFFFFF  }
0x98: {  	s19 =	sld [smem:$0x3FDB];
	_ =	sdelay $0x1  }
0x99: {  	s4 =	simm.s32 $_scs_section_size  }
0x9a: {  	s5 =	simm.s32 $_size__tile_overlayer_lowered;
	s6 =	simm.s32 $_tile_overlayer_lowered  }
0x9b: {  	s22 =	simm.s32 $0x1BFF;
	s21 =	sshll.u32 s6, $0x1;
	s3 =	sadd.s32 s4, s19  }
0x9c: {  	s7 =	simm.s32 $0x0;
	s20 =	sshll.u32 s5, $0x1;
	s5 =	sadd.s32 s21, s3  }
0x9d: {  	[timem:s7], [sflag:s22] =	dma.local [hbm:s5], s20  }
0x9e: {  	_ =	swait.ge [sflag:s22], s20  }
0x9f: {  	s4 =	ssub.s32 $0x0, s20;
	[sflag:s22] =	ssyncset.done $0x0  }
0xa0: {  	[sflag:s22] =	ssyncadd.s32 s4;
	_ =	sdelay $0x1  }
0xa1: {  	s23 =	simm.s32 $0x1B8B  }
0xa2: {  	_ =	swait.ge [sflag:s23], $0x1  }
0xa3: {  	[sflag:s23] =	ssyncset.done $0x0  }
0xa4: {  	s25 =	simm.s32 $0x1B8E;
	s24 =	sld [smem:$0x3FFE];
	[sflag:s23] =	ssyncadd.s32 $0xFFFFFFFF  }
0xa5: {  	s26 =	simm.s32 $execute0_lowered;
	[smem:$0x3FD2] =	sst s25  }
0xa6: {  	s5 =	sshll.u32 s26, $0x1;
	_ =	strace $0x80000049;
	[dreg:$0x1] =	wrdreg $0xFFFFFFFF  }
0xa7: {  	s28 =	simm.s32 $_size_execute0_lowered;
	s3 =	sadd.s32 s3, s5;
	[dreg:$0x0] =	wrdreg $0x0  }
0xa8: {  	s5 =	sshll.u32 s28, $0x1;
	[dreg:$0x2] =	wrdreg s3  }
0xa9: {  	[dreg:$0x3] =	wrdreg s5  }
0xaa: {  	[dreg:$0x4] =	wrdreg $0xC0  }
0xab: {  	_ =	task [dreg:s7], $0x5FFFF  }
0xac: {  	[dreg:$0x1] =	wrdreg $0xFFFFFFFF  }
0xad: {  	[dreg:$0x0] =	wrdreg $0x60  }
0xae: {  	[dreg:$0x2] =	wrdreg s2  }
0xaf: {  	[dreg:$0x3] =	wrdreg s24  }
0xb0: {  	[dreg:$0x4] =	wrdreg $0xB0000  }
0xb1: {  	[dreg:$0x5] =	wrdreg $0x9  }
0xb2: {  	_ =	task.clear_ibuf [dreg:s7], $0x6FFFF;
	_ =	strace $0x90000049  }
0xb3: {  	s29 =	simm.s32 $0x9;
	_ =	strace $0x8000004B  }
0xb4: {  	_ =	swait.ge [sflag:s29], $0x1  }
0xb5: {  	[sflag:s29] =	ssyncadd.s32 $0xFFFFFFFF  }
0xb6: {  	_ =	strace $0x9000004B  }
0xb7: {  	_ =	sfence  }
0xb8: {  	s30 =	sld [smem:$0x0];
	_ =	sdelay $0x2  }
0xb9: {  	s31 =	sshll.u32 s1, $0xD;
	s1 =	sshrl.u32 s1, $0x2  }
0xba: {  	s3 =	sand.u32 $0x4000, s31;
	s1 =	sadd.s32 s1, s30  }
0xbb: {  	s0 =	sor.u32 s3, s0;
	s1 =	sshll.u32 s1, $0x11  }
0xbc: {  	s0 =	sor.u32 s1, s0  }
0xbd: {  	s0 =	sadd.s32 $0x8F2B, s0  }
0xbe: {  	[sflag:s0] =	ssyncadd.remote.s32 $0x1  }
0xbf: {  	_ =	sfence.sel $0xFFFF  }
0xc0: {  	[dreg:$0x0] =	wrdreg $0xFFFFFFFF;
	(pc) =	sbr.abs _section_cstart, $3  }
0xc1: {  	[dreg:$0x1] =	wrdreg $0xFFFFFFFF  }
0xc2: {  	_ =	task.clear_ibuf [dreg:s7], $0x2FFFF;
	_ =	strace $0x9FFFFFFF  }
0xc3: {  	(tm) =	ssettm $0x7FFFFFFF  }
tec
execute0_lowered:
.L_overlay_start_1:
0x0: {  	(tag) =	ssettag $0x1  }
0x1: {  	s1 =	rddreg [dreg:$0x0]  }
0x2: {  	s0 =	srdreg.scid;
	s4 =	rddreg [dreg:$0x1]  }
0x3: {  	s11 =	stileid.u32;
	s3 =	rddreg [dreg:$0x2];
	s5 =	simm.s32 $0x0  }
0x4: {  	s16 =	simm.s32 $0x5;
	s29 =	simm.s32 $0x2A00;
	s30 =	simm.s32 $0x2A80  }
0x5: {  	s31 =	simm.s32 $0x2B00;
	s12 =	simm.s32 $0x2E80;
	s13 =	simm.s32 $0x2F80  }
0x6: {  	s15 =	simm.s32 $0x0;
	s28 =	simm.s32 $0x0;
	s0 =	sand.u32 $0x1, s0  }
0x7: {  	[smem:$0x7FF] =	sst s5;
	s6 =	smul.u32 $0x2800, s11;
	s5 =	sadd.s32 $0x1E00, s4  }
0x8: {  	s9 =	smul.u32 $0x50000, s11;
	s21 =	sshll.u32 s11, $0x6;
	s2 =	sshll.u32 s0, $0x4  }
0x9: {  	_ =	strace $0x8000004A;
	s8 =	smul.u32 $0x28000, s0;
	s0 =	ssub.s32 $0x2, s0  }
0xa: {  	s14 =	sor.u32 $0x1C05, s21;
	s21 =	simm.s32 $0x3;
	s2 =	sor.u32 s11, s2  }
0xb: {  	s10 =	sadd.s32 s6, s4;
	s18 =	sshrl.u32 s0, $0x1;
	s19 =	sshrl.u32 s9, $0x2  }
0xc: {  	s9 =	simm.s32 $0x2D00;
	s11 =	simm.s32 $0x2E00;
	[dreg:$0x5] =	wrdreg s14  }
0xd: {  	s2 =	smul.u32 $0x2800, s2;
	s6 =	sadd.s32 s6, s8;
	s0 =	ssub.s32 s0, s18  }
0xe: {  	s8 =	sadd.s32 s19, s3;
	s20 =	sadd.s32 $0x15E00, s10;
	s18 =	simm.s32 $0x2C00  }
0xf: {  	s19 =	simm.s32 $0x80;
	s10 =	simm.s32 $0x2D80;
	[dreg:$0x4] =	wrdreg s20  }
0x10: {  	s23 =	sadd.s32 $0xC00, s6;
	s0 =	smax.u32 s0, $0x1;
	s26 =	sadd.s32 $0x800, s6  }
0x11: {  	s20 =	simm.s32 $0x3000;
	s2 =	sshrl.u32 s2, $0x3;
	[dreg:$0xa] =	wrdreg s0  }
0x12: {  	[dreg:$0xc] =	wrdreg s26;
	s0 =	simm.s32 $0x4;
	s7 =	sadd.s32 s2, s4  }
0x13: {  	s4 =	sadd.s32 s6, s4;
	s22 =	sadd.s32 s5, s2;
	s2 =	sshrl.u32 s23, $0x3  }
0x14: {  	s23 =	simm.s32 $0x1;
	s7 =	sadd.s32 $0xBE00, s7;
	[dreg:$0x6] =	wrdreg s22  }
.Ltmp0:
0x15: {  	s24 =	sadd.s32 $0x80, s22;
	[dreg:$0x7] =	wrdreg s7;
	(pc) =	sbr.rel .LBB2_1-.Ltmp0, $4  }
0x16: {  	s6 =	simm.s32 $0x2C80;
	s4 =	sadd.s32 $0x3DE00, s4;
	[dreg:$0x8] =	wrdreg s24  }
0x17: {  	s25 =	sadd.s32 s2, s5;
	s22 =	simm.s32 $0x7000;
	[dreg:$0x9] =	wrdreg s4  }
0x18: {  	s2 =	simm.s32 $0x2B80;
	[dreg:$0xb] =	wrdreg s25;
	s7 =	sshrl.u32 s8, $0x3  }
0x19: {  	s24 =	simm.s32 $0x2;
	s8 =	simm.s32 $0x2F00;
	[dreg:$0xd] =	wrdreg s7  }
.LBB2_4:
0x1a: {  	_ =	swait.ge [sflag:s23], $0x4000  }
0x1b: {  	[sflag:s23] =	ssyncset.done $0x0  }
0x1c: {  	[sflag:s23] =	ssyncadd.s32 $0xFFFFC000  }
0x1d: {  	[bflag:$0x0] =	sbarrier.arrive $0xFFFF  }
0x1e: {  	s14 =	rddreg [dreg:$0x5]  }
0x1f: {  	s4 =	rddreg [dreg:$0x9]  }
0x20: {  	s7 =	rddreg [dreg:$0xd]  }
0x21: {  	[hbm:s4], [sflag:s14] =	dma.local [spmem:s7], $0x2800  }
0x22: {  	_ =	swait.ge [sflag:s16], $0x2800  }
0x23: {  	s15 =	rddreg [dreg:$0xe]  }
0x24: {  	s26 =	rddreg [dreg:$0xa];
	s15 =	sadd.s32 $0x1, s15  }
0x25: {  	p0 =	sne.s32 s15, s26  }
.Ltmp1:
0x26: {  	_ = 	snop;
	(pc) =	sbr.rel @!p0 .LBB2_5-.Ltmp1, $3  }
0x27: {  	_ =	sdelay $0x1  }
0x28: {  	[sflag:s16] =	ssyncset.done $0x0  }
0x29: {  	[sflag:s16] =	ssyncadd.s32 $0xFFFFD800  }
.LBB2_1:
0x2a: {  	[dreg:$0xe] =	wrdreg s15  }
0x2b: {  	s4 =	rddreg [dreg:$0x4]  }
0x2c: {  	[spmem:s7], [sflag:s14] =	dma.local [hbm:s4], $0x2800  }
0x2d: {  	_ =	swait.ge [sflag:s16], $0x2800  }
0x2e: {  	[sflag:s16] =	ssyncset.done $0x0  }
0x2f: {  	s4 =	simm.s32 $0x0;
	s15 =	rddreg [dreg:$0x7];
	[sflag:s16] =	ssyncadd.s32 $0xFFFFD800  }
0x30: {  	[tilespmem:s4], [sflag:$0x5] =	stream.linear.gather [hbm4b:s15+s4], $0x2800, $0x38;
	[tilespmem:$0x1F000] =	vst v63  }
0x31: {  	_ =	swait.ge [sflag:s16], $0x2800  }
0x32: {  	[sflag:s16] =	ssyncset.done $0x0  }
0x33: {  	[sflag:s16] =	ssyncadd.s32 $0xFFFFD800  }
0x34: {  	[bflag:$0x0] =	sbarrier.arrive $0xFFFF  }
0x35: {  	s17 =	rddreg [dreg:$0x6]  }
0x36: {  	s25 =	simm.s32 $0x2800;
	s26 =	rddreg [dreg:$0x8]  }
0x37: {  	[tilespmem:s25], [sflag:$0x3] =	stream.linear.gather [hbm4b:s17+s4], $0x400, $0x38;
	[tilespmem:$0x1F000] =	vst v63  }
0x38: {  	s15 =	rddreg [dreg:$0xc]  }
0x39: {  	[tilespmem:s18], [sflag:$0x4] =	stream.linear.gather [hbm4b:s26+s4], $0x400, $0x38;
	[tilespmem:$0x1F000] =	vst v63  }
0x3a: {  	s7 =	simm.s32 $0x2000;
	s14 =	rddreg [dreg:$0xb]  }
0x3b: {  	[tilespmem:s20], [sflag:$0x1] =	stream.indirect.gather [hbm4b:s1+s19], $0x80, s4, s19, $0xb8;
	[tilespmem:$0x1F000] =	vst v63  }
.LBB2_2:
0x3c: {  	_ =	swait.ge [sflag:s21], $0x400  }
0x3d: {  	s4 =	sshra.s32 s7, $0x2;
	[sflag:s21] =	ssyncset.done $0x0  }
0x3e: {  	s17 =	sadd.s32 $0xFFFFF880, s4;
	[sflag:s21] =	ssyncadd.s32 $0xFFFFFC00  }
0x3f: {  	[tilespmem:s22], [sflag:$0x2] =	stream.indirect.gather [hbm4b:s1+s19], $0x80, s17, s19, $0xb8;
	[tilespmem:$0x1F000] =	vst v63  }
0x40: {  	_ =	swait.ge [sflag:s23], $0x4000  }
0x41: {  	[sflag:s23] =	ssyncset.done $0x0  }
0x42: {  	s26 =	simm.s32 $0x2800;
	[sflag:s23] =	ssyncadd.s32 $0xFFFFC000  }
0x43: {  	[spmem:s3] =	stream.indirect.scatter.add.f32 [tilespmem:s20], [sflag:$0x5], $0x80, s26, s19, $0xb8;
	[tilespmem:$0x1F000] =	vst v63  }
0x44: {  	_ =	swait.ge [sflag:s16], $0x4000  }
0x45: {  	[sflag:s16] =	ssyncset.done $0x0  }
0x46: {  	s25 =	sadd.s32 $0xFFFFF900, s4;
	[sflag:s16] =	ssyncadd.s32 $0xFFFFC000  }
0x47: {  	[tilespmem:s20], [sflag:$0x1] =	stream.indirect.gather [hbm4b:s1+s19], $0x80, s25, s19, $0xb8;
	[tilespmem:$0x1F000] =	vst v63  }
0x48: {  	_ =	swait.ge [sflag:s24], $0x4000  }
0x49: {  	[sflag:s24] =	ssyncset.done $0x0  }
0x4a: {  	s26 =	simm.s32 $0x2880;
	[sflag:s24] =	ssyncadd.s32 $0xFFFFC000  }
0x4b: {  	[spmem:s3] =	stream.indirect.scatter.add.f32 [tilespmem:s22], [sflag:$0x5], $0x80, s26, s19, $0xb8;
	[tilespmem:$0x1F000] =	vst v63  }
0x4c: {  	_ =	swait.ge [sflag:s16], $0x4000  }
0x4d: {  	[sflag:s16] =	ssyncset.done $0x0  }
0x4e: {  	s25 =	sadd.s32 $0xFFFFF980, s4;
	[sflag:s16] =	ssyncadd.s32 $0xFFFFC000  }
0x4f: {  	[tilespmem:s22], [sflag:$0x2] =	stream.indirect.gather [hbm4b:s1+s19], $0x80, s25, s19, $0xb8;
	[tilespmem:$0x1F000] =	vst v63  }
0x50: {  	_ =	swait.ge [sflag:s23], $0x4000  }
0x51: {  	[sflag:s23] =	ssyncset.done $0x0  }
0x52: {  	s26 =	simm.s32 $0x2900;
	[sflag:s23] =	ssyncadd.s32 $0xFFFFC000  }
0x53: {  	[spmem:s3] =	stream.indirect.scatter.add.f32 [tilespmem:s20], [sflag:$0x5], $0x80, s26, s19, $0xb8;
	[tilespmem:$0x1F000] =	vst v63  }
0x54: {  	_ =	swait.ge [sflag:s16], $0x4000  }
0x55: {  	[sflag:s16] =	ssyncset.done $0x0  }
0x56: {  	s25 =	sadd.s32 $0xFFFFFA00, s4;
	[sflag:s16] =	ssyncadd.s32 $0xFFFFC000  }
0x57: {  	[tilespmem:s20], [sflag:$0x1] =	stream.indirect.gather [hbm4b:s1+s19], $0x80, s25, s19, $0xb8;
	[tilespmem:$0x1F000] =	vst v63  }
0x58: {  	_ =	swait.ge [sflag:s24], $0x4000  }
0x59: {  	[sflag:s24] =	ssyncset.done $0x0  }
0x5a: {  	s26 =	simm.s32 $0x2980;
	[sflag:s24] =	ssyncadd.s32 $0xFFFFC000  }
0x5b: {  	[spmem:s3] =	stream.indirect.scatter.add.f32 [tilespmem:s22], [sflag:$0x5], $0x80, s26, s19, $0xb8;
	[tilespmem:$0x1F000] =	vst v63  }
0x5c: {  	_ =	swait.ge [sflag:s16], $0x4000  }
0x5d: {  	[sflag:s16] =	ssyncset.done $0x0  }
0x5e: {  	s25 =	sadd.s32 $0xFFFFFA80, s4;
	[sflag:s16] =	ssyncadd.s32 $0xFFFFC000  }
0x5f: {  	[tilespmem:s22], [sflag:$0x2] =	stream.indirect.gather [hbm4b:s1+s19], $0x80, s25, s19, $0xb8;
	[tilespmem:$0x1F000] =	vst v63  }
0x60: {  	_ =	swait.ge [sflag:s23], $0x4000  }
0x61: {  	[sflag:s23] =	ssyncset.done $0x0  }
0x62: {  	[sflag:s23] =	ssyncadd.s32 $0xFFFFC000  }
0x63: {  	[spmem:s3] =	stream.indirect.scatter.add.f32 [tilespmem:s20], [sflag:$0x5], $0x80, s29, s19, $0xb8;
	[tilespmem:$0x1F000] =	vst v63  }
0x64: {  	_ =	swait.ge [sflag:s16], $0x4000  }
0x65: {  	[sflag:s16] =	ssyncset.done $0x0  }
0x66: {  	s26 =	sadd.s32 $0xFFFFFB00, s4;
	[sflag:s16] =	ssyncadd.s32 $0xFFFFC000  }
0x67: {  	[tilespmem:s20], [sflag:$0x1] =	stream.indirect.gather [hbm4b:s1+s19], $0x80, s26, s19, $0xb8;
	[tilespmem:$0x1F000] =	vst v63  }
0x68: {  	_ =	swait.ge [sflag:s24], $0x4000  }
0x69: {  	[sflag:s24] =	ssyncset.done $0x0  }
0x6a: {  	[sflag:s24] =	ssyncadd.s32 $0xFFFFC000  }
0x6b: {  	[spmem:s3] =	stream.indirect.scatter.add.f32 [tilespmem:s22], [sflag:$0x5], $0x80, s30, s19, $0xb8;
	[tilespmem:$0x1F000] =	vst v63  }
0x6c: {  	_ =	swait.ge [sflag:s16], $0x4000  }
0x6d: {  	[sflag:s16] =	ssyncset.done $0x0  }
0x6e: {  	s25 =	sadd.s32 $0xFFFFFB80, s4;
	[sflag:s16] =	ssyncadd.s32 $0xFFFFC000  }
0x6f: {  	[tilespmem:s22], [sflag:$0x2] =	stream.indirect.gather [hbm4b:s1+s19], $0x80, s25, s19, $0xb8;
	[tilespmem:$0x1F000] =	vst v63  }
0x70: {  	_ =	swait.ge [sflag:s23], $0x4000  }
0x71: {  	[sflag:s23] =	ssyncset.done $0x0  }
0x72: {  	[sflag:s23] =	ssyncadd.s32 $0xFFFFC000  }
0x73: {  	[spmem:s3] =	stream.indirect.scatter.add.f32 [tilespmem:s20], [sflag:$0x5], $0x80, s31, s19, $0xb8;
	[tilespmem:$0x1F000] =	vst v63  }
0x74: {  	_ =	swait.ge [sflag:s16], $0x4000  }
0x75: {  	[sflag:s16] =	ssyncset.done $0x0  }
0x76: {  	s26 =	sadd.s32 $0xFFFFFC00, s4;
	[sflag:s16] =	ssyncadd.s32 $0xFFFFC000  }
0x77: {  	[tilespmem:s20], [sflag:$0x1] =	stream.indirect.gather [hbm4b:s1+s19], $0x80, s26, s19, $0xb8;
	[tilespmem:$0x1F000] =	vst v63  }
0x78: {  	_ =	swait.ge [sflag:s24], $0x4000  }
0x79: {  	[sflag:s24] =	ssyncset.done $0x0  }
0x7a: {  	p0 =	seq.s32 s7, $0xA000;
	[sflag:s24] =	ssyncadd.s32 $0xFFFFC000  }
0x7b: {  	[spmem:s3] =	stream.indirect.scatter.add.f32 [tilespmem:s22], [sflag:$0x5], $0x80, s2, s19, $0xb8;
	[tilespmem:$0x1F000] =	vst v63  }
0x7c: {  	s17 =	sshrl.u32 @!p0 s15, $0x3;
	_ =	swait.ge [sflag:s16], $0x4000  }
0x7d: {  	s17 =	sadd.s32 @!p0 s5, s17;
	[sflag:s16] =	ssyncset.done $0x0  }
0x7e: {  	s25 =	simm.s32 @!p0 $0x0;
	s26 =	simm.s32 @!p0 $0x2800;
	[sflag:s16] =	ssyncadd.s32 $0xFFFFC000  }
0x7f: {  	[tilespmem:s26], [sflag:$0x3] =	stream.linear.gather @!p0 [hbm4b:s17+s25], $0x400, $0x38;
	[tilespmem:$0x1F000] =	vst v63  }
0x80: {  	_ =	swait.ge [sflag:s0], $0x400  }
0x81: {  	[sflag:s0] =	ssyncset.done $0x0  }
0x82: {  	s25 =	sadd.s32 $0xFFFFFC80, s4;
	[sflag:s0] =	ssyncadd.s32 $0xFFFFFC00  }
0x83: {  	[tilespmem:s22], [sflag:$0x2] =	stream.indirect.gather [hbm4b:s1+s19], $0x80, s25, s19, $0xb8;
	[tilespmem:$0x1F000] =	vst v63  }
0x84: {  	_ =	swait.ge [sflag:s23], $0x4000  }
0x85: {  	[sflag:s23] =	ssyncset.done $0x0  }
0x86: {  	[sflag:s23] =	ssyncadd.s32 $0xFFFFC000  }
0x87: {  	[spmem:s3] =	stream.indirect.scatter.add.f32 [tilespmem:s20], [sflag:$0x5], $0x80, s18, s19, $0xb8;
	[tilespmem:$0x1F000] =	vst v63  }
0x88: {  	_ =	swait.ge [sflag:s16], $0x4000  }
0x89: {  	[sflag:s16] =	ssyncset.done $0x0  }
0x8a: {  	s26 =	sadd.s32 $0xFFFFFD00, s4;
	[sflag:s16] =	ssyncadd.s32 $0xFFFFC000  }
0x8b: {  	[tilespmem:s20], [sflag:$0x1] =	stream.indirect.gather [hbm4b:s1+s19], $0x80, s26, s19, $0xb8;
	[tilespmem:$0x1F000] =	vst v63  }
0x8c: {  	_ =	swait.ge [sflag:s24], $0x4000  }
0x8d: {  	[sflag:s24] =	ssyncset.done $0x0  }
0x8e: {  	[sflag:s24] =	ssyncadd.s32 $0xFFFFC000  }
0x8f: {  	[spmem:s3] =	stream.indirect.scatter.add.f32 [tilespmem:s22], [sflag:$0x5], $0x80, s6, s19, $0xb8;
	[tilespmem:$0x1F000] =	vst v63  }
0x90: {  	_ =	swait.ge [sflag:s16], $0x4000  }
0x91: {  	[sflag:s16] =	ssyncset.done $0x0  }
0x92: {  	s25 =	sadd.s32 $0xFFFFFD80, s4;
	[sflag:s16] =	ssyncadd.s32 $0xFFFFC000  }
0x93: {  	[tilespmem:s22], [sflag:$0x2] =	stream.indirect.gather [hbm4b:s1+s19], $0x80, s25, s19, $0xb8;
	[tilespmem:$0x1F000] =	vst v63  }
0x94: {  	_ =	swait.ge [sflag:s23], $0x4000  }
0x95: {  	[sflag:s23] =	ssyncset.done $0x0  }
0x96: {  	[sflag:s23] =	ssyncadd.s32 $0xFFFFC000  }
0x97: {  	[spmem:s3] =	stream.indirect.scatter.add.f32 [tilespmem:s20], [sflag:$0x5], $0x80, s9, s19, $0xb8;
	[tilespmem:$0x1F000] =	vst v63  }
0x98: {  	_ =	swait.ge [sflag:s16], $0x4000  }
0x99: {  	[sflag:s16] =	ssyncset.done $0x0  }
0x9a: {  	s26 =	sadd.s32 $0xFFFFFE00, s4;
	[sflag:s16] =	ssyncadd.s32 $0xFFFFC000  }
0x9b: {  	[tilespmem:s20], [sflag:$0x1] =	stream.indirect.gather [hbm4b:s1+s19], $0x80, s26, s19, $0xb8;
	[tilespmem:$0x1F000] =	vst v63  }
0x9c: {  	_ =	swait.ge [sflag:s24], $0x4000  }
0x9d: {  	[sflag:s24] =	ssyncset.done $0x0  }
0x9e: {  	[sflag:s24] =	ssyncadd.s32 $0xFFFFC000  }
0x9f: {  	[spmem:s3] =	stream.indirect.scatter.add.f32 [tilespmem:s22], [sflag:$0x5], $0x80, s10, s19, $0xb8;
	[tilespmem:$0x1F000] =	vst v63  }
0xa0: {  	_ =	swait.ge [sflag:s16], $0x4000  }
0xa1: {  	[sflag:s16] =	ssyncset.done $0x0  }
0xa2: {  	s25 =	sadd.s32 $0xFFFFFE80, s4;
	[sflag:s16] =	ssyncadd.s32 $0xFFFFC000  }
0xa3: {  	[tilespmem:s22], [sflag:$0x2] =	stream.indirect.gather [hbm4b:s1+s19], $0x80, s25, s19, $0xb8;
	[tilespmem:$0x1F000] =	vst v63  }
0xa4: {  	_ =	swait.ge [sflag:s23], $0x4000  }
0xa5: {  	[sflag:s23] =	ssyncset.done $0x0  }
0xa6: {  	[sflag:s23] =	ssyncadd.s32 $0xFFFFC000  }
0xa7: {  	[spmem:s3] =	stream.indirect.scatter.add.f32 [tilespmem:s20], [sflag:$0x5], $0x80, s11, s19, $0xb8;
	[tilespmem:$0x1F000] =	vst v63  }
0xa8: {  	_ =	swait.ge [sflag:s16], $0x4000  }
0xa9: {  	[sflag:s16] =	ssyncset.done $0x0  }
0xaa: {  	s26 =	sadd.s32 $0xFFFFFF00, s4;
	[sflag:s16] =	ssyncadd.s32 $0xFFFFC000  }
0xab: {  	[tilespmem:s20], [sflag:$0x1] =	stream.indirect.gather [hbm4b:s1+s19], $0x80, s26, s19, $0xb8;
	[tilespmem:$0x1F000] =	vst v63  }
0xac: {  	_ =	swait.ge [sflag:s24], $0x4000  }
0xad: {  	[sflag:s24] =	ssyncset.done $0x0  }
0xae: {  	[sflag:s24] =	ssyncadd.s32 $0xFFFFC000  }
0xaf: {  	[spmem:s3] =	stream.indirect.scatter.add.f32 [tilespmem:s22], [sflag:$0x5], $0x80, s12, s19, $0xb8;
	[tilespmem:$0x1F000] =	vst v63  }
0xb0: {  	_ =	swait.ge [sflag:s16], $0x4000  }
0xb1: {  	[sflag:s16] =	ssyncset.done $0x0  }
0xb2: {  	s4 =	sadd.s32 $0xFFFFFF80, s4;
	[sflag:s16] =	ssyncadd.s32 $0xFFFFC000  }
0xb3: {  	[tilespmem:s22], [sflag:$0x2] =	stream.indirect.gather [hbm4b:s1+s19], $0x80, s4, s19, $0xb8;
	[tilespmem:$0x1F000] =	vst v63  }
0xb4: {  	_ =	swait.ge [sflag:s23], $0x4000  }
0xb5: {  	[sflag:s23] =	ssyncset.done $0x0  }
0xb6: {  	[sflag:s23] =	ssyncadd.s32 $0xFFFFC000  }
0xb7: {  	[spmem:s3] =	stream.indirect.scatter.add.f32 [tilespmem:s20], [sflag:$0x5], $0x80, s8, s19, $0xb8;
	[tilespmem:$0x1F000] =	vst v63  }
0xb8: {  	s4 =	smov.u32 s7;
	_ =	swait.ge [sflag:s16], $0x4000  }
0xb9: {  	s4 =	simm.s32 @p0 $0x0;
	[sflag:s16] =	ssyncset.done $0x0  }
0xba: {  	s4 =	sshra.s32 s4, $0x2;
	[sflag:s16] =	ssyncadd.s32 $0xFFFFC000  }
0xbb: {  	[tilespmem:s20], [sflag:$0x1] =	stream.indirect.gather [hbm4b:s1+s19], $0x80, s4, s19, $0xb8;
	[tilespmem:$0x1F000] =	vst v63  }
0xbc: {  	_ =	swait.ge [sflag:s24], $0x4000  }
0xbd: {  	[sflag:s24] =	ssyncset.done $0x0  }
.Ltmp2:
0xbe: {  	[sflag:s24] =	ssyncadd.s32 $0xFFFFC000;
	(pc) =	sbr.rel @p0 .LBB2_4-.Ltmp2, $4  }
0xbf: {  	[spmem:s3] =	stream.indirect.scatter.add.f32 [tilespmem:s22], [sflag:$0x5], $0x80, s13, s19, $0xb8;
	[tilespmem:$0x1F000] =	vst v63  }
0xc0: {  	_ =	swait.ge [sflag:s16], $0x4000  }
0xc1: {  	[sflag:s16] =	ssyncset.done $0x0  }
0xc2: {  	[sflag:s16] =	ssyncadd.s32 $0xFFFFC000  }
.Ltmp3:
0xc3: {  	(pc) =	sbr.rel .LBB2_2-.Ltmp3, $3  }
0xc4: {  	_ =	sdelay $0x1  }
0xc5: {  	[tilespmem:s18], [sflag:$0x4] =	stream.linear.gather [hbm4b:s14+s28], $0x400, $0x38;
	[tilespmem:$0x1F000] =	vst v63  }
0xc6: {  	s7 =	sadd.s32 $0x2000, s7;
	s14 =	sadd.s32 $0x100, s14;
	s15 =	sadd.s32 $0x800, s15  }
.LBB2_5:
0xc7: {  	_ =	sfence.sel $0x180000  }
0xc8: {  	[bflag:$0x0] =	sbarrier.arrive $0xFFFF  }
0xc9: {  	_ =	strace $0x9000004A  }
0xca: {  	s0 =	stileid.u32;
	[bflag:$0x2] =	sbarrier.arrive $0xFFFF  }
0xcb: {  	p0 =	sne.s32 s0, $0x0;
	s0 =	rddreg [dreg:$0x3]  }
0xcc: {  	s0 =	sadd.s32 @!p0 $0x100000, s0  }
0xcd: {  	[sflag:s0] =	ssyncadd.tile.s32 @!p0 $0x1;
	_ =	shalt  }
.Lfunc_end2:
_tile_overlayer_lowered:
.L_overlay_start_2:
0xce: {  	(tag) =	ssettag $0x2  }
0xcf: {  	s0 =	rddreg [dreg:$0x0];
	s2 =	stileid.u32  }
0xd0: {  	s1 =	rddreg [dreg:$0x1];
	p0 =	sne.s32 s2, $0x0  }
0xd1: {  	s3 =	rddreg [dreg:$0x2];
	[bflag:$0x3] =	sbarrier.arrive $0xFFFF;
	s2 =	simm.s32 @!p0 $0x1C05  }
0xd2: {  	[timem:s3], [sflag:s2] =	dma.local @!p0 [hbm:s0], s1  }
0xd3: {  	s0 =	simm.s32 @!p0 $0x5  }
0xd4: {  	_ =	swait.ge @!p0 [sflag:s0], s1  }
0xd5: {  	s1 =	ssub.s32 @!p0 $0x0, s1;
	[sflag:s0] =	ssyncset.done @!p0 $0x0  }
0xd6: {  	[sflag:s0] =	ssyncadd.s32 @!p0 s1  }
0xd7: {  	[bflag:$0x3] =	sbarrier.arrive $0xFFFF  }
0xd8: {  	_ =	shalt  }

// kernel: kernel.15.cloned.1.call-start
scs
__scs_entry_jumppad:
0x0: {  	(pc) =	sbr.rel $0x88, $3  }
0x1: {  	(tag) =	ssettag $0x0;
	lr =	simm.s32 $0x1  }
0x2: {  	[smem:$0x3F9B] =	sst lr;
	_ =	strace $0xD0000000  }
0x3: {  	_ = 	snop  }
0x4: {  	_ = 	snop  }
0x5: {  	_ = 	snop  }
0x6: {  	_ = 	snop  }
0x7: {  	_ = 	snop  }
__scs_overlays_trampoline_lowered:
0x8: {  	[smem:$0x3FAA] =	sst s0  }
0x9: {  	[smem:$0x3FAB] =	sst s1  }
0xa: {  	[smem:$0x3FAC] =	sst s2  }
0xb: {  	[smem:$0x3FAD] =	sst s3  }
0xc: {  	[smem:$0x3FAE] =	sst s4  }
0xd: {  	[smem:$0x3FAF] =	sst s5  }
0xe: {  	[smem:$0x3FB0] =	sst s6  }
0xf: {  	[smem:$0x3FB1] =	sst s7  }
0x10: {  	[smem:$0x3FB2] =	sst s8  }
0x11: {  	[smem:$0x3FB3] =	sst s9;
	s0 =	simm.s32 @!p0 $0x0  }
0x12: {  	s1 =	sld [smem:$0x3F99];
	s0 =	simm.s32 @p0 $0x1  }
0x13: {  	[smem:$0x3FB4] =	sst s0;
	s0 =	simm.s32 @!p1 $0x0  }
0x14: {  	s2 =	sld [smem:$0x3F98];
	s0 =	simm.s32 @p1 $0x1  }
0x15: {  	[smem:$0x3FB5] =	sst s0;
	s0 =	simm.s32 @!p2 $0x0  }
0x16: {  	s3 =	sld [smem:$0x3FDB];
	s0 =	simm.s32 @p2 $0x1  }
0x17: {  	s4 =	simm.s32 $0x1BF5;
	[smem:$0x3FB7] =	sst s0  }
0x18: {  	s0 =	sld [smem:$0x3F9A];
	_ =	swait.ge [sflag:s4], $0x0  }
0x19: {  	s7 =	sld [smem:$0x3F9B]  }
0x1a: {  	s8 =	sadd.s32 $0xFFFFE003, lr  }
0x1b: {  	s9 =	sadd.s32 $0xFFFFFEF7, lr;
	s5 =	simm.s32 $0xFFFFFFFF;
	p2 =	slt.u32 s8, $0xFFFFF086  }
0x1c: {  	p1 =	slt.u32 s9, $0xF7A;
	s5 =	simm.s32 @!p2 $0x0  }
0x1d: {  	s5 =	simm.s32 @p1 $0x1;
	p0 =	seq.s32 s7, s2  }
0x1e: {  	s7 =	smul.u32 @!p0 $0xF7A, s2;
	p2 =	seq.s32 @!p0 s5, $0x0  }
0x1f: {  	s9 =	smul.u32 $0xF7A, s1;
	s8 =	simm.s32 @!p0 $0x1BF5;
	p2 =	por !p2, p0  }
0x20: {  	[sflag:s8] =	ssyncset.s32 @!p0 $0xFFFFF086;
	s6 =	sadd.s32 @!p0 s3, s7;
	s7 =	simm.s32 @!p0 $0x108  }
0x21: {  	s3 =	sadd.s32 s3, s9;
	s6 =	sadd.s32 @!p0 $0x88, s6;
	s7 =	simm.s32 @p2 $0x1082  }
0x22: {  	[simem:s7], [sflag:s8] =	dma.local @!p0 [hbm:s6], $0xF7A  }
0x23: {  	s9 =	sor.u32 $0xD0000000, s2;
	s6 =	simm.s32 $0x108;
	_ =	swait.ge @!p0 [sflag:s8], $0x0  }
0x24: {  	s3 =	sadd.s32 $0x88, s3;
	s6 =	simm.s32 @!p1 $0x1082;
	[sflag:s4] =	ssyncset.s32 $0xFFFFF086  }
0x25: {  	[simem:s6], [sflag:s4] =	dma.local [hbm:s3], $0xF7A  }
0x26: {  	[smem:$0x3F9B] =	sst s1;
	(tag) =	ssettag s2;
	_ =	strace s9  }
0x27: {  	s1 =	sld [smem:$0x3FAB]  }
0x28: {  	s2 =	sld [smem:$0x3FAC]  }
0x29: {  	s4 =	sld [smem:$0x3FAE]  }
0x2a: {  	p0 =	seq.s32 s5, $0x0;
	s5 =	sld [smem:$0x3FAF]  }
0x2b: {  	s6 =	sld [smem:$0x3FB0]  }
0x2c: {  	s7 =	sld [smem:$0x3FB1]  }
0x2d: {  	s3 =	simm.s32 $0x108;
	s8 =	sld [smem:$0x3FB2]  }
0x2e: {  	s3 =	simm.s32 @!p0 $0x1082;
	s9 =	sld [smem:$0x3FB3]  }
0x2f: {  	lr =	sadd.s32 s0, s3;
	s0 =	sld [smem:$0x3FAA]  }
0x30: {  	s3 =	sld [smem:$0x3FAD]  }
0x31: {  	[smem:$0x3FB6] =	sst s10  }
0x32: {  	s10 =	sld [smem:$0x3FB4];
	_ =	sdelay $0x3  }
0x33: {  	p0 =	seq.s32 s10, $0x1;
	s10 =	sld [smem:$0x3FB6];
	_ =	sdelay $0x3  }
0x34: {  	[smem:$0x3FB6] =	sst s10  }
0x35: {  	s10 =	sld [smem:$0x3FB5];
	_ =	sdelay $0x3  }
0x36: {  	p1 =	seq.s32 s10, $0x1;
	s10 =	sld [smem:$0x3FB6];
	_ =	sdelay $0x3  }
0x37: {  	[smem:$0x3FB6] =	sst s10  }
0x38: {  	s10 =	sld [smem:$0x3FB7]  }
0x39: {  	_ = 	snop;
	(pc) =	sbr.ind lr, $3  }
0x3a: {  	_ = 	snop  }
0x3b: {  	_ = 	snop  }
0x3c: {  	p2 =	seq.s32 s10, $0x1;
	s10 =	sld [smem:$0x3FB6]  }
0x3d: {  	_ =	shalt  }
0x3e: {  	_ =	shalt  }
0x3f: {  	_ =	shalt  }
0x40: {  	_ =	shalt  }
0x41: {  	_ =	shalt  }
0x42: {  	_ =	shalt  }
0x43: {  	_ =	shalt  }
0x44: {  	_ =	shalt  }
0x45: {  	_ =	shalt  }
0x46: {  	_ =	shalt  }
0x47: {  	_ =	shalt  }
0x48: {  	_ =	shalt  }
0x49: {  	_ =	shalt  }
0x4a: {  	_ =	shalt  }
0x4b: {  	_ =	shalt  }
0x4c: {  	_ =	shalt  }
0x4d: {  	_ =	shalt  }
0x4e: {  	_ =	shalt  }
0x4f: {  	_ =	shalt  }
0x50: {  	_ =	shalt  }
0x51: {  	_ =	shalt  }
0x52: {  	_ =	shalt  }
0x53: {  	_ =	shalt  }
0x54: {  	_ =	shalt  }
0x55: {  	_ =	shalt  }
0x56: {  	_ =	shalt  }
0x57: {  	_ =	shalt  }
0x58: {  	_ =	shalt  }
0x59: {  	_ =	shalt  }
0x5a: {  	_ =	shalt  }
0x5b: {  	_ =	shalt  }
0x5c: {  	_ =	shalt  }
0x5d: {  	_ =	shalt  }
0x5e: {  	_ =	shalt  }
0x5f: {  	_ =	shalt  }
0x60: {  	_ =	shalt  }
0x61: {  	_ =	shalt  }
0x62: {  	_ =	shalt  }
0x63: {  	_ =	shalt  }
0x64: {  	_ =	shalt  }
0x65: {  	_ =	shalt  }
0x66: {  	_ =	shalt  }
0x67: {  	_ =	shalt  }
0x68: {  	_ =	shalt  }
0x69: {  	_ =	shalt  }
0x6a: {  	_ =	shalt  }
0x6b: {  	_ =	shalt  }
0x6c: {  	_ =	shalt  }
0x6d: {  	_ =	shalt  }
0x6e: {  	_ =	shalt  }
0x6f: {  	_ =	shalt  }
0x70: {  	_ =	shalt  }
0x71: {  	_ =	shalt  }
0x72: {  	_ =	shalt  }
0x73: {  	_ =	shalt  }
0x74: {  	_ =	shalt  }
0x75: {  	_ =	shalt  }
0x76: {  	_ =	shalt  }
0x77: {  	_ =	shalt  }
0x78: {  	_ =	shalt  }
0x79: {  	_ =	shalt  }
0x7a: {  	_ =	shalt  }
0x7b: {  	_ =	shalt  }
0x7c: {  	_ =	shalt  }
0x7d: {  	_ =	shalt  }
0x7e: {  	_ =	shalt  }
0x7f: {  	_ =	shalt  }
0x80: {  	_ =	shalt  }
0x81: {  	_ =	shalt  }
0x82: {  	_ =	shalt  }
0x83: {  	_ =	shalt  }
0x84: {  	_ =	shalt  }
0x85: {  	_ =	shalt  }
0x86: {  	_ =	shalt  }
0x87: {  	_ =	shalt  }
.Lfunc_end0:
.L_simem_size_0:
called_computation.2_lowered:
.L_overlay_start_0:
0x88: {  	s2 =	sld [smem:$0x3FD9]  }
0x89: {  	s3 =	sld [smem:$0x3FFE];
	_ =	sdelay $0x1  }
0x8a: {  	s1 =	srdreg.scid  }
0x8b: {  	s0 =	sand.u32 $0x1, s1  }
0x8c: {  	s17 =	sshll.u32 s0, $0xA;
	s2 =	sadd.s32 s3, s2  }
0x8d: {  	s2 =	sadd.s32 s2, s17  }
0x8e: {  	[smem:$0x3FC2] =	sst s2  }
0x8f: {  	_ = 	snop  }
0x90: {  	s2 =	sld [smem:$0x3FD0];
	(tm) =	ssettm $0x1  }
0x91: {  	s18 =	sld [smem:$0x3FFB];
	_ =	sdelay $0x3  }
0x92: {  	_ =	strace s18  }
0x93: {  	s3 =	sld [smem:$0x3FFC];
	_ =	sdelay $0x3  }
0x94: {  	_ =	strace s3  }
0x95: {  	s3 =	sld [smem:$0x3FFD];
	_ =	sdelay $0x3  }
0x96: {  	_ =	strace s3  }
0x97: {  	_ =	strace $0x8FFFFFFF  }
0x98: {  	s19 =	sld [smem:$0x3FDB];
	_ =	sdelay $0x1  }
0x99: {  	s4 =	simm.s32 $_scs_section_size  }
0x9a: {  	s5 =	simm.s32 $_size__tile_overlayer_lowered;
	s6 =	simm.s32 $_tile_overlayer_lowered  }
0x9b: {  	s22 =	simm.s32 $0x1BFF;
	s21 =	sshll.u32 s6, $0x1;
	s3 =	sadd.s32 s4, s19  }
0x9c: {  	s7 =	simm.s32 $0x0;
	s20 =	sshll.u32 s5, $0x1;
	s5 =	sadd.s32 s21, s3  }
0x9d: {  	[timem:s7], [sflag:s22] =	dma.local [hbm:s5], s20  }
0x9e: {  	_ =	swait.ge [sflag:s22], s20  }
0x9f: {  	s4 =	ssub.s32 $0x0, s20;
	[sflag:s22] =	ssyncset.done $0x0  }
0xa0: {  	[sflag:s22] =	ssyncadd.s32 s4;
	_ =	sdelay $0x1  }
0xa1: {  	s23 =	simm.s32 $0x1B8B  }
0xa2: {  	_ =	swait.ge [sflag:s23], $0x1  }
0xa3: {  	[sflag:s23] =	ssyncset.done $0x0  }
0xa4: {  	s25 =	simm.s32 $0x1B8E;
	s24 =	sld [smem:$0x3FFE];
	[sflag:s23] =	ssyncadd.s32 $0xFFFFFFFF  }
0xa5: {  	s26 =	simm.s32 $execute0_lowered;
	[smem:$0x3FD2] =	sst s25  }
0xa6: {  	s5 =	sshll.u32 s26, $0x1;
	_ =	strace $0x8000004C;
	[dreg:$0x1] =	wrdreg $0xFFFFFFFF  }
0xa7: {  	s28 =	simm.s32 $_size_execute0_lowered;
	s3 =	sadd.s32 s3, s5;
	[dreg:$0x0] =	wrdreg $0x0  }
0xa8: {  	s5 =	sshll.u32 s28, $0x1;
	[dreg:$0x2] =	wrdreg s3  }
0xa9: {  	[dreg:$0x3] =	wrdreg s5  }
0xaa: {  	[dreg:$0x4] =	wrdreg $0xC0  }
0xab: {  	_ =	task [dreg:s7], $0x5FFFF  }
0xac: {  	[dreg:$0x1] =	wrdreg $0xFFFFFFFF  }
0xad: {  	[dreg:$0x0] =	wrdreg $0x60  }
0xae: {  	[dreg:$0x2] =	wrdreg s2  }
0xaf: {  	[dreg:$0x3] =	wrdreg s24  }
0xb0: {  	[dreg:$0x4] =	wrdreg $0xB0000  }
0xb1: {  	[dreg:$0x5] =	wrdreg $0x9  }
0xb2: {  	_ =	task.clear_ibuf [dreg:s7], $0x6FFFF;
	_ =	strace $0x9000004C  }
0xb3: {  	s29 =	simm.s32 $0x9;
	_ =	strace $0x8000004E  }
0xb4: {  	_ =	swait.ge [sflag:s29], $0x1  }
0xb5: {  	[sflag:s29] =	ssyncadd.s32 $0xFFFFFFFF  }
0xb6: {  	_ =	strace $0x9000004E  }
0xb7: {  	_ =	sfence  }
0xb8: {  	s30 =	sld [smem:$0x0];
	_ =	sdelay $0x2  }
0xb9: {  	s31 =	sshll.u32 s1, $0xD;
	s1 =	sshrl.u32 s1, $0x2  }
0xba: {  	s3 =	sand.u32 $0x4000, s31;
	s1 =	sadd.s32 s1, s30  }
0xbb: {  	s0 =	sor.u32 s3, s0;
	s1 =	sshll.u32 s1, $0x11  }
0xbc: {  	s0 =	sor.u32 s1, s0  }
0xbd: {  	s0 =	sadd.s32 $0x8F2B, s0  }
0xbe: {  	[sflag:s0] =	ssyncadd.remote.s32 $0x1  }
0xbf: {  	_ =	sfence.sel $0xFFFF  }
0xc0: {  	[dreg:$0x0] =	wrdreg $0xFFFFFFFF;
	(pc) =	sbr.abs _section_cstart, $3  }
0xc1: {  	[dreg:$0x1] =	wrdreg $0xFFFFFFFF  }
0xc2: {  	_ =	task.clear_ibuf [dreg:s7], $0x2FFFF;
	_ =	strace $0x9FFFFFFF  }
0xc3: {  	(tm) =	ssettm $0x7FFFFFFF  }
tec
execute0_lowered:
.L_overlay_start_1:
0x0: {  	(tag) =	ssettag $0x1  }
0x1: {  	s1 =	rddreg [dreg:$0x0]  }
0x2: {  	s0 =	srdreg.scid;
	s4 =	rddreg [dreg:$0x1]  }
0x3: {  	s11 =	stileid.u32;
	s3 =	rddreg [dreg:$0x2];
	s5 =	simm.s32 $0x0  }
0x4: {  	s16 =	simm.s32 $0x5;
	s29 =	simm.s32 $0x2A00;
	s30 =	simm.s32 $0x2A80  }
0x5: {  	s31 =	simm.s32 $0x2B00;
	s12 =	simm.s32 $0x2E80;
	s13 =	simm.s32 $0x2F80  }
0x6: {  	s15 =	simm.s32 $0x0;
	s28 =	simm.s32 $0x0;
	s0 =	sand.u32 $0x1, s0  }
0x7: {  	[smem:$0x7FF] =	sst s5;
	s6 =	smul.u32 $0x2800, s11;
	s5 =	sadd.s32 $0x1E00, s4  }
0x8: {  	s9 =	smul.u32 $0x50000, s11;
	s21 =	sshll.u32 s11, $0x6;
	s2 =	sshll.u32 s0, $0x4  }
0x9: {  	_ =	strace $0x8000004D;
	s8 =	smul.u32 $0x28000, s0;
	s0 =	ssub.s32 $0x2, s0  }
0xa: {  	s14 =	sor.u32 $0x1C05, s21;
	s21 =	simm.s32 $0x3;
	s2 =	sor.u32 s11, s2  }
0xb: {  	s10 =	sadd.s32 s6, s4;
	s18 =	sshrl.u32 s0, $0x1;
	s19 =	sshrl.u32 s9, $0x2  }
0xc: {  	s9 =	simm.s32 $0x2D00;
	s11 =	simm.s32 $0x2E00;
	[dreg:$0x5] =	wrdreg s14  }
0xd: {  	s2 =	smul.u32 $0x2800, s2;
	s6 =	sadd.s32 s6, s8;
	s0 =	ssub.s32 s0, s18  }
0xe: {  	s8 =	sadd.s32 s19, s3;
	s20 =	sadd.s32 $0x15E00, s10;
	s18 =	simm.s32 $0x2C00  }
0xf: {  	s19 =	simm.s32 $0x80;
	s10 =	simm.s32 $0x2D80;
	[dreg:$0x4] =	wrdreg s20  }
0x10: {  	s23 =	sadd.s32 $0xC00, s6;
	s0 =	smax.u32 s0, $0x1;
	s26 =	sadd.s32 $0x800, s6  }
0x11: {  	s20 =	simm.s32 $0x3000;
	s2 =	sshrl.u32 s2, $0x3;
	[dreg:$0xa] =	wrdreg s0  }
0x12: {  	[dreg:$0xc] =	wrdreg s26;
	s0 =	simm.s32 $0x4;
	s7 =	sadd.s32 s2, s4  }
0x13: {  	s4 =	sadd.s32 s6, s4;
	s22 =	sadd.s32 s5, s2;
	s2 =	sshrl.u32 s23, $0x3  }
0x14: {  	s23 =	simm.s32 $0x1;
	s7 =	sadd.s32 $0xBE00, s7;
	[dreg:$0x6] =	wrdreg s22  }
.Ltmp0:
0x15: {  	s24 =	sadd.s32 $0x80, s22;
	[dreg:$0x7] =	wrdreg s7;
	(pc) =	sbr.rel .LBB2_1-.Ltmp0, $4  }
0x16: {  	s6 =	simm.s32 $0x2C80;
	s4 =	sadd.s32 $0x3DE00, s4;
	[dreg:$0x8] =	wrdreg s24  }
0x17: {  	s25 =	sadd.s32 s2, s5;
	s22 =	simm.s32 $0x7000;
	[dreg:$0x9] =	wrdreg s4  }
0x18: {  	s2 =	simm.s32 $0x2B80;
	[dreg:$0xb] =	wrdreg s25;
	s7 =	sshrl.u32 s8, $0x3  }
0x19: {  	s24 =	simm.s32 $0x2;
	s8 =	simm.s32 $0x2F00;
	[dreg:$0xd] =	wrdreg s7  }
.LBB2_4:
0x1a: {  	_ =	swait.ge [sflag:s23], $0x4000  }
0x1b: {  	[sflag:s23] =	ssyncset.done $0x0  }
0x1c: {  	[sflag:s23] =	ssyncadd.s32 $0xFFFFC000  }
0x1d: {  	[bflag:$0x0] =	sbarrier.arrive $0xFFFF  }
0x1e: {  	s14 =	rddreg [dreg:$0x5]  }
0x1f: {  	s4 =	rddreg [dreg:$0x9]  }
0x20: {  	s7 =	rddreg [dreg:$0xd]  }
0x21: {  	[hbm:s4], [sflag:s14] =	dma.local [spmem:s7], $0x2800  }
0x22: {  	_ =	swait.ge [sflag:s16], $0x2800  }
0x23: {  	s15 =	rddreg [dreg:$0xe]  }
0x24: {  	s26 =	rddreg [dreg:$0xa];
	s15 =	sadd.s32 $0x1, s15  }
0x25: {  	p0 =	sne.s32 s15, s26  }
.Ltmp1:
0x26: {  	_ = 	snop;
	(pc) =	sbr.rel @!p0 .LBB2_5-.Ltmp1, $3  }
0x27: {  	_ =	sdelay $0x1  }
0x28: {  	[sflag:s16] =	ssyncset.done $0x0  }
0x29: {  	[sflag:s16] =	ssyncadd.s32 $0xFFFFD800  }
.LBB2_1:
0x2a: {  	[dreg:$0xe] =	wrdreg s15  }
0x2b: {  	s4 =	rddreg [dreg:$0x4]  }
0x2c: {  	[spmem:s7], [sflag:s14] =	dma.local [hbm:s4], $0x2800  }
0x2d: {  	_ =	swait.ge [sflag:s16], $0x2800  }
0x2e: {  	[sflag:s16] =	ssyncset.done $0x0  }
0x2f: {  	s4 =	simm.s32 $0x0;
	s15 =	rddreg [dreg:$0x7];
	[sflag:s16] =	ssyncadd.s32 $0xFFFFD800  }
0x30: {  	[tilespmem:s4], [sflag:$0x5] =	stream.linear.gather [hbm4b:s15+s4], $0x2800, $0x38;
	[tilespmem:$0x1F000] =	vst v63  }
0x31: {  	_ =	swait.ge [sflag:s16], $0x2800  }
0x32: {  	[sflag:s16] =	ssyncset.done $0x0  }
0x33: {  	[sflag:s16] =	ssyncadd.s32 $0xFFFFD800  }
0x34: {  	[bflag:$0x0] =	sbarrier.arrive $0xFFFF  }
0x35: {  	s17 =	rddreg [dreg:$0x6]  }
0x36: {  	s25 =	simm.s32 $0x2800;
	s26 =	rddreg [dreg:$0x8]  }
0x37: {  	[tilespmem:s25], [sflag:$0x3] =	stream.linear.gather [hbm4b:s17+s4], $0x400, $0x38;
	[tilespmem:$0x1F000] =	vst v63  }
0x38: {  	s15 =	rddreg [dreg:$0xc]  }
0x39: {  	[tilespmem:s18], [sflag:$0x4] =	stream.linear.gather [hbm4b:s26+s4], $0x400, $0x38;
	[tilespmem:$0x1F000] =	vst v63  }
0x3a: {  	s7 =	simm.s32 $0x2000;
	s14 =	rddreg [dreg:$0xb]  }
0x3b: {  	[tilespmem:s20], [sflag:$0x1] =	stream.indirect.gather [hbm4b:s1+s19], $0x80, s4, s19, $0xb8;
	[tilespmem:$0x1F000] =	vst v63  }
.LBB2_2:
0x3c: {  	_ =	swait.ge [sflag:s21], $0x400  }
0x3d: {  	s4 =	sshra.s32 s7, $0x2;
	[sflag:s21] =	ssyncset.done $0x0  }
0x3e: {  	s17 =	sadd.s32 $0xFFFFF880, s4;
	[sflag:s21] =	ssyncadd.s32 $0xFFFFFC00  }
0x3f: {  	[tilespmem:s22], [sflag:$0x2] =	stream.indirect.gather [hbm4b:s1+s19], $0x80, s17, s19, $0xb8;
	[tilespmem:$0x1F000] =	vst v63  }
0x40: {  	_ =	swait.ge [sflag:s23], $0x4000  }
0x41: {  	[sflag:s23] =	ssyncset.done $0x0  }
0x42: {  	s26 =	simm.s32 $0x2800;
	[sflag:s23] =	ssyncadd.s32 $0xFFFFC000  }
0x43: {  	[spmem:s3] =	stream.indirect.scatter.add.f32 [tilespmem:s20], [sflag:$0x5], $0x80, s26, s19, $0xb8;
	[tilespmem:$0x1F000] =	vst v63  }
0x44: {  	_ =	swait.ge [sflag:s16], $0x4000  }
0x45: {  	[sflag:s16] =	ssyncset.done $0x0  }
0x46: {  	s25 =	sadd.s32 $0xFFFFF900, s4;
	[sflag:s16] =	ssyncadd.s32 $0xFFFFC000  }
0x47: {  	[tilespmem:s20], [sflag:$0x1] =	stream.indirect.gather [hbm4b:s1+s19], $0x80, s25, s19, $0xb8;
	[tilespmem:$0x1F000] =	vst v63  }
0x48: {  	_ =	swait.ge [sflag:s24], $0x4000  }
0x49: {  	[sflag:s24] =	ssyncset.done $0x0  }
0x4a: {  	s26 =	simm.s32 $0x2880;
	[sflag:s24] =	ssyncadd.s32 $0xFFFFC000  }
0x4b: {  	[spmem:s3] =	stream.indirect.scatter.add.f32 [tilespmem:s22], [sflag:$0x5], $0x80, s26, s19, $0xb8;
	[tilespmem:$0x1F000] =	vst v63  }
0x4c: {  	_ =	swait.ge [sflag:s16], $0x4000  }
0x4d: {  	[sflag:s16] =	ssyncset.done $0x0  }
0x4e: {  	s25 =	sadd.s32 $0xFFFFF980, s4;
	[sflag:s16] =	ssyncadd.s32 $0xFFFFC000  }
0x4f: {  	[tilespmem:s22], [sflag:$0x2] =	stream.indirect.gather [hbm4b:s1+s19], $0x80, s25, s19, $0xb8;
	[tilespmem:$0x1F000] =	vst v63  }
0x50: {  	_ =	swait.ge [sflag:s23], $0x4000  }
0x51: {  	[sflag:s23] =	ssyncset.done $0x0  }
0x52: {  	s26 =	simm.s32 $0x2900;
	[sflag:s23] =	ssyncadd.s32 $0xFFFFC000  }
0x53: {  	[spmem:s3] =	stream.indirect.scatter.add.f32 [tilespmem:s20], [sflag:$0x5], $0x80, s26, s19, $0xb8;
	[tilespmem:$0x1F000] =	vst v63  }
0x54: {  	_ =	swait.ge [sflag:s16], $0x4000  }
0x55: {  	[sflag:s16] =	ssyncset.done $0x0  }
0x56: {  	s25 =	sadd.s32 $0xFFFFFA00, s4;
	[sflag:s16] =	ssyncadd.s32 $0xFFFFC000  }
0x57: {  	[tilespmem:s20], [sflag:$0x1] =	stream.indirect.gather [hbm4b:s1+s19], $0x80, s25, s19, $0xb8;
	[tilespmem:$0x1F000] =	vst v63  }
0x58: {  	_ =	swait.ge [sflag:s24], $0x4000  }
0x59: {  	[sflag:s24] =	ssyncset.done $0x0  }
0x5a: {  	s26 =	simm.s32 $0x2980;
	[sflag:s24] =	ssyncadd.s32 $0xFFFFC000  }
0x5b: {  	[spmem:s3] =	stream.indirect.scatter.add.f32 [tilespmem:s22], [sflag:$0x5], $0x80, s26, s19, $0xb8;
	[tilespmem:$0x1F000] =	vst v63  }
0x5c: {  	_ =	swait.ge [sflag:s16], $0x4000  }
0x5d: {  	[sflag:s16] =	ssyncset.done $0x0  }
0x5e: {  	s25 =	sadd.s32 $0xFFFFFA80, s4;
	[sflag:s16] =	ssyncadd.s32 $0xFFFFC000  }
0x5f: {  	[tilespmem:s22], [sflag:$0x2] =	stream.indirect.gather [hbm4b:s1+s19], $0x80, s25, s19, $0xb8;
	[tilespmem:$0x1F000] =	vst v63  }
0x60: {  	_ =	swait.ge [sflag:s23], $0x4000  }
0x61: {  	[sflag:s23] =	ssyncset.done $0x0  }
0x62: {  	[sflag:s23] =	ssyncadd.s32 $0xFFFFC000  }
0x63: {  	[spmem:s3] =	stream.indirect.scatter.add.f32 [tilespmem:s20], [sflag:$0x5], $0x80, s29, s19, $0xb8;
	[tilespmem:$0x1F000] =	vst v63  }
0x64: {  	_ =	swait.ge [sflag:s16], $0x4000  }
0x65: {  	[sflag:s16] =	ssyncset.done $0x0  }
0x66: {  	s26 =	sadd.s32 $0xFFFFFB00, s4;
	[sflag:s16] =	ssyncadd.s32 $0xFFFFC000  }
0x67: {  	[tilespmem:s20], [sflag:$0x1] =	stream.indirect.gather [hbm4b:s1+s19], $0x80, s26, s19, $0xb8;
	[tilespmem:$0x1F000] =	vst v63  }
0x68: {  	_ =	swait.ge [sflag:s24], $0x4000  }
0x69: {  	[sflag:s24] =	ssyncset.done $0x0  }
0x6a: {  	[sflag:s24] =	ssyncadd.s32 $0xFFFFC000  }
0x6b: {  	[spmem:s3] =	stream.indirect.scatter.add.f32 [tilespmem:s22], [sflag:$0x5], $0x80, s30, s19, $0xb8;
	[tilespmem:$0x1F000] =	vst v63  }
0x6c: {  	_ =	swait.ge [sflag:s16], $0x4000  }
0x6d: {  	[sflag:s16] =	ssyncset.done $0x0  }
0x6e: {  	s25 =	sadd.s32 $0xFFFFFB80, s4;
	[sflag:s16] =	ssyncadd.s32 $0xFFFFC000  }
0x6f: {  	[tilespmem:s22], [sflag:$0x2] =	stream.indirect.gather [hbm4b:s1+s19], $0x80, s25, s19, $0xb8;
	[tilespmem:$0x1F000] =	vst v63  }
0x70: {  	_ =	swait.ge [sflag:s23], $0x4000  }
0x71: {  	[sflag:s23] =	ssyncset.done $0x0  }
0x72: {  	[sflag:s23] =	ssyncadd.s32 $0xFFFFC000  }
0x73: {  	[spmem:s3] =	stream.indirect.scatter.add.f32 [tilespmem:s20], [sflag:$0x5], $0x80, s31, s19, $0xb8;
	[tilespmem:$0x1F000] =	vst v63  }
0x74: {  	_ =	swait.ge [sflag:s16], $0x4000  }
0x75: {  	[sflag:s16] =	ssyncset.done $0x0  }
0x76: {  	s26 =	sadd.s32 $0xFFFFFC00, s4;
	[sflag:s16] =	ssyncadd.s32 $0xFFFFC000  }
0x77: {  	[tilespmem:s20], [sflag:$0x1] =	stream.indirect.gather [hbm4b:s1+s19], $0x80, s26, s19, $0xb8;
	[tilespmem:$0x1F000] =	vst v63  }
0x78: {  	_ =	swait.ge [sflag:s24], $0x4000  }
0x79: {  	[sflag:s24] =	ssyncset.done $0x0  }
0x7a: {  	p0 =	seq.s32 s7, $0xA000;
	[sflag:s24] =	ssyncadd.s32 $0xFFFFC000  }
0x7b: {  	[spmem:s3] =	stream.indirect.scatter.add.f32 [tilespmem:s22], [sflag:$0x5], $0x80, s2, s19, $0xb8;
	[tilespmem:$0x1F000] =	vst v63  }
0x7c: {  	s17 =	sshrl.u32 @!p0 s15, $0x3;
	_ =	swait.ge [sflag:s16], $0x4000  }
0x7d: {  	s17 =	sadd.s32 @!p0 s5, s17;
	[sflag:s16] =	ssyncset.done $0x0  }
0x7e: {  	s25 =	simm.s32 @!p0 $0x0;
	s26 =	simm.s32 @!p0 $0x2800;
	[sflag:s16] =	ssyncadd.s32 $0xFFFFC000  }
0x7f: {  	[tilespmem:s26], [sflag:$0x3] =	stream.linear.gather @!p0 [hbm4b:s17+s25], $0x400, $0x38;
	[tilespmem:$0x1F000] =	vst v63  }
0x80: {  	_ =	swait.ge [sflag:s0], $0x400  }
0x81: {  	[sflag:s0] =	ssyncset.done $0x0  }
0x82: {  	s25 =	sadd.s32 $0xFFFFFC80, s4;
	[sflag:s0] =	ssyncadd.s32 $0xFFFFFC00  }
0x83: {  	[tilespmem:s22], [sflag:$0x2] =	stream.indirect.gather [hbm4b:s1+s19], $0x80, s25, s19, $0xb8;
	[tilespmem:$0x1F000] =	vst v63  }
0x84: {  	_ =	swait.ge [sflag:s23], $0x4000  }
0x85: {  	[sflag:s23] =	ssyncset.done $0x0  }
0x86: {  	[sflag:s23] =	ssyncadd.s32 $0xFFFFC000  }
0x87: {  	[spmem:s3] =	stream.indirect.scatter.add.f32 [tilespmem:s20], [sflag:$0x5], $0x80, s18, s19, $0xb8;
	[tilespmem:$0x1F000] =	vst v63  }
0x88: {  	_ =	swait.ge [sflag:s16], $0x4000  }
0x89: {  	[sflag:s16] =	ssyncset.done $0x0  }
0x8a: {  	s26 =	sadd.s32 $0xFFFFFD00, s4;
	[sflag:s16] =	ssyncadd.s32 $0xFFFFC000  }
0x8b: {  	[tilespmem:s20], [sflag:$0x1] =	stream.indirect.gather [hbm4b:s1+s19], $0x80, s26, s19, $0xb8;
	[tilespmem:$0x1F000] =	vst v63  }
0x8c: {  	_ =	swait.ge [sflag:s24], $0x4000  }
0x8d: {  	[sflag:s24] =	ssyncset.done $0x0  }
0x8e: {  	[sflag:s24] =	ssyncadd.s32 $0xFFFFC000  }
0x8f: {  	[spmem:s3] =	stream.indirect.scatter.add.f32 [tilespmem:s22], [sflag:$0x5], $0x80, s6, s19, $0xb8;
	[tilespmem:$0x1F000] =	vst v63  }
0x90: {  	_ =	swait.ge [sflag:s16], $0x4000  }
0x91: {  	[sflag:s16] =	ssyncset.done $0x0  }
0x92: {  	s25 =	sadd.s32 $0xFFFFFD80, s4;
	[sflag:s16] =	ssyncadd.s32 $0xFFFFC000  }
0x93: {  	[tilespmem:s22], [sflag:$0x2] =	stream.indirect.gather [hbm4b:s1+s19], $0x80, s25, s19, $0xb8;
	[tilespmem:$0x1F000] =	vst v63  }
0x94: {  	_ =	swait.ge [sflag:s23], $0x4000  }
0x95: {  	[sflag:s23] =	ssyncset.done $0x0  }
0x96: {  	[sflag:s23] =	ssyncadd.s32 $0xFFFFC000  }
0x97: {  	[spmem:s3] =	stream.indirect.scatter.add.f32 [tilespmem:s20], [sflag:$0x5], $0x80, s9, s19, $0xb8;
	[tilespmem:$0x1F000] =	vst v63  }
0x98: {  	_ =	swait.ge [sflag:s16], $0x4000  }
0x99: {  	[sflag:s16] =	ssyncset.done $0x0  }
0x9a: {  	s26 =	sadd.s32 $0xFFFFFE00, s4;
	[sflag:s16] =	ssyncadd.s32 $0xFFFFC000  }
0x9b: {  	[tilespmem:s20], [sflag:$0x1] =	stream.indirect.gather [hbm4b:s1+s19], $0x80, s26, s19, $0xb8;
	[tilespmem:$0x1F000] =	vst v63  }
0x9c: {  	_ =	swait.ge [sflag:s24], $0x4000  }
0x9d: {  	[sflag:s24] =	ssyncset.done $0x0  }
0x9e: {  	[sflag:s24] =	ssyncadd.s32 $0xFFFFC000  }
0x9f: {  	[spmem:s3] =	stream.indirect.scatter.add.f32 [tilespmem:s22], [sflag:$0x5], $0x80, s10, s19, $0xb8;
	[tilespmem:$0x1F000] =	vst v63  }
0xa0: {  	_ =	swait.ge [sflag:s16], $0x4000  }
0xa1: {  	[sflag:s16] =	ssyncset.done $0x0  }
0xa2: {  	s25 =	sadd.s32 $0xFFFFFE80, s4;
	[sflag:s16] =	ssyncadd.s32 $0xFFFFC000  }
0xa3: {  	[tilespmem:s22], [sflag:$0x2] =	stream.indirect.gather [hbm4b:s1+s19], $0x80, s25, s19, $0xb8;
	[tilespmem:$0x1F000] =	vst v63  }
0xa4: {  	_ =	swait.ge [sflag:s23], $0x4000  }
0xa5: {  	[sflag:s23] =	ssyncset.done $0x0  }
0xa6: {  	[sflag:s23] =	ssyncadd.s32 $0xFFFFC000  }
0xa7: {  	[spmem:s3] =	stream.indirect.scatter.add.f32 [tilespmem:s20], [sflag:$0x5], $0x80, s11, s19, $0xb8;
	[tilespmem:$0x1F000] =	vst v63  }
0xa8: {  	_ =	swait.ge [sflag:s16], $0x4000  }
0xa9: {  	[sflag:s16] =	ssyncset.done $0x0  }
0xaa: {  	s26 =	sadd.s32 $0xFFFFFF00, s4;
	[sflag:s16] =	ssyncadd.s32 $0xFFFFC000  }
0xab: {  	[tilespmem:s20], [sflag:$0x1] =	stream.indirect.gather [hbm4b:s1+s19], $0x80, s26, s19, $0xb8;
	[tilespmem:$0x1F000] =	vst v63  }
0xac: {  	_ =	swait.ge [sflag:s24], $0x4000  }
0xad: {  	[sflag:s24] =	ssyncset.done $0x0  }
0xae: {  	[sflag:s24] =	ssyncadd.s32 $0xFFFFC000  }
0xaf: {  	[spmem:s3] =	stream.indirect.scatter.add.f32 [tilespmem:s22], [sflag:$0x5], $0x80, s12, s19, $0xb8;
	[tilespmem:$0x1F000] =	vst v63  }
0xb0: {  	_ =	swait.ge [sflag:s16], $0x4000  }
0xb1: {  	[sflag:s16] =	ssyncset.done $0x0  }
0xb2: {  	s4 =	sadd.s32 $0xFFFFFF80, s4;
	[sflag:s16] =	ssyncadd.s32 $0xFFFFC000  }
0xb3: {  	[tilespmem:s22], [sflag:$0x2] =	stream.indirect.gather [hbm4b:s1+s19], $0x80, s4, s19, $0xb8;
	[tilespmem:$0x1F000] =	vst v63  }
0xb4: {  	_ =	swait.ge [sflag:s23], $0x4000  }
0xb5: {  	[sflag:s23] =	ssyncset.done $0x0  }
0xb6: {  	[sflag:s23] =	ssyncadd.s32 $0xFFFFC000  }
0xb7: {  	[spmem:s3] =	stream.indirect.scatter.add.f32 [tilespmem:s20], [sflag:$0x5], $0x80, s8, s19, $0xb8;
	[tilespmem:$0x1F000] =	vst v63  }
0xb8: {  	s4 =	smov.u32 s7;
	_ =	swait.ge [sflag:s16], $0x4000  }
0xb9: {  	s4 =	simm.s32 @p0 $0x0;
	[sflag:s16] =	ssyncset.done $0x0  }
0xba: {  	s4 =	sshra.s32 s4, $0x2;
	[sflag:s16] =	ssyncadd.s32 $0xFFFFC000  }
0xbb: {  	[tilespmem:s20], [sflag:$0x1] =	stream.indirect.gather [hbm4b:s1+s19], $0x80, s4, s19, $0xb8;
	[tilespmem:$0x1F000] =	vst v63  }
0xbc: {  	_ =	swait.ge [sflag:s24], $0x4000  }
0xbd: {  	[sflag:s24] =	ssyncset.done $0x0  }
.Ltmp2:
0xbe: {  	[sflag:s24] =	ssyncadd.s32 $0xFFFFC000;
	(pc) =	sbr.rel @p0 .LBB2_4-.Ltmp2, $4  }
0xbf: {  	[spmem:s3] =	stream.indirect.scatter.add.f32 [tilespmem:s22], [sflag:$0x5], $0x80, s13, s19, $0xb8;
	[tilespmem:$0x1F000] =	vst v63  }
0xc0: {  	_ =	swait.ge [sflag:s16], $0x4000  }
0xc1: {  	[sflag:s16] =	ssyncset.done $0x0  }
0xc2: {  	[sflag:s16] =	ssyncadd.s32 $0xFFFFC000  }
.Ltmp3:
0xc3: {  	(pc) =	sbr.rel .LBB2_2-.Ltmp3, $3  }
0xc4: {  	_ =	sdelay $0x1  }
0xc5: {  	[tilespmem:s18], [sflag:$0x4] =	stream.linear.gather [hbm4b:s14+s28], $0x400, $0x38;
	[tilespmem:$0x1F000] =	vst v63  }
0xc6: {  	s7 =	sadd.s32 $0x2000, s7;
	s14 =	sadd.s32 $0x100, s14;
	s15 =	sadd.s32 $0x800, s15  }
.LBB2_5:
0xc7: {  	_ =	sfence.sel $0x180000  }
0xc8: {  	[bflag:$0x0] =	sbarrier.arrive $0xFFFF  }
0xc9: {  	_ =	strace $0x9000004D  }
0xca: {  	s0 =	stileid.u32;
	[bflag:$0x2] =	sbarrier.arrive $0xFFFF  }
0xcb: {  	p0 =	sne.s32 s0, $0x0;
	s0 =	rddreg [dreg:$0x3]  }
0xcc: {  	s0 =	sadd.s32 @!p0 $0x100000, s0  }
0xcd: {  	[sflag:s0] =	ssyncadd.tile.s32 @!p0 $0x1;
	_ =	shalt  }
.Lfunc_end2:
_tile_overlayer_lowered:
.L_overlay_start_2:
0xce: {  	(tag) =	ssettag $0x2  }
0xcf: {  	s0 =	rddreg [dreg:$0x0];
	s2 =	stileid.u32  }
0xd0: {  	s1 =	rddreg [dreg:$0x1];
	p0 =	sne.s32 s2, $0x0  }
0xd1: {  	s3 =	rddreg [dreg:$0x2];
	[bflag:$0x3] =	sbarrier.arrive $0xFFFF;
	s2 =	simm.s32 @!p0 $0x1C05  }
0xd2: {  	[timem:s3], [sflag:s2] =	dma.local @!p0 [hbm:s0], s1  }
0xd3: {  	s0 =	simm.s32 @!p0 $0x5  }
0xd4: {  	_ =	swait.ge @!p0 [sflag:s0], s1  }
0xd5: {  	s1 =	ssub.s32 @!p0 $0x0, s1;
	[sflag:s0] =	ssyncset.done @!p0 $0x0  }
0xd6: {  	[sflag:s0] =	ssyncadd.s32 @!p0 s1  }
0xd7: {  	[bflag:$0x3] =	sbarrier.arrive $0xFFFF  }
0xd8: {  	_ =	shalt  }

// kernel: kernel.9.cloned.1.call-start
scs
__scs_entry_jumppad:
0x0: {  	(pc) =	sbr.rel $0x88, $3  }
0x1: {  	(tag) =	ssettag $0x0;
	lr =	simm.s32 $0x1  }
0x2: {  	[smem:$0x3F9B] =	sst lr;
	_ =	strace $0xD0000000  }
0x3: {  	_ = 	snop  }
0x4: {  	_ = 	snop  }
0x5: {  	_ = 	snop  }
0x6: {  	_ = 	snop  }
0x7: {  	_ = 	snop  }
__scs_overlays_trampoline_lowered:
0x8: {  	[smem:$0x3FAA] =	sst s0  }
0x9: {  	[smem:$0x3FAB] =	sst s1  }
0xa: {  	[smem:$0x3FAC] =	sst s2  }
0xb: {  	[smem:$0x3FAD] =	sst s3  }
0xc: {  	[smem:$0x3FAE] =	sst s4  }
0xd: {  	[smem:$0x3FAF] =	sst s5  }
0xe: {  	[smem:$0x3FB0] =	sst s6  }
0xf: {  	[smem:$0x3FB1] =	sst s7  }
0x10: {  	[smem:$0x3FB2] =	sst s8  }
0x11: {  	[smem:$0x3FB3] =	sst s9;
	s0 =	simm.s32 @!p0 $0x0  }
0x12: {  	s1 =	sld [smem:$0x3F99];
	s0 =	simm.s32 @p0 $0x1  }
0x13: {  	[smem:$0x3FB4] =	sst s0;
	s0 =	simm.s32 @!p1 $0x0  }
0x14: {  	s2 =	sld [smem:$0x3F98];
	s0 =	simm.s32 @p1 $0x1  }
0x15: {  	[smem:$0x3FB5] =	sst s0;
	s0 =	simm.s32 @!p2 $0x0  }
0x16: {  	s3 =	sld [smem:$0x3FDB];
	s0 =	simm.s32 @p2 $0x1  }
0x17: {  	s4 =	simm.s32 $0x1BF5;
	[smem:$0x3FB7] =	sst s0  }
0x18: {  	s0 =	sld [smem:$0x3F9A];
	_ =	swait.ge [sflag:s4], $0x0  }
0x19: {  	s7 =	sld [smem:$0x3F9B]  }
0x1a: {  	s8 =	sadd.s32 $0xFFFFE003, lr  }
0x1b: {  	s9 =	sadd.s32 $0xFFFFFEF7, lr;
	s5 =	simm.s32 $0xFFFFFFFF;
	p2 =	slt.u32 s8, $0xFFFFF086  }
0x1c: {  	p1 =	slt.u32 s9, $0xF7A;
	s5 =	simm.s32 @!p2 $0x0  }
0x1d: {  	s5 =	simm.s32 @p1 $0x1;
	p0 =	seq.s32 s7, s2  }
0x1e: {  	s7 =	smul.u32 @!p0 $0xF7A, s2;
	p2 =	seq.s32 @!p0 s5, $0x0  }
0x1f: {  	s9 =	smul.u32 $0xF7A, s1;
	s8 =	simm.s32 @!p0 $0x1BF5;
	p2 =	por !p2, p0  }
0x20: {  	[sflag:s8] =	ssyncset.s32 @!p0 $0xFFFFF086;
	s6 =	sadd.s32 @!p0 s3, s7;
	s7 =	simm.s32 @!p0 $0x108  }
0x21: {  	s3 =	sadd.s32 s3, s9;
	s6 =	sadd.s32 @!p0 $0x88, s6;
	s7 =	simm.s32 @p2 $0x1082  }
0x22: {  	[simem:s7], [sflag:s8] =	dma.local @!p0 [hbm:s6], $0xF7A  }
0x23: {  	s9 =	sor.u32 $0xD0000000, s2;
	s6 =	simm.s32 $0x108;
	_ =	swait.ge @!p0 [sflag:s8], $0x0  }
0x24: {  	s3 =	sadd.s32 $0x88, s3;
	s6 =	simm.s32 @!p1 $0x1082;
	[sflag:s4] =	ssyncset.s32 $0xFFFFF086  }
0x25: {  	[simem:s6], [sflag:s4] =	dma.local [hbm:s3], $0xF7A  }
0x26: {  	[smem:$0x3F9B] =	sst s1;
	(tag) =	ssettag s2;
	_ =	strace s9  }
0x27: {  	s1 =	sld [smem:$0x3FAB]  }
0x28: {  	s2 =	sld [smem:$0x3FAC]  }
0x29: {  	s4 =	sld [smem:$0x3FAE]  }
0x2a: {  	p0 =	seq.s32 s5, $0x0;
	s5 =	sld [smem:$0x3FAF]  }
0x2b: {  	s6 =	sld [smem:$0x3FB0]  }
0x2c: {  	s7 =	sld [smem:$0x3FB1]  }
0x2d: {  	s3 =	simm.s32 $0x108;
	s8 =	sld [smem:$0x3FB2]  }
0x2e: {  	s3 =	simm.s32 @!p0 $0x1082;
	s9 =	sld [smem:$0x3FB3]  }
0x2f: {  	lr =	sadd.s32 s0, s3;
	s0 =	sld [smem:$0x3FAA]  }
0x30: {  	s3 =	sld [smem:$0x3FAD]  }
0x31: {  	[smem:$0x3FB6] =	sst s10  }
0x32: {  	s10 =	sld [smem:$0x3FB4];
	_ =	sdelay $0x3  }
0x33: {  	p0 =	seq.s32 s10, $0x1;
	s10 =	sld [smem:$0x3FB6];
	_ =	sdelay $0x3  }
0x34: {  	[smem:$0x3FB6] =	sst s10  }
0x35: {  	s10 =	sld [smem:$0x3FB5];
	_ =	sdelay $0x3  }
0x36: {  	p1 =	seq.s32 s10, $0x1;
	s10 =	sld [smem:$0x3FB6];
	_ =	sdelay $0x3  }
0x37: {  	[smem:$0x3FB6] =	sst s10  }
0x38: {  	s10 =	sld [smem:$0x3FB7]  }
0x39: {  	_ = 	snop;
	(pc) =	sbr.ind lr, $3  }
0x3a: {  	_ = 	snop  }
0x3b: {  	_ = 	snop  }
0x3c: {  	p2 =	seq.s32 s10, $0x1;
	s10 =	sld [smem:$0x3FB6]  }
0x3d: {  	_ =	shalt  }
0x3e: {  	_ =	shalt  }
0x3f: {  	_ =	shalt  }
0x40: {  	_ =	shalt  }
0x41: {  	_ =	shalt  }
0x42: {  	_ =	shalt  }
0x43: {  	_ =	shalt  }
0x44: {  	_ =	shalt  }
0x45: {  	_ =	shalt  }
0x46: {  	_ =	shalt  }
0x47: {  	_ =	shalt  }
0x48: {  	_ =	shalt  }
0x49: {  	_ =	shalt  }
0x4a: {  	_ =	shalt  }
0x4b: {  	_ =	shalt  }
0x4c: {  	_ =	shalt  }
0x4d: {  	_ =	shalt  }
0x4e: {  	_ =	shalt  }
0x4f: {  	_ =	shalt  }
0x50: {  	_ =	shalt  }
0x51: {  	_ =	shalt  }
0x52: {  	_ =	shalt  }
0x53: {  	_ =	shalt  }
0x54: {  	_ =	shalt  }
0x55: {  	_ =	shalt  }
0x56: {  	_ =	shalt  }
0x57: {  	_ =	shalt  }
0x58: {  	_ =	shalt  }
0x59: {  	_ =	shalt  }
0x5a: {  	_ =	shalt  }
0x5b: {  	_ =	shalt  }
0x5c: {  	_ =	shalt  }
0x5d: {  	_ =	shalt  }
0x5e: {  	_ =	shalt  }
0x5f: {  	_ =	shalt  }
0x60: {  	_ =	shalt  }
0x61: {  	_ =	shalt  }
0x62: {  	_ =	shalt  }
0x63: {  	_ =	shalt  }
0x64: {  	_ =	shalt  }
0x65: {  	_ =	shalt  }
0x66: {  	_ =	shalt  }
0x67: {  	_ =	shalt  }
0x68: {  	_ =	shalt  }
0x69: {  	_ =	shalt  }
0x6a: {  	_ =	shalt  }
0x6b: {  	_ =	shalt  }
0x6c: {  	_ =	shalt  }
0x6d: {  	_ =	shalt  }
0x6e: {  	_ =	shalt  }
0x6f: {  	_ =	shalt  }
0x70: {  	_ =	shalt  }
0x71: {  	_ =	shalt  }
0x72: {  	_ =	shalt  }
0x73: {  	_ =	shalt  }
0x74: {  	_ =	shalt  }
0x75: {  	_ =	shalt  }
0x76: {  	_ =	shalt  }
0x77: {  	_ =	shalt  }
0x78: {  	_ =	shalt  }
0x79: {  	_ =	shalt  }
0x7a: {  	_ =	shalt  }
0x7b: {  	_ =	shalt  }
0x7c: {  	_ =	shalt  }
0x7d: {  	_ =	shalt  }
0x7e: {  	_ =	shalt  }
0x7f: {  	_ =	shalt  }
0x80: {  	_ =	shalt  }
0x81: {  	_ =	shalt  }
0x82: {  	_ =	shalt  }
0x83: {  	_ =	shalt  }
0x84: {  	_ =	shalt  }
0x85: {  	_ =	shalt  }
0x86: {  	_ =	shalt  }
0x87: {  	_ =	shalt  }
.Lfunc_end0:
.L_simem_size_0:
called_computation_lowered:
.L_overlay_start_0:
0x88: {  	s2 =	sld [smem:$0x3FD9]  }
0x89: {  	s3 =	sld [smem:$0x3FFE];
	_ =	sdelay $0x1  }
0x8a: {  	s1 =	srdreg.scid  }
0x8b: {  	s0 =	sand.u32 $0x1, s1  }
0x8c: {  	s17 =	sshll.u32 s0, $0xA;
	s2 =	sadd.s32 s3, s2  }
0x8d: {  	s2 =	sadd.s32 s2, s17  }
0x8e: {  	[smem:$0x3FC2] =	sst s2  }
0x8f: {  	_ = 	snop  }
0x90: {  	s2 =	sld [smem:$0x3FD0];
	(tm) =	ssettm $0x1  }
0x91: {  	s18 =	sld [smem:$0x3FFB];
	_ =	sdelay $0x3  }
0x92: {  	_ =	strace s18  }
0x93: {  	s3 =	sld [smem:$0x3FFC];
	_ =	sdelay $0x3  }
0x94: {  	_ =	strace s3  }
0x95: {  	s3 =	sld [smem:$0x3FFD];
	_ =	sdelay $0x3  }
0x96: {  	_ =	strace s3  }
0x97: {  	_ =	strace $0x8FFFFFFF  }
0x98: {  	s19 =	sld [smem:$0x3FDB];
	_ =	sdelay $0x1  }
0x99: {  	s4 =	simm.s32 $_scs_section_size  }
0x9a: {  	s5 =	simm.s32 $_size__tile_overlayer_lowered;
	s6 =	simm.s32 $_tile_overlayer_lowered  }
0x9b: {  	s22 =	simm.s32 $0x1BFF;
	s21 =	sshll.u32 s6, $0x1;
	s3 =	sadd.s32 s4, s19  }
0x9c: {  	s7 =	simm.s32 $0x0;
	s20 =	sshll.u32 s5, $0x1;
	s5 =	sadd.s32 s21, s3  }
0x9d: {  	[timem:s7], [sflag:s22] =	dma.local [hbm:s5], s20  }
0x9e: {  	_ =	swait.ge [sflag:s22], s20  }
0x9f: {  	s4 =	ssub.s32 $0x0, s20;
	[sflag:s22] =	ssyncset.done $0x0  }
0xa0: {  	[sflag:s22] =	ssyncadd.s32 s4;
	_ =	sdelay $0x1  }
0xa1: {  	s23 =	simm.s32 $0x1B8B  }
0xa2: {  	_ =	swait.ge [sflag:s23], $0x1  }
0xa3: {  	[sflag:s23] =	ssyncset.done $0x0  }
0xa4: {  	s25 =	simm.s32 $0x1B8E;
	s24 =	sld [smem:$0x3FFE];
	[sflag:s23] =	ssyncadd.s32 $0xFFFFFFFF  }
0xa5: {  	s26 =	simm.s32 $execute0_lowered;
	[smem:$0x3FD2] =	sst s25  }
0xa6: {  	s5 =	sshll.u32 s26, $0x1;
	_ =	strace $0x80000046;
	[dreg:$0x1] =	wrdreg $0xFFFFFFFF  }
0xa7: {  	s28 =	simm.s32 $_size_execute0_lowered;
	s3 =	sadd.s32 s3, s5;
	[dreg:$0x0] =	wrdreg $0x0  }
0xa8: {  	s5 =	sshll.u32 s28, $0x1;
	[dreg:$0x2] =	wrdreg s3  }
0xa9: {  	[dreg:$0x3] =	wrdreg s5  }
0xaa: {  	[dreg:$0x4] =	wrdreg $0xC0  }
0xab: {  	_ =	task [dreg:s7], $0x5FFFF  }
0xac: {  	[dreg:$0x1] =	wrdreg $0xFFFFFFFF  }
0xad: {  	[dreg:$0x0] =	wrdreg $0x60  }
0xae: {  	[dreg:$0x2] =	wrdreg s24  }
0xaf: {  	[dreg:$0x3] =	wrdreg s2  }
0xb0: {  	[dreg:$0x4] =	wrdreg $0x28800  }
0xb1: {  	[dreg:$0x5] =	wrdreg $0x9  }
0xb2: {  	_ =	task.clear_ibuf [dreg:s7], $0x6FFFF;
	_ =	strace $0x90000046  }
0xb3: {  	s29 =	simm.s32 $0x9;
	_ =	strace $0x80000048  }
0xb4: {  	_ =	swait.ge [sflag:s29], $0x1  }
0xb5: {  	[sflag:s29] =	ssyncadd.s32 $0xFFFFFFFF  }
0xb6: {  	_ =	strace $0x90000048  }
0xb7: {  	_ =	sfence  }
0xb8: {  	s30 =	sld [smem:$0x0];
	_ =	sdelay $0x2  }
0xb9: {  	s31 =	sshll.u32 s1, $0xD;
	s1 =	sshrl.u32 s1, $0x2  }
0xba: {  	s3 =	sand.u32 $0x4000, s31;
	s1 =	sadd.s32 s1, s30  }
0xbb: {  	s0 =	sor.u32 s3, s0;
	s1 =	sshll.u32 s1, $0x11  }
0xbc: {  	s0 =	sor.u32 s1, s0  }
0xbd: {  	s0 =	sadd.s32 $0x8F2B, s0  }
0xbe: {  	[sflag:s0] =	ssyncadd.remote.s32 $0x1  }
0xbf: {  	_ =	sfence.sel $0xFFFF  }
0xc0: {  	[dreg:$0x0] =	wrdreg $0xFFFFFFFF;
	(pc) =	sbr.abs _section_cstart, $3  }
0xc1: {  	[dreg:$0x1] =	wrdreg $0xFFFFFFFF  }
0xc2: {  	_ =	task.clear_ibuf [dreg:s7], $0x2FFFF;
	_ =	strace $0x9FFFFFFF  }
0xc3: {  	(tm) =	ssettm $0x7FFFFFFF  }
tec
execute0_lowered:
.L_overlay_start_1:
0x0: {  	(tag) =	ssettag $0x1  }
0x1: {  	s4 =	rddreg [dreg:$0x0]  }
0x2: {  	s8 =	rddreg [dreg:$0x1]  }
0x3: {  	s0 =	srdreg.scid;
	s2 =	rddreg [dreg:$0x2]  }
0x4: {  	s3 =	simm.s32 $0x0;
	s13 =	simm.s32 $0x80;
	s14 =	simm.s32 $0x100  }
0x5: {  	s15 =	simm.s32 $0x180;
	s16 =	simm.s32 $0x200;
	s17 =	simm.s32 $0x280  }
0x6: {  	s18 =	simm.s32 $0x300;
	s19 =	simm.s32 $0x380;
	s20 =	simm.s32 $0x1  }
0x7: {  	s21 =	simm.s32 $0x0;
	s5 =	sand.u32 $0x1, s0;
	s0 =	stileid.u32  }
0x8: {  	[smem:$0x7FF] =	sst s3;
	s1 =	sshll.u32 s5, $0x4;
	s7 =	smul.u32 $0x280, s0  }
0x9: {  	s29 =	ssub.s32 $0x2, s5;
	s5 =	smul.u32 $0x2800, s5;
	s30 =	sshll.u32 s0, $0x6  }
0xa: {  	s6 =	sor.u32 s0, s1;
	s1 =	rddreg [dreg:$0x3];
	_ =	strace $0x80000047  }
0xb: {  	s11 =	sshrl.u32 s29, $0x1;
	s6 =	smul.u32 $0x500, s6;
	s10 =	sshrl.u32 s7, $0x3  }
0xc: {  	s11 =	ssub.s32 s29, s11;
	s12 =	sadd.s32 s7, s2;
	s7 =	sadd.s32 s7, s5  }
0xd: {  	s10 =	sadd.s32 s10, s4;
	s31 =	sshrl.u32 s7, $0x3;
	s9 =	sadd.s32 s6, s4  }
0xe: {  	s4 =	sadd.s32 $0x15E00, s4;
	s5 =	sadd.s32 $0x16000, s10;
	s6 =	sor.u32 $0x1C02, s30  }
0xf: {  	s8 =	sadd.s32 s8, s31;
	s10 =	sshrl.u32 s12, $0x3;
	s12 =	simm.s32 $0x2800  }
0x10: {  	s7 =	sadd.s32 $0x1E00, s9;
	s9 =	smax.u32 s11, $0x1;
	s11 =	simm.s32 $0x2  }
.LBB2_1:
0x11: {  	[spmem:s10], [sflag:s6] =	dma.local [hbm:s5], $0x50  }
0x12: {  	_ =	swait.ge [sflag:s11], $0x50  }
0x13: {  	[sflag:s11] =	ssyncset.done $0x0  }
0x14: {  	[sflag:s11] =	ssyncadd.s32 $0xFFFFFFB0  }
0x15: {  	[tilespmem:s12], [sflag:$0x2] =	stream.linear.gather [hbm4b:s4+s3], $0x80, $0x38;
	[tilespmem:$0x2B00] =	vst v63  }
0x16: {  	_ =	swait.ge [sflag:s11], $0x80  }
0x17: {  	[sflag:s11] =	ssyncset.done $0x0  }
0x18: {  	[sflag:s11] =	ssyncadd.s32 $0xFFFFFF80  }
0x19: {  	[tilespmem:s3], [sflag:$0x2] =	stream.linear.gather [hbm4b:s7+s3], $0x2800, $0x38;
	[tilespmem:$0x2B00] =	vst v63  }
0x1a: {  	_ =	swait.ge [sflag:s11], $0x2800  }
0x1b: {  	[sflag:s11] =	ssyncset.done $0x0  }
0x1c: {  	[sflag:s11] =	ssyncadd.s32 $0xFFFFD800  }
0x1d: {  	[bflag:$0x0] =	sbarrier.arrive $0xFFFF  }
0x1e: {  	[spmem:s2] =	stream.indirect.scatter.add.f32 [tilespmem:s12], [sflag:$0x1], $0x1, s3, s13, $0xb8;
	[tilespmem:$0x2B00] =	vst v63  }
0x1f: {  	_ = 	snop  }
0x20: {  	[spmem:s2] =	stream.indirect.scatter.add.f32 [tilespmem:s12], [sflag:$0x1], $0x1, s13, s13, $0xb8;
	[tilespmem:$0x2B00] =	vst v63  }
0x21: {  	_ = 	snop  }
0x22: {  	[spmem:s2] =	stream.indirect.scatter.add.f32 [tilespmem:s12], [sflag:$0x1], $0x1, s14, s13, $0xb8;
	[tilespmem:$0x2B00] =	vst v63  }
0x23: {  	_ = 	snop  }
0x24: {  	[spmem:s2] =	stream.indirect.scatter.add.f32 [tilespmem:s12], [sflag:$0x1], $0x1, s15, s13, $0xb8;
	[tilespmem:$0x2B00] =	vst v63  }
0x25: {  	_ = 	snop  }
0x26: {  	[spmem:s2] =	stream.indirect.scatter.add.f32 [tilespmem:s12], [sflag:$0x1], $0x1, s16, s13, $0xb8;
	[tilespmem:$0x2B00] =	vst v63  }
0x27: {  	_ = 	snop  }
0x28: {  	[spmem:s2] =	stream.indirect.scatter.add.f32 [tilespmem:s12], [sflag:$0x1], $0x1, s17, s13, $0xb8;
	[tilespmem:$0x2B00] =	vst v63  }
0x29: {  	_ = 	snop  }
0x2a: {  	[spmem:s2] =	stream.indirect.scatter.add.f32 [tilespmem:s12], [sflag:$0x1], $0x1, s18, s13, $0xb8;
	[tilespmem:$0x2B00] =	vst v63  }
0x2b: {  	_ = 	snop  }
0x2c: {  	[spmem:s2] =	stream.indirect.scatter.add.f32 [tilespmem:s12], [sflag:$0x1], $0x1, s19, s13, $0xb8;
	[tilespmem:$0x2B00] =	vst v63  }
0x2d: {  	_ =	swait.ge [sflag:s20], $0x80  }
0x2e: {  	[sflag:s20] =	ssyncset.done $0x0  }
0x2f: {  	s22 =	simm.s32 $0x1200;
	s23 =	simm.s32 $0x400;
	[sflag:s20] =	ssyncadd.s32 $0xFFFFFF80  }
.LBB2_2:
0x30: {  	[spmem:s2] =	stream.indirect.scatter.add.f32 [tilespmem:s12], [sflag:$0x1], $0x1, s23, s13, $0xb8;
	[tilespmem:$0x2B00] =	vst v63  }
0x31: {  	s23 =	smov.u32 s22;
	p0 =	sne.s32 s22, $0x9E00  }
.Ltmp0:
0x32: {  	s22 =	sadd.s32 $0x200, s22;
	(pc) =	sbr.rel @p0 .LBB2_2-.Ltmp0, $4  }
0x33: {  	_ = 	snop  }
0x34: {  	_ =	swait.ge [sflag:s20], $0x80  }
0x35: {  	[sflag:s20] =	ssyncset.done $0x0  }
0x36: {  	s23 =	sshra.s32 s23, $0x2;
	[sflag:s20] =	ssyncadd.s32 $0xFFFFFF80  }
0x37: {  	[spmem:s2] =	stream.indirect.scatter.add.f32 [tilespmem:s12], [sflag:$0x1], $0x1, s23, s13, $0xb8;
	[tilespmem:$0x2B00] =	vst v63  }
0x38: {  	_ =	swait.ge [sflag:s20], $0x80  }
0x39: {  	[sflag:s20] =	ssyncset.done $0x0  }
0x3a: {  	[sflag:s20] =	ssyncadd.s32 $0xFFFFFF80  }
0x3b: {  	_ =	swait.ge [sflag:s20], $0x80  }
0x3c: {  	[sflag:s20] =	ssyncset.done $0x0  }
0x3d: {  	[sflag:s20] =	ssyncadd.s32 $0xFFFFFF80  }
0x3e: {  	_ =	swait.ge [sflag:s20], $0x80  }
0x3f: {  	[sflag:s20] =	ssyncset.done $0x0  }
0x40: {  	[sflag:s20] =	ssyncadd.s32 $0xFFFFFF80  }
0x41: {  	_ =	swait.ge [sflag:s20], $0x80  }
0x42: {  	[sflag:s20] =	ssyncset.done $0x0  }
0x43: {  	[sflag:s20] =	ssyncadd.s32 $0xFFFFFF80  }
0x44: {  	_ =	swait.ge [sflag:s20], $0x80  }
0x45: {  	[sflag:s20] =	ssyncset.done $0x0  }
0x46: {  	[sflag:s20] =	ssyncadd.s32 $0xFFFFFF80  }
0x47: {  	_ =	swait.ge [sflag:s20], $0x80  }
0x48: {  	[sflag:s20] =	ssyncset.done $0x0  }
0x49: {  	[sflag:s20] =	ssyncadd.s32 $0xFFFFFF80  }
0x4a: {  	_ =	swait.ge [sflag:s20], $0x80  }
0x4b: {  	[sflag:s20] =	ssyncset.done $0x0  }
0x4c: {  	[sflag:s20] =	ssyncadd.s32 $0xFFFFFF80  }
0x4d: {  	_ =	swait.ge [sflag:s20], $0x80  }
0x4e: {  	s21 =	sadd.s32 $0x1, s21;
	[sflag:s20] =	ssyncset.done $0x0  }
0x4f: {  	p0 =	sne.s32 s21, s9;
	[sflag:s20] =	ssyncadd.s32 $0xFFFFFF80  }
.Ltmp1:
0x50: {  	[bflag:$0x0] =	sbarrier.arrive $0xFFFF;
	(pc) =	sbr.rel @p0 .LBB2_1-.Ltmp1, $4  }
0x51: {  	[hbm:s8], [sflag:s6] =	dma.local [spmem:s10], $0x50  }
0x52: {  	_ =	swait.ge [sflag:s11], $0x50  }
0x53: {  	[sflag:s11] =	ssyncset.done $0x0  }
0x54: {  	[sflag:s11] =	ssyncadd.s32 $0xFFFFFFB0  }
0x55: {  	_ =	sfence.sel $0x180000  }
0x56: {  	[bflag:$0x0] =	sbarrier.arrive $0xFFFF  }
0x57: {  	p0 =	sne.s32 s0, $0x0;
	_ =	strace $0x90000047  }
0x58: {  	s0 =	sadd.s32 @!p0 $0x100000, s1;
	[bflag:$0x2] =	sbarrier.arrive $0xFFFF  }
0x59: {  	[sflag:s0] =	ssyncadd.tile.s32 @!p0 $0x1;
	_ =	shalt  }
.Lfunc_end2:
_tile_overlayer_lowered:
.L_overlay_start_2:
0x5a: {  	(tag) =	ssettag $0x2  }
0x5b: {  	s0 =	rddreg [dreg:$0x0];
	s2 =	stileid.u32  }
0x5c: {  	s1 =	rddreg [dreg:$0x1];
	p0 =	sne.s32 s2, $0x0  }
0x5d: {  	s3 =	rddreg [dreg:$0x2];
	[bflag:$0x3] =	sbarrier.arrive $0xFFFF;
	s2 =	simm.s32 @!p0 $0x1C02  }
0x5e: {  	[timem:s3], [sflag:s2] =	dma.local @!p0 [hbm:s0], s1  }
0x5f: {  	s0 =	simm.s32 @!p0 $0x2  }
0x60: {  	_ =	swait.ge @!p0 [sflag:s0], s1  }
0x61: {  	s1 =	ssub.s32 @!p0 $0x0, s1;
	[sflag:s0] =	ssyncset.done @!p0 $0x0  }
0x62: {  	[sflag:s0] =	ssyncadd.s32 @!p0 s1  }
0x63: {  	[bflag:$0x3] =	sbarrier.arrive $0xFFFF  }
0x64: {  	_ =	shalt  }

</sc_bundles>
